<compile_context>
chip_gen: v7x
topology: tpu7x:2x2x1
jax: 0.10.2.dev20260603
libtpu: 0.0.44.dev20260713+nightly
codegen_flags: <defaults>
</compile_context>

<pallas_src>
import jax
import jax.numpy as jnp
from jax import lax
from jax.experimental import pallas as pl
from jax.experimental.pallas import tpu as pltpu
from jax.experimental.pallas import tpu_sc as plsc

_IN_WALL = 1
_IN_PATH = 2
_IN_SOURCE = 3
_IN_TARGET = 4
_IN_NEWLINE = 5
_OUT_IGNORE = 1
_OUT_NEWLINE = 3

_W = 64
_H = 64
_ROW = _W * (_H + 1)
_NPIX = _W * _H
_NWORKERS = 32
_CC = 128
_GR = 8


def _s32(v):
    v &= 0xFFFFFFFF
    return v - (1 << 32) if v >= (1 << 31) else v


_ONE = 0x3F800000
_C_PATH = _s32((_ONE << 2) + (_ONE << 1) + _ONE)
_C_SOURCE = _s32(_ONE << 2)
_C_TARGET = _s32(_ONE << 1)


def _sc_body(x_hbm, out_hbm, xb0, xb1, ov, sem_in, sem_out):
    B = x_hbm.shape[1]
    ncol = B // _CC
    nunit_total = (_W // _GR) * ncol
    upw = nunit_total // _NWORKERS
    npass = upw * _GR
    xb = (xb0, xb1)
    wid = lax.axis_index("s") * 2 + lax.axis_index("c")

    def pass_gcp(q):
        u = wid * upw + (q >> 3)
        g = u >> 5
        col = (u & (ncol - 1)) * _CC
        p = q & 7
        return g, col, p

    def in_copies(q, s):
        g, col, p = pass_gcp(q)
        w = g * _GR + p
        return [
            pltpu.make_async_copy(
                x_hbm.at[pl.ds(ch * _NPIX + w * _H, _H), pl.ds(col, _CC)],
                xb[s].at[ch],
                sem_in.at[s],
            )
            for ch in range(3)
        ]

    def flush_copy(q, last):
        g, col, p = pass_gcp(q)
        ntr = 9 if last else 8
        return pltpu.make_async_copy(
            ov.at[pl.ds(p * 8, ntr)],
            out_hbm.at[pl.ds(g * 65 + p * 8, ntr), :, pl.ds(col, _CC)],
            sem_out,
        )

    def issue_flush(q):
        g, col, p = pass_gcp(q)

        @pl.when(p < 7)
        def _():
            flush_copy(q, False).start()

        @pl.when(p == 7)
        def _():
            flush_copy(q, True).start()

    def wait_flush(q):
        g, col, p = pass_gcp(q)

        @pl.when(p < 7)
        def _():
            flush_copy(q, False).wait()

        @pl.when(p == 7)
        def _():
            flush_copy(q, True).wait()

    lane = lax.iota(jnp.int32, 16)
    lut = jnp.where(
        lane == 0,
        _IN_WALL,
        jnp.where(lane == 7, _IN_PATH, jnp.minimum(lane + 2, _IN_NEWLINE)),
    )

    fives = jnp.full((16,), _IN_NEWLINE, jnp.int32)
    for p in range(_GR):
        lj = p * 65 + _H
        for l in range(_CC // 16):
            ov[lj >> 3, lj & 7, pl.ds(l * 16, 16)] = fives

    for s in range(2):
        for c in in_copies(s, s):
            c.start()

    @pl.loop(0, npass, step=2)
    def _(q0):
        for s in range(2):
            q = q0 + s
            for c in in_copies(q, s):
                c.wait()

            @pl.when(q >= _GR)
            def _(q=q):
                wait_flush(q - _GR)

            g, col, p = pass_gcp(q)
            base = p * 65

            @plsc.parallel_loop(0, _H * _CC // 16, unroll=16)
            def _(t, s=s, base=base):
                h = t >> 3
                off = (t & 7) * 16
                lj = base + h
                r = xb[s][0, h, pl.ds(off, 16)]
                g_ = xb[s][1, h, pl.ds(off, 16)]
                bl = xb[s][2, h, pl.ds(off, 16)]
                code = (r + (g_ + g_) + (bl + bl) + (bl + bl)).astype(jnp.int32)
                tok = lax.gather(
                    lut,
                    code[:, None],
                    dimension_numbers=lax.GatherDimensionNumbers(
                        offset_dims=(),
                        collapsed_slice_dims=(0,),
                        start_index_map=(0,),
                    ),
                    slice_sizes=(1,),
                    mode=lax.GatherScatterMode.PROMISE_IN_BOUNDS,
                )
                ov[lj >> 3, lj & 7, pl.ds(off, 16)] = tok

            issue_flush(q)

            @pl.when(q + 2 < npass)
            def _(q=q, s=s):
                for c in in_copies(q + 2, s):
                    c.start()

    for p in range(_GR):
        flush_copy(npass - _GR + p, p == 7).wait()


def _tc_lbl_body(y_ref, o_ref):
    for wl in range(8):
        o_ref[pl.ds(wl * (_H + 1), _H), :] = y_ref[pl.ds(wl * _H, _H), :] + _OUT_IGNORE
        o_ref[pl.ds(wl * (_H + 1) + _H, 1), :] = jnp.full(
            (1, o_ref.shape[1]), _OUT_NEWLINE, jnp.int32
        )


def kernel(x, y):
    B, C, W, H = x.shape
    xt = x.transpose(1, 2, 3, 0).reshape(C * W * H, B)
    yt = y.transpose(1, 2, 0).reshape(W * H, B)

    mesh = plsc.VectorSubcoreMesh(
        core_axis_name="c", subcore_axis_name="s", num_cores=2, num_subcores=16
    )
    sc_run = pl.kernel(
        _sc_body,
        out_type=jax.ShapeDtypeStruct((_ROW // 8, 8, B), jnp.int32),
        mesh=mesh,
        scratch_types=(
            pltpu.VMEM((3, _H, _CC), jnp.float32),
            pltpu.VMEM((3, _H, _CC), jnp.float32),
            pltpu.VMEM((65, 8, _CC), jnp.int32),
            pltpu.SemaphoreType.DMA((2,)),
            pltpu.SemaphoreType.DMA,
        ),
    )
    in_t = sc_run(xt)

    cb = 1024
    lbl_t = pl.pallas_call(
        _tc_lbl_body,
        out_shape=jax.ShapeDtypeStruct((_ROW, B), jnp.int32),
        grid=(8, B // cb),
        in_specs=[pl.BlockSpec((8 * _H, cb), lambda i, j: (i, j))],
        out_specs=pl.BlockSpec((8 * (_H + 1), cb), lambda i, j: (i, j)),
    )(yt)

    input_grid = in_t.reshape(_ROW, B).T
    output_grid = lbl_t.T
    return (input_grid, output_grid)

# --- scband reference (transcript-rebuilt; emitter-appended) ---
"""Pipeline reference for scband-maze-tokenizer-35820027249023 (READ-ONLY COPY).

The authoritative reference and input builder live on the scoring server;
editing this copy changes nothing except your own understanding.
"""

import jax, jax.numpy as jnp
import numpy as np

# InputTokens
IN_PAD = 0
IN_WALL = 1
IN_PATH = 2
IN_SOURCE_POS = 3
IN_TARGET_POS = 4
IN_NEW_LINE = 5
# OutputTokens
OUT_PAD = 0
OUT_IGNORE = 1
OUT_ROUTE = 2
OUT_NEW_LINE = 3


def setup_inputs(seed: int = 0) -> dict:
    key = jax.random.key(seed)
    k1, k2 = jax.random.split(key)
    B, C, W, H = 4096, 3, 64, 64
    # binary RGB maze images: values in {0, 1}
    x = jax.random.randint(k1, (B, C, W, H), 0, 2).astype(jnp.float32)
    # binary route labels: values in {0, 1}
    y = jax.random.randint(k2, (B, W, H), 0, 2).astype(jnp.int32)
    return {"x": x, "y": y}


def reference(x, y):
    assert x.ndim == 4
    B, C, W, H = x.shape
    assert C == 3
    r, g, b = x[:, 0, :, :], x[:, 1, :, :], x[:, 2, :, :]
    wall_mask = (r == 0) & (g == 0) & (b == 0)
    path_mask = (r == 1) & (g == 1) & (b == 1)
    start_mask = (r == 1) & (g == 0) & (b == 0)
    end_mask = (r == 0) & (g == 1) & (b == 0)

    # input grid: [B, W, H+1] filled with NEW_LINE, masked scatter-overwrite
    input_grid = jnp.full((B, W, H + 1), IN_NEW_LINE, dtype=jnp.int32)
    inner = input_grid[:, :, :H]
    inner = jnp.where(wall_mask, IN_WALL, inner)
    inner = jnp.where(path_mask, IN_PATH, inner)
    inner = jnp.where(start_mask, IN_SOURCE_POS, inner)
    inner = jnp.where(end_mask, IN_TARGET_POS, inner)
    input_grid = input_grid.at[:, :, :H].set(inner)

    if y is not None:
        assert y.ndim == 3
        B_out, W_out, H_out = y.shape
        assert B_out == B and W_out == W and H_out == H
        output_grid = jnp.full((B, W, H + 1), OUT_NEW_LINE, dtype=jnp.int32)
        out_inner = output_grid[:, :, :H]
        out_inner = jnp.where(y == 0, OUT_IGNORE, out_inner)
        out_inner = jnp.where(y == 1, OUT_ROUTE, out_inner)
        output_grid = output_grid.at[:, :, :H].set(out_inner)
        output_grid = output_grid.reshape(B, -1)
    else:
        output_grid = None

    return (input_grid.reshape(B, -1), output_grid)

if __name__ == "__main__":
    import jax
    _d = setup_inputs()
    print(jax.jit(kernel)(*tuple(_d.values())))

</pallas_src>

<mosaic_0001>
#map = affine_map<(d0, d1) -> (0, 0)>
#map1 = affine_map<(d0, d1) -> (0, 0, 0)>
module attributes {stable_mosaic.version = 14 : i64} {
  func.func @_sc_body(%arg0: i32, %arg1: i32, %arg2: memref<12288x4096xf32, #tpu.memory_space<hbm>>, %arg3: memref<520x8x4096xi32, #tpu.memory_space<hbm>>, %arg4: memref<3x64x128xf32, #tpu.memory_space<vmem>>, %arg5: memref<3x64x128xf32, #tpu.memory_space<vmem>>, %arg6: memref<65x8x128xi32, #tpu.memory_space<vmem>>, %arg7: memref<2x!tpu.dma_semaphore, #tpu.memory_space<semaphore_mem>>, %arg8: memref<!tpu.dma_semaphore, #tpu.memory_space<semaphore_mem>>) attributes {dimension_semantics = [#tpu.dimension_semantics<core_parallel>, #tpu.dimension_semantics<subcore_parallel>], iteration_bounds = array<i64: 2, 16>, scalar_prefetch = 0 : i64, scratch_operands = 5 : i64, tpu.core_type = #tpu.core_type<sc_vector_subcore>, window_params = [{transform_indices = #map}, {transform_indices = #map1}]} {
    %mul3A = arith.constant 2 : i32
    %mul3A_0 = arith.muli %arg1, %mul3A : i32
    %add3A = arith.addi %mul3A_0, %arg0 : i32
    %iota3A = tpu.iota {dimensions = array<i32: 0>} : vector<16xi32>
    %eq3A = arith.constant 0 : i32
    %eq3A_1 = vector.broadcast %eq3A : i32 to vector<16xi32>
    %eq3A_2 = arith.cmpi eq, %iota3A, %eq3A_1 : vector<16xi32>
    %eq3A_3 = arith.constant 7 : i32
    %eq3A_4 = vector.broadcast %eq3A_3 : i32 to vector<16xi32>
    %eq3A_5 = arith.cmpi eq, %iota3A, %eq3A_4 : vector<16xi32>
    %add3A_6 = arith.constant 2 : i32
    %add3A_7 = vector.broadcast %add3A_6 : i32 to vector<16xi32>
    %add3A_8 = arith.addi %iota3A, %add3A_7 : vector<16xi32>
    %min3A = arith.constant 5 : i32
    %min3A_9 = vector.broadcast %min3A : i32 to vector<16xi32>
    %min3A_10 = arith.minsi %add3A_8, %min3A_9 : vector<16xi32>
    %jit3A = arith.constant 2 : i32
    %broadcast_in_dim3A = vector.broadcast %jit3A : i32 to vector<16xi32>
    %select_n3A = arith.select %eq3A_5, %broadcast_in_dim3A, %min3A_10 : vector<16xi1>, vector<16xi32>
    %jit3A_11 = arith.constant 1 : i32
    %broadcast_in_dim3A_12 = vector.broadcast %jit3A_11 : i32 to vector<16xi32>
    %select_n3A_13 = arith.select %eq3A_2, %broadcast_in_dim3A_12, %select_n3A : vector<16xi1>, vector<16xi32>
    %broadcast_in_dim3A_14 = arith.constant 5 : i32
    %broadcast_in_dim3A_15 = vector.broadcast %broadcast_in_dim3A_14 : i32 to vector<16xi32>
    %swap3A = arith.constant 8 : i32
    %swap3A_16 = arith.constant 0 : i32
    %swap3A_17 = arith.index_cast %swap3A : i32 to index
    %swap3A_18 = arith.index_cast %swap3A_16 : i32 to index
    %swap3A_19 = arith.constant 0 : index
    %swap3A_20 = tpu.vector_load %arg6[%swap3A_17, %swap3A_18, %swap3A_19] {strides = array<i32>} : memref<65x8x128xi32, #tpu.memory_space<vmem>>, vector<1x1x16xi32>,
    %swap3A_21 = vector.shape_cast %swap3A_20 : vector<1x1x16xi32> to vector<16xi32>
    %swap3A_22 = vector.shape_cast %broadcast_in_dim3A_15 : vector<16xi32> to vector<1x1x16xi32>
    tpu.vector_store %arg6[%swap3A_17, %swap3A_18, %swap3A_19], %swap3A_22 {strides = array<i32>} : memref<65x8x128xi32, #tpu.memory_space<vmem>>, vector<1x1x16xi32>,
    %swap3A_23 = arith.constant 8 : i32
    %swap3A_24 = arith.constant 0 : i32
    %swap3A_25 = arith.index_cast %swap3A_23 : i32 to index
    %swap3A_26 = arith.index_cast %swap3A_24 : i32 to index
    %swap3A_27 = arith.constant 16 : index
    %swap3A_28 = tpu.vector_load %arg6[%swap3A_25, %swap3A_26, %swap3A_27] {strides = array<i32>} : memref<65x8x128xi32, #tpu.memory_space<vmem>>, vector<1x1x16xi32>,
    %swap3A_29 = vector.shape_cast %swap3A_28 : vector<1x1x16xi32> to vector<16xi32>
    %swap3A_30 = vector.shape_cast %broadcast_in_dim3A_15 : vector<16xi32> to vector<1x1x16xi32>
    tpu.vector_store %arg6[%swap3A_25, %swap3A_26, %swap3A_27], %swap3A_30 {strides = array<i32>} : memref<65x8x128xi32, #tpu.memory_space<vmem>>, vector<1x1x16xi32>,
    %swap3A_31 = arith.constant 8 : i32
    %swap3A_32 = arith.constant 0 : i32
    %swap3A_33 = arith.index_cast %swap3A_31 : i32 to index
    %swap3A_34 = arith.index_cast %swap3A_32 : i32 to index
    %swap3A_35 = arith.constant 32 : index
    %swap3A_36 = tpu.vector_load %arg6[%swap3A_33, %swap3A_34, %swap3A_35] {strides = array<i32>} : memref<65x8x128xi32, #tpu.memory_space<vmem>>, vector<1x1x16xi32>,
    %swap3A_37 = vector.shape_cast %swap3A_36 : vector<1x1x16xi32> to vector<16xi32>
    %swap3A_38 = vector.shape_cast %broadcast_in_dim3A_15 : vector<16xi32> to vector<1x1x16xi32>
    tpu.vector_store %arg6[%swap3A_33, %swap3A_34, %swap3A_35], %swap3A_38 {strides = array<i32>} : memref<65x8x128xi32, #tpu.memory_space<vmem>>, vector<1x1x16xi32>,
    %swap3A_39 = arith.constant 8 : i32
    %swap3A_40 = arith.constant 0 : i32
    %swap3A_41 = arith.index_cast %swap3A_39 : i32 to index
    %swap3A_42 = arith.index_cast %swap3A_40 : i32 to index
    %swap3A_43 = arith.constant 48 : index
    %swap3A_44 = tpu.vector_load %arg6[%swap3A_41, %swap3A_42, %swap3A_43] {strides = array<i32>} : memref<65x8x128xi32, #tpu.memory_space<vmem>>, vector<1x1x16xi32>,
    %swap3A_45 = vector.shape_cast %swap3A_44 : vector<1x1x16xi32> to vector<16xi32>
    %swap3A_46 = vector.shape_cast %broadcast_in_dim3A_15 : vector<16xi32> to vector<1x1x16xi32>
    tpu.vector_store %arg6[%swap3A_41, %swap3A_42, %swap3A_43], %swap3A_46 {strides = array<i32>} : memref<65x8x128xi32, #tpu.memory_space<vmem>>, vector<1x1x16xi32>,
    %swap3A_47 = arith.constant 8 : i32
    %swap3A_48 = arith.constant 0 : i32
    %swap3A_49 = arith.index_cast %swap3A_47 : i32 to index
    %swap3A_50 = arith.index_cast %swap3A_48 : i32 to index
    %swap3A_51 = arith.constant 64 : index
    %swap3A_52 = tpu.vector_load %arg6[%swap3A_49, %swap3A_50, %swap3A_51] {strides = array<i32>} : memref<65x8x128xi32, #tpu.memory_space<vmem>>, vector<1x1x16xi32>,
    %swap3A_53 = vector.shape_cast %swap3A_52 : vector<1x1x16xi32> to vector<16xi32>
    %swap3A_54 = vector.shape_cast %broadcast_in_dim3A_15 : vector<16xi32> to vector<1x1x16xi32>
    tpu.vector_store %arg6[%swap3A_49, %swap3A_50, %swap3A_51], %swap3A_54 {strides = array<i32>} : memref<65x8x128xi32, #tpu.memory_space<vmem>>, vector<1x1x16xi32>,
    %swap3A_55 = arith.constant 8 : i32
    %swap3A_56 = arith.constant 0 : i32
    %swap3A_57 = arith.index_cast %swap3A_55 : i32 to index
    %swap3A_58 = arith.index_cast %swap3A_56 : i32 to index
    %swap3A_59 = arith.constant 80 : index
    %swap3A_60 = tpu.vector_load %arg6[%swap3A_57, %swap3A_58, %swap3A_59] {strides = array<i32>} : memref<65x8x128xi32, #tpu.memory_space<vmem>>, vector<1x1x16xi32>,
    %swap3A_61 = vector.shape_cast %swap3A_60 : vector<1x1x16xi32> to vector<16xi32>
    %swap3A_62 = vector.shape_cast %broadcast_in_dim3A_15 : vector<16xi32> to vector<1x1x16xi32>
    tpu.vector_store %arg6[%swap3A_57, %swap3A_58, %swap3A_59], %swap3A_62 {strides = array<i32>} : memref<65x8x128xi32, #tpu.memory_space<vmem>>, vector<1x1x16xi32>,
    %swap3A_63 = arith.constant 8 : i32
    %swap3A_64 = arith.constant 0 : i32
    %swap3A_65 = arith.index_cast %swap3A_63 : i32 to index
    %swap3A_66 = arith.index_cast %swap3A_64 : i32 to index
    %swap3A_67 = arith.constant 96 : index
    %swap3A_68 = tpu.vector_load %arg6[%swap3A_65, %swap3A_66, %swap3A_67] {strides = array<i32>} : memref<65x8x128xi32, #tpu.memory_space<vmem>>, vector<1x1x16xi32>,
    %swap3A_69 = vector.shape_cast %swap3A_68 : vector<1x1x16xi32> to vector<16xi32>
    %swap3A_70 = vector.shape_cast %broadcast_in_dim3A_15 : vector<16xi32> to vector<1x1x16xi32>
    tpu.vector_store %arg6[%swap3A_65, %swap3A_66, %swap3A_67], %swap3A_70 {strides = array<i32>} : memref<65x8x128xi32, #tpu.memory_space<vmem>>, vector<1x1x16xi32>,
    %swap3A_71 = arith.constant 8 : i32
    %swap3A_72 = arith.constant 0 : i32
    %swap3A_73 = arith.index_cast %swap3A_71 : i32 to index
    %swap3A_74 = arith.index_cast %swap3A_72 : i32 to index
    %swap3A_75 = arith.constant 112 : index
    %swap3A_76 = tpu.vector_load %arg6[%swap3A_73, %swap3A_74, %swap3A_75] {strides = array<i32>} : memref<65x8x128xi32, #tpu.memory_space<vmem>>, vector<1x1x16xi32>,
    %swap3A_77 = vector.shape_cast %swap3A_76 : vector<1x1x16xi32> to vector<16xi32>
    %swap3A_78 = vector.shape_cast %broadcast_in_dim3A_15 : vector<16xi32> to vector<1x1x16xi32>
    tpu.vector_store %arg6[%swap3A_73, %swap3A_74, %swap3A_75], %swap3A_78 {strides = array<i32>} : memref<65x8x128xi32, #tpu.memory_space<vmem>>, vector<1x1x16xi32>,
    %swap3A_79 = arith.constant 16 : i32
    %swap3A_80 = arith.constant 1 : i32
    %swap3A_81 = arith.index_cast %swap3A_79 : i32 to index
    %swap3A_82 = arith.index_cast %swap3A_80 : i32 to index
    %swap3A_83 = arith.constant 0 : index
    %swap3A_84 = tpu.vector_load %arg6[%swap3A_81, %swap3A_82, %swap3A_83] {strides = array<i32>} : memref<65x8x128xi32, #tpu.memory_space<vmem>>, vector<1x1x16xi32>,
    %swap3A_85 = vector.shape_cast %swap3A_84 : vector<1x1x16xi32> to vector<16xi32>
    %swap3A_86 = vector.shape_cast %broadcast_in_dim3A_15 : vector<16xi32> to vector<1x1x16xi32>
    tpu.vector_store %arg6[%swap3A_81, %swap3A_82, %swap3A_83], %swap3A_86 {strides = array<i32>} : memref<65x8x128xi32, #tpu.memory_space<vmem>>, vector<1x1x16xi32>,
    %swap3A_87 = arith.constant 16 : i32
    %swap3A_88 = arith.constant 1 : i32
    %swap3A_89 = arith.index_cast %swap3A_87 : i32 to index
    %swap3A_90 = arith.index_cast %swap3A_88 : i32 to index
    %swap3A_91 = arith.constant 16 : index
    %swap3A_92 = tpu.vector_load %arg6[%swap3A_89, %swap3A_90, %swap3A_91] {strides = array<i32>} : memref<65x8x128xi32, #tpu.memory_space<vmem>>, vector<1x1x16xi32>,
    %swap3A_93 = vector.shape_cast %swap3A_92 : vector<1x1x16xi32> to vector<16xi32>
    %swap3A_94 = vector.shape_cast %broadcast_in_dim3A_15 : vector<16xi32> to vector<1x1x16xi32>
    tpu.vector_store %arg6[%swap3A_89, %swap3A_90, %swap3A_91], %swap3A_94 {strides = array<i32>} : memref<65x8x128xi32, #tpu.memory_space<vmem>>, vector<1x1x16xi32>,
    %swap3A_95 = arith.constant 16 : i32
    %swap3A_96 = arith.constant 1 : i32
    %swap3A_97 = arith.index_cast %swap3A_95 : i32 to index
    %swap3A_98 = arith.index_cast %swap3A_96 : i32 to index
    %swap3A_99 = arith.constant 32 : index
    %swap3A_100 = tpu.vector_load %arg6[%swap3A_97, %swap3A_98, %swap3A_99] {strides = array<i32>} : memref<65x8x128xi32, #tpu.memory_space<vmem>>, vector<1x1x16xi32>,
    %swap3A_101 = vector.shape_cast %swap3A_100 : vector<1x1x16xi32> to vector<16xi32>
    %swap3A_102 = vector.shape_cast %broadcast_in_dim3A_15 : vector<16xi32> to vector<1x1x16xi32>
    tpu.vector_store %arg6[%swap3A_97, %swap3A_98, %swap3A_99], %swap3A_102 {strides = array<i32>} : memref<65x8x128xi32, #tpu.memory_space<vmem>>, vector<1x1x16xi32>,
    %swap3A_103 = arith.constant 16 : i32
    %swap3A_104 = arith.constant 1 : i32
    %swap3A_105 = arith.index_cast %swap3A_103 : i32 to index
    %swap3A_106 = arith.index_cast %swap3A_104 : i32 to index
    %swap3A_107 = arith.constant 48 : index
    %swap3A_108 = tpu.vector_load %arg6[%swap3A_105, %swap3A_106, %swap3A_107] {strides = array<i32>} : memref<65x8x128xi32, #tpu.memory_space<vmem>>, vector<1x1x16xi32>,
    %swap3A_109 = vector.shape_cast %swap3A_108 : vector<1x1x16xi32> to vector<16xi32>
    %swap3A_110 = vector.shape_cast %broadcast_in_dim3A_15 : vector<16xi32> to vector<1x1x16xi32>
    tpu.vector_store %arg6[%swap3A_105, %swap3A_106, %swap3A_107], %swap3A_110 {strides = array<i32>} : memref<65x8x128xi32, #tpu.memory_space<vmem>>, vector<1x1x16xi32>,
    %swap3A_111 = arith.constant 16 : i32
    %swap3A_112 = arith.constant 1 : i32
    %swap3A_113 = arith.index_cast %swap3A_111 : i32 to index
    %swap3A_114 = arith.index_cast %swap3A_112 : i32 to index
    %swap3A_115 = arith.constant 64 : index
    %swap3A_116 = tpu.vector_load %arg6[%swap3A_113, %swap3A_114, %swap3A_115] {strides = array<i32>} : memref<65x8x128xi32, #tpu.memory_space<vmem>>, vector<1x1x16xi32>,
    %swap3A_117 = vector.shape_cast %swap3A_116 : vector<1x1x16xi32> to vector<16xi32>
    %swap3A_118 = vector.shape_cast %broadcast_in_dim3A_15 : vector<16xi32> to vector<1x1x16xi32>
    tpu.vector_store %arg6[%swap3A_113, %swap3A_114, %swap3A_115], %swap3A_118 {strides = array<i32>} : memref<65x8x128xi32, #tpu.memory_space<vmem>>, vector<1x1x16xi32>,
    %swap3A_119 = arith.constant 16 : i32
    %swap3A_120 = arith.constant 1 : i32
    %swap3A_121 = arith.index_cast %swap3A_119 : i32 to index
    %swap3A_122 = arith.index_cast %swap3A_120 : i32 to index
    %swap3A_123 = arith.constant 80 : index
    %swap3A_124 = tpu.vector_load %arg6[%swap3A_121, %swap3A_122, %swap3A_123] {strides = array<i32>} : memref<65x8x128xi32, #tpu.memory_space<vmem>>, vector<1x1x16xi32>,
    %swap3A_125 = vector.shape_cast %swap3A_124 : vector<1x1x16xi32> to vector<16xi32>
    %swap3A_126 = vector.shape_cast %broadcast_in_dim3A_15 : vector<16xi32> to vector<1x1x16xi32>
    tpu.vector_store %arg6[%swap3A_121, %swap3A_122, %swap3A_123], %swap3A_126 {strides = array<i32>} : memref<65x8x128xi32, #tpu.memory_space<vmem>>, vector<1x1x16xi32>,
    %swap3A_127 = arith.constant 16 : i32
    %swap3A_128 = arith.constant 1 : i32
    %swap3A_129 = arith.index_cast %swap3A_127 : i32 to index
    %swap3A_130 = arith.index_cast %swap3A_128 : i32 to index
    %swap3A_131 = arith.constant 96 : index
    %swap3A_132 = tpu.vector_load %arg6[%swap3A_129, %swap3A_130, %swap3A_131] {strides = array<i32>} : memref<65x8x128xi32, #tpu.memory_space<vmem>>, vector<1x1x16xi32>,
    %swap3A_133 = vector.shape_cast %swap3A_132 : vector<1x1x16xi32> to vector<16xi32>
    %swap3A_134 = vector.shape_cast %broadcast_in_dim3A_15 : vector<16xi32> to vector<1x1x16xi32>
    tpu.vector_store %arg6[%swap3A_129, %swap3A_130, %swap3A_131], %swap3A_134 {strides = array<i32>} : memref<65x8x128xi32, #tpu.memory_space<vmem>>, vector<1x1x16xi32>,
    %swap3A_135 = arith.constant 16 : i32
    %swap3A_136 = arith.constant 1 : i32
    %swap3A_137 = arith.index_cast %swap3A_135 : i32 to index
    %swap3A_138 = arith.index_cast %swap3A_136 : i32 to index
    %swap3A_139 = arith.constant 112 : index
    %swap3A_140 = tpu.vector_load %arg6[%swap3A_137, %swap3A_138, %swap3A_139] {strides = array<i32>} : memref<65x8x128xi32, #tpu.memory_space<vmem>>, vector<1x1x16xi32>,
    %swap3A_141 = vector.shape_cast %swap3A_140 : vector<1x1x16xi32> to vector<16xi32>
    %swap3A_142 = vector.shape_cast %broadcast_in_dim3A_15 : vector<16xi32> to vector<1x1x16xi32>
    tpu.vector_store %arg6[%swap3A_137, %swap3A_138, %swap3A_139], %swap3A_142 {strides = array<i32>} : memref<65x8x128xi32, #tpu.memory_space<vmem>>, vector<1x1x16xi32>,
    %swap3A_143 = arith.constant 24 : i32
    %swap3A_144 = arith.constant 2 : i32
    %swap3A_145 = arith.index_cast %swap3A_143 : i32 to index
    %swap3A_146 = arith.index_cast %swap3A_144 : i32 to index
    %swap3A_147 = arith.constant 0 : index
    %swap3A_148 = tpu.vector_load %arg6[%swap3A_145, %swap3A_146, %swap3A_147] {strides = array<i32>} : memref<65x8x128xi32, #tpu.memory_space<vmem>>, vector<1x1x16xi32>,
    %swap3A_149 = vector.shape_cast %swap3A_148 : vector<1x1x16xi32> to vector<16xi32>
    %swap3A_150 = vector.shape_cast %broadcast_in_dim3A_15 : vector<16xi32> to vector<1x1x16xi32>
    tpu.vector_store %arg6[%swap3A_145, %swap3A_146, %swap3A_147], %swap3A_150 {strides = array<i32>} : memref<65x8x128xi32, #tpu.memory_space<vmem>>, vector<1x1x16xi32>,
    %swap3A_151 = arith.constant 24 : i32
    %swap3A_152 = arith.constant 2 : i32
    %swap3A_153 = arith.index_cast %swap3A_151 : i32 to index
    %swap3A_154 = arith.index_cast %swap3A_152 : i32 to index
    %swap3A_155 = arith.constant 16 : index
    %swap3A_156 = tpu.vector_load %arg6[%swap3A_153, %swap3A_154, %swap3A_155] {strides = array<i32>} : memref<65x8x128xi32, #tpu.memory_space<vmem>>, vector<1x1x16xi32>,
    %swap3A_157 = vector.shape_cast %swap3A_156 : vector<1x1x16xi32> to vector<16xi32>
    %swap3A_158 = vector.shape_cast %broadcast_in_dim3A_15 : vector<16xi32> to vector<1x1x16xi32>
    tpu.vector_store %arg6[%swap3A_153, %swap3A_154, %swap3A_155], %swap3A_158 {strides = array<i32>} : memref<65x8x128xi32, #tpu.memory_space<vmem>>, vector<1x1x16xi32>,
    %swap3A_159 = arith.constant 24 : i32
    %swap3A_160 = arith.constant 2 : i32
    %swap3A_161 = arith.index_cast %swap3A_159 : i32 to index
    %swap3A_162 = arith.index_cast %swap3A_160 : i32 to index
    %swap3A_163 = arith.constant 32 : index
    %swap3A_164 = tpu.vector_load %arg6[%swap3A_161, %swap3A_162, %swap3A_163] {strides = array<i32>} : memref<65x8x128xi32, #tpu.memory_space<vmem>>, vector<1x1x16xi32>,
    %swap3A_165 = vector.shape_cast %swap3A_164 : vector<1x1x16xi32> to vector<16xi32>
    %swap3A_166 = vector.shape_cast %broadcast_in_dim3A_15 : vector<16xi32> to vector<1x1x16xi32>
    tpu.vector_store %arg6[%swap3A_161, %swap3A_162, %swap3A_163], %swap3A_166 {strides = array<i32>} : memref<65x8x128xi32, #tpu.memory_space<vmem>>, vector<1x1x16xi32>,
    %swap3A_167 = arith.constant 24 : i32
    %swap3A_168 = arith.constant 2 : i32
    %swap3A_169 = arith.index_cast %swap3A_167 : i32 to index
    %swap3A_170 = arith.index_cast %swap3A_168 : i32 to index
    %swap3A_171 = arith.constant 48 : index
    %swap3A_172 = tpu.vector_load %arg6[%swap3A_169, %swap3A_170, %swap3A_171] {strides = array<i32>} : memref<65x8x128xi32, #tpu.memory_space<vmem>>, vector<1x1x16xi32>,
    %swap3A_173 = vector.shape_cast %swap3A_172 : vector<1x1x16xi32> to vector<16xi32>
    %swap3A_174 = vector.shape_cast %broadcast_in_dim3A_15 : vector<16xi32> to vector<1x1x16xi32>
    tpu.vector_store %arg6[%swap3A_169, %swap3A_170, %swap3A_171], %swap3A_174 {strides = array<i32>} : memref<65x8x128xi32, #tpu.memory_space<vmem>>, vector<1x1x16xi32>,
    %swap3A_175 = arith.constant 24 : i32
    %swap3A_176 = arith.constant 2 : i32
    %swap3A_177 = arith.index_cast %swap3A_175 : i32 to index
    %swap3A_178 = arith.index_cast %swap3A_176 : i32 to index
    %swap3A_179 = arith.constant 64 : index
    %swap3A_180 = tpu.vector_load %arg6[%swap3A_177, %swap3A_178, %swap3A_179] {strides = array<i32>} : memref<65x8x128xi32, #tpu.memory_space<vmem>>, vector<1x1x16xi32>,
    %swap3A_181 = vector.shape_cast %swap3A_180 : vector<1x1x16xi32> to vector<16xi32>
    %swap3A_182 = vector.shape_cast %broadcast_in_dim3A_15 : vector<16xi32> to vector<1x1x16xi32>
    tpu.vector_store %arg6[%swap3A_177, %swap3A_178, %swap3A_179], %swap3A_182 {strides = array<i32>} : memref<65x8x128xi32, #tpu.memory_space<vmem>>, vector<1x1x16xi32>,
    %swap3A_183 = arith.constant 24 : i32
    %swap3A_184 = arith.constant 2 : i32
    %swap3A_185 = arith.index_cast %swap3A_183 : i32 to index
    %swap3A_186 = arith.index_cast %swap3A_184 : i32 to index
    %swap3A_187 = arith.constant 80 : index
    %swap3A_188 = tpu.vector_load %arg6[%swap3A_185, %swap3A_186, %swap3A_187] {strides = array<i32>} : memref<65x8x128xi32, #tpu.memory_space<vmem>>, vector<1x1x16xi32>,
    %swap3A_189 = vector.shape_cast %swap3A_188 : vector<1x1x16xi32> to vector<16xi32>
    %swap3A_190 = vector.shape_cast %broadcast_in_dim3A_15 : vector<16xi32> to vector<1x1x16xi32>
    tpu.vector_store %arg6[%swap3A_185, %swap3A_186, %swap3A_187], %swap3A_190 {strides = array<i32>} : memref<65x8x128xi32, #tpu.memory_space<vmem>>, vector<1x1x16xi32>,
    %swap3A_191 = arith.constant 24 : i32
    %swap3A_192 = arith.constant 2 : i32
    %swap3A_193 = arith.index_cast %swap3A_191 : i32 to index
    %swap3A_194 = arith.index_cast %swap3A_192 : i32 to index
    %swap3A_195 = arith.constant 96 : index
    %swap3A_196 = tpu.vector_load %arg6[%swap3A_193, %swap3A_194, %swap3A_195] {strides = array<i32>} : memref<65x8x128xi32, #tpu.memory_space<vmem>>, vector<1x1x16xi32>,
    %swap3A_197 = vector.shape_cast %swap3A_196 : vector<1x1x16xi32> to vector<16xi32>
    %swap3A_198 = vector.shape_cast %broadcast_in_dim3A_15 : vector<16xi32> to vector<1x1x16xi32>
    tpu.vector_store %arg6[%swap3A_193, %swap3A_194, %swap3A_195], %swap3A_198 {strides = array<i32>} : memref<65x8x128xi32, #tpu.memory_space<vmem>>, vector<1x1x16xi32>,
    %swap3A_199 = arith.constant 24 : i32
    %swap3A_200 = arith.constant 2 : i32
    %swap3A_201 = arith.index_cast %swap3A_199 : i32 to index
    %swap3A_202 = arith.index_cast %swap3A_200 : i32 to index
    %swap3A_203 = arith.constant 112 : index
    %swap3A_204 = tpu.vector_load %arg6[%swap3A_201, %swap3A_202, %swap3A_203] {strides = array<i32>} : memref<65x8x128xi32, #tpu.memory_space<vmem>>, vector<1x1x16xi32>,
    %swap3A_205 = vector.shape_cast %swap3A_204 : vector<1x1x16xi32> to vector<16xi32>
    %swap3A_206 = vector.shape_cast %broadcast_in_dim3A_15 : vector<16xi32> to vector<1x1x16xi32>
    tpu.vector_store %arg6[%swap3A_201, %swap3A_202, %swap3A_203], %swap3A_206 {strides = array<i32>} : memref<65x8x128xi32, #tpu.memory_space<vmem>>, vector<1x1x16xi32>,
    %swap3A_207 = arith.constant 32 : i32
    %swap3A_208 = arith.constant 3 : i32
    %swap3A_209 = arith.index_cast %swap3A_207 : i32 to index
    %swap3A_210 = arith.index_cast %swap3A_208 : i32 to index
    %swap3A_211 = arith.constant 0 : index
    %swap3A_212 = tpu.vector_load %arg6[%swap3A_209, %swap3A_210, %swap3A_211] {strides = array<i32>} : memref<65x8x128xi32, #tpu.memory_space<vmem>>, vector<1x1x16xi32>,
    %swap3A_213 = vector.shape_cast %swap3A_212 : vector<1x1x16xi32> to vector<16xi32>
    %swap3A_214 = vector.shape_cast %broadcast_in_dim3A_15 : vector<16xi32> to vector<1x1x16xi32>
    tpu.vector_store %arg6[%swap3A_209, %swap3A_210, %swap3A_211], %swap3A_214 {strides = array<i32>} : memref<65x8x128xi32, #tpu.memory_space<vmem>>, vector<1x1x16xi32>,
    %swap3A_215 = arith.constant 32 : i32
    %swap3A_216 = arith.constant 3 : i32
    %swap3A_217 = arith.index_cast %swap3A_215 : i32 to index
    %swap3A_218 = arith.index_cast %swap3A_216 : i32 to index
    %swap3A_219 = arith.constant 16 : index
    %swap3A_220 = tpu.vector_load %arg6[%swap3A_217, %swap3A_218, %swap3A_219] {strides = array<i32>} : memref<65x8x128xi32, #tpu.memory_space<vmem>>, vector<1x1x16xi32>,
    %swap3A_221 = vector.shape_cast %swap3A_220 : vector<1x1x16xi32> to vector<16xi32>
    %swap3A_222 = vector.shape_cast %broadcast_in_dim3A_15 : vector<16xi32> to vector<1x1x16xi32>
    tpu.vector_store %arg6[%swap3A_217, %swap3A_218, %swap3A_219], %swap3A_222 {strides = array<i32>} : memref<65x8x128xi32, #tpu.memory_space<vmem>>, vector<1x1x16xi32>,
    %swap3A_223 = arith.constant 32 : i32
    %swap3A_224 = arith.constant 3 : i32
    %swap3A_225 = arith.index_cast %swap3A_223 : i32 to index
    %swap3A_226 = arith.index_cast %swap3A_224 : i32 to index
    %swap3A_227 = arith.constant 32 : index
    %swap3A_228 = tpu.vector_load %arg6[%swap3A_225, %swap3A_226, %swap3A_227] {strides = array<i32>} : memref<65x8x128xi32, #tpu.memory_space<vmem>>, vector<1x1x16xi32>,
    %swap3A_229 = vector.shape_cast %swap3A_228 : vector<1x1x16xi32> to vector<16xi32>
    %swap3A_230 = vector.shape_cast %broadcast_in_dim3A_15 : vector<16xi32> to vector<1x1x16xi32>
    tpu.vector_store %arg6[%swap3A_225, %swap3A_226, %swap3A_227], %swap3A_230 {strides = array<i32>} : memref<65x8x128xi32, #tpu.memory_space<vmem>>, vector<1x1x16xi32>,
    %swap3A_231 = arith.constant 32 : i32
    %swap3A_232 = arith.constant 3 : i32
    %swap3A_233 = arith.index_cast %swap3A_231 : i32 to index
    %swap3A_234 = arith.index_cast %swap3A_232 : i32 to index
    %swap3A_235 = arith.constant 48 : index
    %swap3A_236 = tpu.vector_load %arg6[%swap3A_233, %swap3A_234, %swap3A_235] {strides = array<i32>} : memref<65x8x128xi32, #tpu.memory_space<vmem>>, vector<1x1x16xi32>,
    %swap3A_237 = vector.shape_cast %swap3A_236 : vector<1x1x16xi32> to vector<16xi32>
    %swap3A_238 = vector.shape_cast %broadcast_in_dim3A_15 : vector<16xi32> to vector<1x1x16xi32>
    tpu.vector_store %arg6[%swap3A_233, %swap3A_234, %swap3A_235], %swap3A_238 {strides = array<i32>} : memref<65x8x128xi32, #tpu.memory_space<vmem>>, vector<1x1x16xi32>,
    %swap3A_239 = arith.constant 32 : i32
    %swap3A_240 = arith.constant 3 : i32
    %swap3A_241 = arith.index_cast %swap3A_239 : i32 to index
    %swap3A_242 = arith.index_cast %swap3A_240 : i32 to index
    %swap3A_243 = arith.constant 64 : index
    %swap3A_244 = tpu.vector_load %arg6[%swap3A_241, %swap3A_242, %swap3A_243] {strides = array<i32>} : memref<65x8x128xi32, #tpu.memory_space<vmem>>, vector<1x1x16xi32>,
    %swap3A_245 = vector.shape_cast %swap3A_244 : vector<1x1x16xi32> to vector<16xi32>
    %swap3A_246 = vector.shape_cast %broadcast_in_dim3A_15 : vector<16xi32> to vector<1x1x16xi32>
    tpu.vector_store %arg6[%swap3A_241, %swap3A_242, %swap3A_243], %swap3A_246 {strides = array<i32>} : memref<65x8x128xi32, #tpu.memory_space<vmem>>, vector<1x1x16xi32>,
    %swap3A_247 = arith.constant 32 : i32
    %swap3A_248 = arith.constant 3 : i32
    %swap3A_249 = arith.index_cast %swap3A_247 : i32 to index
    %swap3A_250 = arith.index_cast %swap3A_248 : i32 to index
    %swap3A_251 = arith.constant 80 : index
    %swap3A_252 = tpu.vector_load %arg6[%swap3A_249, %swap3A_250, %swap3A_251] {strides = array<i32>} : memref<65x8x128xi32, #tpu.memory_space<vmem>>, vector<1x1x16xi32>,
    %swap3A_253 = vector.shape_cast %swap3A_252 : vector<1x1x16xi32> to vector<16xi32>
    %swap3A_254 = vector.shape_cast %broadcast_in_dim3A_15 : vector<16xi32> to vector<1x1x16xi32>
    tpu.vector_store %arg6[%swap3A_249, %swap3A_250, %swap3A_251], %swap3A_254 {strides = array<i32>} : memref<65x8x128xi32, #tpu.memory_space<vmem>>, vector<1x1x16xi32>,
    %swap3A_255 = arith.constant 32 : i32
    %swap3A_256 = arith.constant 3 : i32
    %swap3A_257 = arith.index_cast %swap3A_255 : i32 to index
    %swap3A_258 = arith.index_cast %swap3A_256 : i32 to index
    %swap3A_259 = arith.constant 96 : index
    %swap3A_260 = tpu.vector_load %arg6[%swap3A_257, %swap3A_258, %swap3A_259] {strides = array<i32>} : memref<65x8x128xi32, #tpu.memory_space<vmem>>, vector<1x1x16xi32>,
    %swap3A_261 = vector.shape_cast %swap3A_260 : vector<1x1x16xi32> to vector<16xi32>
    %swap3A_262 = vector.shape_cast %broadcast_in_dim3A_15 : vector<16xi32> to vector<1x1x16xi32>
    tpu.vector_store %arg6[%swap3A_257, %swap3A_258, %swap3A_259], %swap3A_262 {strides = array<i32>} : memref<65x8x128xi32, #tpu.memory_space<vmem>>, vector<1x1x16xi32>,
    %swap3A_263 = arith.constant 32 : i32
    %swap3A_264 = arith.constant 3 : i32
    %swap3A_265 = arith.index_cast %swap3A_263 : i32 to index
    %swap3A_266 = arith.index_cast %swap3A_264 : i32 to index
    %swap3A_267 = arith.constant 112 : index
    %swap3A_268 = tpu.vector_load %arg6[%swap3A_265, %swap3A_266, %swap3A_267] {strides = array<i32>} : memref<65x8x128xi32, #tpu.memory_space<vmem>>, vector<1x1x16xi32>,
    %swap3A_269 = vector.shape_cast %swap3A_268 : vector<1x1x16xi32> to vector<16xi32>
    %swap3A_270 = vector.shape_cast %broadcast_in_dim3A_15 : vector<16xi32> to vector<1x1x16xi32>
    tpu.vector_store %arg6[%swap3A_265, %swap3A_266, %swap3A_267], %swap3A_270 {strides = array<i32>} : memref<65x8x128xi32, #tpu.memory_space<vmem>>, vector<1x1x16xi32>,
    %swap3A_271 = arith.constant 40 : i32
    %swap3A_272 = arith.constant 4 : i32
    %swap3A_273 = arith.index_cast %swap3A_271 : i32 to index
    %swap3A_274 = arith.index_cast %swap3A_272 : i32 to index
    %swap3A_275 = arith.constant 0 : index
    %swap3A_276 = tpu.vector_load %arg6[%swap3A_273, %swap3A_274, %swap3A_275] {strides = array<i32>} : memref<65x8x128xi32, #tpu.memory_space<vmem>>, vector<1x1x16xi32>,
    %swap3A_277 = vector.shape_cast %swap3A_276 : vector<1x1x16xi32> to vector<16xi32>
    %swap3A_278 = vector.shape_cast %broadcast_in_dim3A_15 : vector<16xi32> to vector<1x1x16xi32>
    tpu.vector_store %arg6[%swap3A_273, %swap3A_274, %swap3A_275], %swap3A_278 {strides = array<i32>} : memref<65x8x128xi32, #tpu.memory_space<vmem>>, vector<1x1x16xi32>,
    %swap3A_279 = arith.constant 40 : i32
    %swap3A_280 = arith.constant 4 : i32
    %swap3A_281 = arith.index_cast %swap3A_279 : i32 to index
    %swap3A_282 = arith.index_cast %swap3A_280 : i32 to index
    %swap3A_283 = arith.constant 16 : index
    %swap3A_284 = tpu.vector_load %arg6[%swap3A_281, %swap3A_282, %swap3A_283] {strides = array<i32>} : memref<65x8x128xi32, #tpu.memory_space<vmem>>, vector<1x1x16xi32>,
    %swap3A_285 = vector.shape_cast %swap3A_284 : vector<1x1x16xi32> to vector<16xi32>
    %swap3A_286 = vector.shape_cast %broadcast_in_dim3A_15 : vector<16xi32> to vector<1x1x16xi32>
    tpu.vector_store %arg6[%swap3A_281, %swap3A_282, %swap3A_283], %swap3A_286 {strides = array<i32>} : memref<65x8x128xi32, #tpu.memory_space<vmem>>, vector<1x1x16xi32>,
    %swap3A_287 = arith.constant 40 : i32
    %swap3A_288 = arith.constant 4 : i32
    %swap3A_289 = arith.index_cast %swap3A_287 : i32 to index
    %swap3A_290 = arith.index_cast %swap3A_288 : i32 to index
    %swap3A_291 = arith.constant 32 : index
    %swap3A_292 = tpu.vector_load %arg6[%swap3A_289, %swap3A_290, %swap3A_291] {strides = array<i32>} : memref<65x8x128xi32, #tpu.memory_space<vmem>>, vector<1x1x16xi32>,
    %swap3A_293 = vector.shape_cast %swap3A_292 : vector<1x1x16xi32> to vector<16xi32>
    %swap3A_294 = vector.shape_cast %broadcast_in_dim3A_15 : vector<16xi32> to vector<1x1x16xi32>
    tpu.vector_store %arg6[%swap3A_289, %swap3A_290, %swap3A_291], %swap3A_294 {strides = array<i32>} : memref<65x8x128xi32, #tpu.memory_space<vmem>>, vector<1x1x16xi32>,
    %swap3A_295 = arith.constant 40 : i32
    %swap3A_296 = arith.constant 4 : i32
    %swap3A_297 = arith.index_cast %swap3A_295 : i32 to index
    %swap3A_298 = arith.index_cast %swap3A_296 : i32 to index
    %swap3A_299 = arith.constant 48 : index
    %swap3A_300 = tpu.vector_load %arg6[%swap3A_297, %swap3A_298, %swap3A_299] {strides = array<i32>} : memref<65x8x128xi32, #tpu.memory_space<vmem>>, vector<1x1x16xi32>,
    %swap3A_301 = vector.shape_cast %swap3A_300 : vector<1x1x16xi32> to vector<16xi32>
    %swap3A_302 = vector.shape_cast %broadcast_in_dim3A_15 : vector<16xi32> to vector<1x1x16xi32>
    tpu.vector_store %arg6[%swap3A_297, %swap3A_298, %swap3A_299], %swap3A_302 {strides = array<i32>} : memref<65x8x128xi32, #tpu.memory_space<vmem>>, vector<1x1x16xi32>,
    %swap3A_303 = arith.constant 40 : i32
    %swap3A_304 = arith.constant 4 : i32
    %swap3A_305 = arith.index_cast %swap3A_303 : i32 to index
    %swap3A_306 = arith.index_cast %swap3A_304 : i32 to index
    %swap3A_307 = arith.constant 64 : index
    %swap3A_308 = tpu.vector_load %arg6[%swap3A_305, %swap3A_306, %swap3A_307] {strides = array<i32>} : memref<65x8x128xi32, #tpu.memory_space<vmem>>, vector<1x1x16xi32>,
    %swap3A_309 = vector.shape_cast %swap3A_308 : vector<1x1x16xi32> to vector<16xi32>
    %swap3A_310 = vector.shape_cast %broadcast_in_dim3A_15 : vector<16xi32> to vector<1x1x16xi32>
    tpu.vector_store %arg6[%swap3A_305, %swap3A_306, %swap3A_307], %swap3A_310 {strides = array<i32>} : memref<65x8x128xi32, #tpu.memory_space<vmem>>, vector<1x1x16xi32>,
    %swap3A_311 = arith.constant 40 : i32
    %swap3A_312 = arith.constant 4 : i32
    %swap3A_313 = arith.index_cast %swap3A_311 : i32 to index
    %swap3A_314 = arith.index_cast %swap3A_312 : i32 to index
    %swap3A_315 = arith.constant 80 : index
    %swap3A_316 = tpu.vector_load %arg6[%swap3A_313, %swap3A_314, %swap3A_315] {strides = array<i32>} : memref<65x8x128xi32, #tpu.memory_space<vmem>>, vector<1x1x16xi32>,
    %swap3A_317 = vector.shape_cast %swap3A_316 : vector<1x1x16xi32> to vector<16xi32>
    %swap3A_318 = vector.shape_cast %broadcast_in_dim3A_15 : vector<16xi32> to vector<1x1x16xi32>
    tpu.vector_store %arg6[%swap3A_313, %swap3A_314, %swap3A_315], %swap3A_318 {strides = array<i32>} : memref<65x8x128xi32, #tpu.memory_space<vmem>>, vector<1x1x16xi32>,
    %swap3A_319 = arith.constant 40 : i32
    %swap3A_320 = arith.constant 4 : i32
    %swap3A_321 = arith.index_cast %swap3A_319 : i32 to index
    %swap3A_322 = arith.index_cast %swap3A_320 : i32 to index
    %swap3A_323 = arith.constant 96 : index
    %swap3A_324 = tpu.vector_load %arg6[%swap3A_321, %swap3A_322, %swap3A_323] {strides = array<i32>} : memref<65x8x128xi32, #tpu.memory_space<vmem>>, vector<1x1x16xi32>,
    %swap3A_325 = vector.shape_cast %swap3A_324 : vector<1x1x16xi32> to vector<16xi32>
    %swap3A_326 = vector.shape_cast %broadcast_in_dim3A_15 : vector<16xi32> to vector<1x1x16xi32>
    tpu.vector_store %arg6[%swap3A_321, %swap3A_322, %swap3A_323], %swap3A_326 {strides = array<i32>} : memref<65x8x128xi32, #tpu.memory_space<vmem>>, vector<1x1x16xi32>,
    %swap3A_327 = arith.constant 40 : i32
    %swap3A_328 = arith.constant 4 : i32
    %swap3A_329 = arith.index_cast %swap3A_327 : i32 to index
    %swap3A_330 = arith.index_cast %swap3A_328 : i32 to index
    %swap3A_331 = arith.constant 112 : index
    %swap3A_332 = tpu.vector_load %arg6[%swap3A_329, %swap3A_330, %swap3A_331] {strides = array<i32>} : memref<65x8x128xi32, #tpu.memory_space<vmem>>, vector<1x1x16xi32>,
    %swap3A_333 = vector.shape_cast %swap3A_332 : vector<1x1x16xi32> to vector<16xi32>
    %swap3A_334 = vector.shape_cast %broadcast_in_dim3A_15 : vector<16xi32> to vector<1x1x16xi32>
    tpu.vector_store %arg6[%swap3A_329, %swap3A_330, %swap3A_331], %swap3A_334 {strides = array<i32>} : memref<65x8x128xi32, #tpu.memory_space<vmem>>, vector<1x1x16xi32>,
    %swap3A_335 = arith.constant 48 : i32
    %swap3A_336 = arith.constant 5 : i32
    %swap3A_337 = arith.index_cast %swap3A_335 : i32 to index
    %swap3A_338 = arith.index_cast %swap3A_336 : i32 to index
    %swap3A_339 = arith.constant 0 : index
    %swap3A_340 = tpu.vector_load %arg6[%swap3A_337, %swap3A_338, %swap3A_339] {strides = array<i32>} : memref<65x8x128xi32, #tpu.memory_space<vmem>>, vector<1x1x16xi32>,
    %swap3A_341 = vector.shape_cast %swap3A_340 : vector<1x1x16xi32> to vector<16xi32>
    %swap3A_342 = vector.shape_cast %broadcast_in_dim3A_15 : vector<16xi32> to vector<1x1x16xi32>
    tpu.vector_store %arg6[%swap3A_337, %swap3A_338, %swap3A_339], %swap3A_342 {strides = array<i32>} : memref<65x8x128xi32, #tpu.memory_space<vmem>>, vector<1x1x16xi32>,
    %swap3A_343 = arith.constant 48 : i32
    %swap3A_344 = arith.constant 5 : i32
    %swap3A_345 = arith.index_cast %swap3A_343 : i32 to index
    %swap3A_346 = arith.index_cast %swap3A_344 : i32 to index
    %swap3A_347 = arith.constant 16 : index
    %swap3A_348 = tpu.vector_load %arg6[%swap3A_345, %swap3A_346, %swap3A_347] {strides = array<i32>} : memref<65x8x128xi32, #tpu.memory_space<vmem>>, vector<1x1x16xi32>,
    %swap3A_349 = vector.shape_cast %swap3A_348 : vector<1x1x16xi32> to vector<16xi32>
    %swap3A_350 = vector.shape_cast %broadcast_in_dim3A_15 : vector<16xi32> to vector<1x1x16xi32>
    tpu.vector_store %arg6[%swap3A_345, %swap3A_346, %swap3A_347], %swap3A_350 {strides = array<i32>} : memref<65x8x128xi32, #tpu.memory_space<vmem>>, vector<1x1x16xi32>,
    %swap3A_351 = arith.constant 48 : i32
    %swap3A_352 = arith.constant 5 : i32
    %swap3A_353 = arith.index_cast %swap3A_351 : i32 to index
    %swap3A_354 = arith.index_cast %swap3A_352 : i32 to index
    %swap3A_355 = arith.constant 32 : index
    %swap3A_356 = tpu.vector_load %arg6[%swap3A_353, %swap3A_354, %swap3A_355] {strides = array<i32>} : memref<65x8x128xi32, #tpu.memory_space<vmem>>, vector<1x1x16xi32>,
    %swap3A_357 = vector.shape_cast %swap3A_356 : vector<1x1x16xi32> to vector<16xi32>
    %swap3A_358 = vector.shape_cast %broadcast_in_dim3A_15 : vector<16xi32> to vector<1x1x16xi32>
    tpu.vector_store %arg6[%swap3A_353, %swap3A_354, %swap3A_355], %swap3A_358 {strides = array<i32>} : memref<65x8x128xi32, #tpu.memory_space<vmem>>, vector<1x1x16xi32>,
    %swap3A_359 = arith.constant 48 : i32
    %swap3A_360 = arith.constant 5 : i32
    %swap3A_361 = arith.index_cast %swap3A_359 : i32 to index
    %swap3A_362 = arith.index_cast %swap3A_360 : i32 to index
    %swap3A_363 = arith.constant 48 : index
    %swap3A_364 = tpu.vector_load %arg6[%swap3A_361, %swap3A_362, %swap3A_363] {strides = array<i32>} : memref<65x8x128xi32, #tpu.memory_space<vmem>>, vector<1x1x16xi32>,
    %swap3A_365 = vector.shape_cast %swap3A_364 : vector<1x1x16xi32> to vector<16xi32>
    %swap3A_366 = vector.shape_cast %broadcast_in_dim3A_15 : vector<16xi32> to vector<1x1x16xi32>
    tpu.vector_store %arg6[%swap3A_361, %swap3A_362, %swap3A_363], %swap3A_366 {strides = array<i32>} : memref<65x8x128xi32, #tpu.memory_space<vmem>>, vector<1x1x16xi32>,
    %swap3A_367 = arith.constant 48 : i32
    %swap3A_368 = arith.constant 5 : i32
    %swap3A_369 = arith.index_cast %swap3A_367 : i32 to index
    %swap3A_370 = arith.index_cast %swap3A_368 : i32 to index
    %swap3A_371 = arith.constant 64 : index
    %swap3A_372 = tpu.vector_load %arg6[%swap3A_369, %swap3A_370, %swap3A_371] {strides = array<i32>} : memref<65x8x128xi32, #tpu.memory_space<vmem>>, vector<1x1x16xi32>,
    %swap3A_373 = vector.shape_cast %swap3A_372 : vector<1x1x16xi32> to vector<16xi32>
    %swap3A_374 = vector.shape_cast %broadcast_in_dim3A_15 : vector<16xi32> to vector<1x1x16xi32>
    tpu.vector_store %arg6[%swap3A_369, %swap3A_370, %swap3A_371], %swap3A_374 {strides = array<i32>} : memref<65x8x128xi32, #tpu.memory_space<vmem>>, vector<1x1x16xi32>,
    %swap3A_375 = arith.constant 48 : i32
    %swap3A_376 = arith.constant 5 : i32
    %swap3A_377 = arith.index_cast %swap3A_375 : i32 to index
    %swap3A_378 = arith.index_cast %swap3A_376 : i32 to index
    %swap3A_379 = arith.constant 80 : index
    %swap3A_380 = tpu.vector_load %arg6[%swap3A_377, %swap3A_378, %swap3A_379] {strides = array<i32>} : memref<65x8x128xi32, #tpu.memory_space<vmem>>, vector<1x1x16xi32>,
    %swap3A_381 = vector.shape_cast %swap3A_380 : vector<1x1x16xi32> to vector<16xi32>
    %swap3A_382 = vector.shape_cast %broadcast_in_dim3A_15 : vector<16xi32> to vector<1x1x16xi32>
    tpu.vector_store %arg6[%swap3A_377, %swap3A_378, %swap3A_379], %swap3A_382 {strides = array<i32>} : memref<65x8x128xi32, #tpu.memory_space<vmem>>, vector<1x1x16xi32>,
    %swap3A_383 = arith.constant 48 : i32
    %swap3A_384 = arith.constant 5 : i32
    %swap3A_385 = arith.index_cast %swap3A_383 : i32 to index
    %swap3A_386 = arith.index_cast %swap3A_384 : i32 to index
    %swap3A_387 = arith.constant 96 : index
    %swap3A_388 = tpu.vector_load %arg6[%swap3A_385, %swap3A_386, %swap3A_387] {strides = array<i32>} : memref<65x8x128xi32, #tpu.memory_space<vmem>>, vector<1x1x16xi32>,
    %swap3A_389 = vector.shape_cast %swap3A_388 : vector<1x1x16xi32> to vector<16xi32>
    %swap3A_390 = vector.shape_cast %broadcast_in_dim3A_15 : vector<16xi32> to vector<1x1x16xi32>
    tpu.vector_store %arg6[%swap3A_385, %swap3A_386, %swap3A_387], %swap3A_390 {strides = array<i32>} : memref<65x8x128xi32, #tpu.memory_space<vmem>>, vector<1x1x16xi32>,
    %swap3A_391 = arith.constant 48 : i32
    %swap3A_392 = arith.constant 5 : i32
    %swap3A_393 = arith.index_cast %swap3A_391 : i32 to index
    %swap3A_394 = arith.index_cast %swap3A_392 : i32 to index
    %swap3A_395 = arith.constant 112 : index
    %swap3A_396 = tpu.vector_load %arg6[%swap3A_393, %swap3A_394, %swap3A_395] {strides = array<i32>} : memref<65x8x128xi32, #tpu.memory_space<vmem>>, vector<1x1x16xi32>,
    %swap3A_397 = vector.shape_cast %swap3A_396 : vector<1x1x16xi32> to vector<16xi32>
    %swap3A_398 = vector.shape_cast %broadcast_in_dim3A_15 : vector<16xi32> to vector<1x1x16xi32>
    tpu.vector_store %arg6[%swap3A_393, %swap3A_394, %swap3A_395], %swap3A_398 {strides = array<i32>} : memref<65x8x128xi32, #tpu.memory_space<vmem>>, vector<1x1x16xi32>,
    %swap3A_399 = arith.constant 56 : i32
    %swap3A_400 = arith.constant 6 : i32
    %swap3A_401 = arith.index_cast %swap3A_399 : i32 to index
    %swap3A_402 = arith.index_cast %swap3A_400 : i32 to index
    %swap3A_403 = arith.constant 0 : index
    %swap3A_404 = tpu.vector_load %arg6[%swap3A_401, %swap3A_402, %swap3A_403] {strides = array<i32>} : memref<65x8x128xi32, #tpu.memory_space<vmem>>, vector<1x1x16xi32>,
    %swap3A_405 = vector.shape_cast %swap3A_404 : vector<1x1x16xi32> to vector<16xi32>
    %swap3A_406 = vector.shape_cast %broadcast_in_dim3A_15 : vector<16xi32> to vector<1x1x16xi32>
    tpu.vector_store %arg6[%swap3A_401, %swap3A_402, %swap3A_403], %swap3A_406 {strides = array<i32>} : memref<65x8x128xi32, #tpu.memory_space<vmem>>, vector<1x1x16xi32>,
    %swap3A_407 = arith.constant 56 : i32
    %swap3A_408 = arith.constant 6 : i32
    %swap3A_409 = arith.index_cast %swap3A_407 : i32 to index
    %swap3A_410 = arith.index_cast %swap3A_408 : i32 to index
    %swap3A_411 = arith.constant 16 : index
    %swap3A_412 = tpu.vector_load %arg6[%swap3A_409, %swap3A_410, %swap3A_411] {strides = array<i32>} : memref<65x8x128xi32, #tpu.memory_space<vmem>>, vector<1x1x16xi32>,
    %swap3A_413 = vector.shape_cast %swap3A_412 : vector<1x1x16xi32> to vector<16xi32>
    %swap3A_414 = vector.shape_cast %broadcast_in_dim3A_15 : vector<16xi32> to vector<1x1x16xi32>
    tpu.vector_store %arg6[%swap3A_409, %swap3A_410, %swap3A_411], %swap3A_414 {strides = array<i32>} : memref<65x8x128xi32, #tpu.memory_space<vmem>>, vector<1x1x16xi32>,
    %swap3A_415 = arith.constant 56 : i32
    %swap3A_416 = arith.constant 6 : i32
    %swap3A_417 = arith.index_cast %swap3A_415 : i32 to index
    %swap3A_418 = arith.index_cast %swap3A_416 : i32 to index
    %swap3A_419 = arith.constant 32 : index
    %swap3A_420 = tpu.vector_load %arg6[%swap3A_417, %swap3A_418, %swap3A_419] {strides = array<i32>} : memref<65x8x128xi32, #tpu.memory_space<vmem>>, vector<1x1x16xi32>,
    %swap3A_421 = vector.shape_cast %swap3A_420 : vector<1x1x16xi32> to vector<16xi32>
    %swap3A_422 = vector.shape_cast %broadcast_in_dim3A_15 : vector<16xi32> to vector<1x1x16xi32>
    tpu.vector_store %arg6[%swap3A_417, %swap3A_418, %swap3A_419], %swap3A_422 {strides = array<i32>} : memref<65x8x128xi32, #tpu.memory_space<vmem>>, vector<1x1x16xi32>,
    %swap3A_423 = arith.constant 56 : i32
    %swap3A_424 = arith.constant 6 : i32
    %swap3A_425 = arith.index_cast %swap3A_423 : i32 to index
    %swap3A_426 = arith.index_cast %swap3A_424 : i32 to index
    %swap3A_427 = arith.constant 48 : index
    %swap3A_428 = tpu.vector_load %arg6[%swap3A_425, %swap3A_426, %swap3A_427] {strides = array<i32>} : memref<65x8x128xi32, #tpu.memory_space<vmem>>, vector<1x1x16xi32>,
    %swap3A_429 = vector.shape_cast %swap3A_428 : vector<1x1x16xi32> to vector<16xi32>
    %swap3A_430 = vector.shape_cast %broadcast_in_dim3A_15 : vector<16xi32> to vector<1x1x16xi32>
    tpu.vector_store %arg6[%swap3A_425, %swap3A_426, %swap3A_427], %swap3A_430 {strides = array<i32>} : memref<65x8x128xi32, #tpu.memory_space<vmem>>, vector<1x1x16xi32>,
    %swap3A_431 = arith.constant 56 : i32
    %swap3A_432 = arith.constant 6 : i32
    %swap3A_433 = arith.index_cast %swap3A_431 : i32 to index
    %swap3A_434 = arith.index_cast %swap3A_432 : i32 to index
    %swap3A_435 = arith.constant 64 : index
    %swap3A_436 = tpu.vector_load %arg6[%swap3A_433, %swap3A_434, %swap3A_435] {strides = array<i32>} : memref<65x8x128xi32, #tpu.memory_space<vmem>>, vector<1x1x16xi32>,
    %swap3A_437 = vector.shape_cast %swap3A_436 : vector<1x1x16xi32> to vector<16xi32>
    %swap3A_438 = vector.shape_cast %broadcast_in_dim3A_15 : vector<16xi32> to vector<1x1x16xi32>
    tpu.vector_store %arg6[%swap3A_433, %swap3A_434, %swap3A_435], %swap3A_438 {strides = array<i32>} : memref<65x8x128xi32, #tpu.memory_space<vmem>>, vector<1x1x16xi32>,
    %swap3A_439 = arith.constant 56 : i32
    %swap3A_440 = arith.constant 6 : i32
    %swap3A_441 = arith.index_cast %swap3A_439 : i32 to index
    %swap3A_442 = arith.index_cast %swap3A_440 : i32 to index
    %swap3A_443 = arith.constant 80 : index
    %swap3A_444 = tpu.vector_load %arg6[%swap3A_441, %swap3A_442, %swap3A_443] {strides = array<i32>} : memref<65x8x128xi32, #tpu.memory_space<vmem>>, vector<1x1x16xi32>,
    %swap3A_445 = vector.shape_cast %swap3A_444 : vector<1x1x16xi32> to vector<16xi32>
    %swap3A_446 = vector.shape_cast %broadcast_in_dim3A_15 : vector<16xi32> to vector<1x1x16xi32>
    tpu.vector_store %arg6[%swap3A_441, %swap3A_442, %swap3A_443], %swap3A_446 {strides = array<i32>} : memref<65x8x128xi32, #tpu.memory_space<vmem>>, vector<1x1x16xi32>,
    %swap3A_447 = arith.constant 56 : i32
    %swap3A_448 = arith.constant 6 : i32
    %swap3A_449 = arith.index_cast %swap3A_447 : i32 to index
    %swap3A_450 = arith.index_cast %swap3A_448 : i32 to index
    %swap3A_451 = arith.constant 96 : index
    %swap3A_452 = tpu.vector_load %arg6[%swap3A_449, %swap3A_450, %swap3A_451] {strides = array<i32>} : memref<65x8x128xi32, #tpu.memory_space<vmem>>, vector<1x1x16xi32>,
    %swap3A_453 = vector.shape_cast %swap3A_452 : vector<1x1x16xi32> to vector<16xi32>
    %swap3A_454 = vector.shape_cast %broadcast_in_dim3A_15 : vector<16xi32> to vector<1x1x16xi32>
    tpu.vector_store %arg6[%swap3A_449, %swap3A_450, %swap3A_451], %swap3A_454 {strides = array<i32>} : memref<65x8x128xi32, #tpu.memory_space<vmem>>, vector<1x1x16xi32>,
    %swap3A_455 = arith.constant 56 : i32
    %swap3A_456 = arith.constant 6 : i32
    %swap3A_457 = arith.index_cast %swap3A_455 : i32 to index
    %swap3A_458 = arith.index_cast %swap3A_456 : i32 to index
    %swap3A_459 = arith.constant 112 : index
    %swap3A_460 = tpu.vector_load %arg6[%swap3A_457, %swap3A_458, %swap3A_459] {strides = array<i32>} : memref<65x8x128xi32, #tpu.memory_space<vmem>>, vector<1x1x16xi32>,
    %swap3A_461 = vector.shape_cast %swap3A_460 : vector<1x1x16xi32> to vector<16xi32>
    %swap3A_462 = vector.shape_cast %broadcast_in_dim3A_15 : vector<16xi32> to vector<1x1x16xi32>
    tpu.vector_store %arg6[%swap3A_457, %swap3A_458, %swap3A_459], %swap3A_462 {strides = array<i32>} : memref<65x8x128xi32, #tpu.memory_space<vmem>>, vector<1x1x16xi32>,
    %swap3A_463 = arith.constant 64 : i32
    %swap3A_464 = arith.constant 7 : i32
    %swap3A_465 = arith.index_cast %swap3A_463 : i32 to index
    %swap3A_466 = arith.index_cast %swap3A_464 : i32 to index
    %swap3A_467 = arith.constant 0 : index
    %swap3A_468 = tpu.vector_load %arg6[%swap3A_465, %swap3A_466, %swap3A_467] {strides = array<i32>} : memref<65x8x128xi32, #tpu.memory_space<vmem>>, vector<1x1x16xi32>,
    %swap3A_469 = vector.shape_cast %swap3A_468 : vector<1x1x16xi32> to vector<16xi32>
    %swap3A_470 = vector.shape_cast %broadcast_in_dim3A_15 : vector<16xi32> to vector<1x1x16xi32>
    tpu.vector_store %arg6[%swap3A_465, %swap3A_466, %swap3A_467], %swap3A_470 {strides = array<i32>} : memref<65x8x128xi32, #tpu.memory_space<vmem>>, vector<1x1x16xi32>,
    %swap3A_471 = arith.constant 64 : i32
    %swap3A_472 = arith.constant 7 : i32
    %swap3A_473 = arith.index_cast %swap3A_471 : i32 to index
    %swap3A_474 = arith.index_cast %swap3A_472 : i32 to index
    %swap3A_475 = arith.constant 16 : index
    %swap3A_476 = tpu.vector_load %arg6[%swap3A_473, %swap3A_474, %swap3A_475] {strides = array<i32>} : memref<65x8x128xi32, #tpu.memory_space<vmem>>, vector<1x1x16xi32>,
    %swap3A_477 = vector.shape_cast %swap3A_476 : vector<1x1x16xi32> to vector<16xi32>
    %swap3A_478 = vector.shape_cast %broadcast_in_dim3A_15 : vector<16xi32> to vector<1x1x16xi32>
    tpu.vector_store %arg6[%swap3A_473, %swap3A_474, %swap3A_475], %swap3A_478 {strides = array<i32>} : memref<65x8x128xi32, #tpu.memory_space<vmem>>, vector<1x1x16xi32>,
    %swap3A_479 = arith.constant 64 : i32
    %swap3A_480 = arith.constant 7 : i32
    %swap3A_481 = arith.index_cast %swap3A_479 : i32 to index
    %swap3A_482 = arith.index_cast %swap3A_480 : i32 to index
    %swap3A_483 = arith.constant 32 : index
    %swap3A_484 = tpu.vector_load %arg6[%swap3A_481, %swap3A_482, %swap3A_483] {strides = array<i32>} : memref<65x8x128xi32, #tpu.memory_space<vmem>>, vector<1x1x16xi32>,
    %swap3A_485 = vector.shape_cast %swap3A_484 : vector<1x1x16xi32> to vector<16xi32>
    %swap3A_486 = vector.shape_cast %broadcast_in_dim3A_15 : vector<16xi32> to vector<1x1x16xi32>
    tpu.vector_store %arg6[%swap3A_481, %swap3A_482, %swap3A_483], %swap3A_486 {strides = array<i32>} : memref<65x8x128xi32, #tpu.memory_space<vmem>>, vector<1x1x16xi32>,
    %swap3A_487 = arith.constant 64 : i32
    %swap3A_488 = arith.constant 7 : i32
    %swap3A_489 = arith.index_cast %swap3A_487 : i32 to index
    %swap3A_490 = arith.index_cast %swap3A_488 : i32 to index
    %swap3A_491 = arith.constant 48 : index
    %swap3A_492 = tpu.vector_load %arg6[%swap3A_489, %swap3A_490, %swap3A_491] {strides = array<i32>} : memref<65x8x128xi32, #tpu.memory_space<vmem>>, vector<1x1x16xi32>,
    %swap3A_493 = vector.shape_cast %swap3A_492 : vector<1x1x16xi32> to vector<16xi32>
    %swap3A_494 = vector.shape_cast %broadcast_in_dim3A_15 : vector<16xi32> to vector<1x1x16xi32>
    tpu.vector_store %arg6[%swap3A_489, %swap3A_490, %swap3A_491], %swap3A_494 {strides = array<i32>} : memref<65x8x128xi32, #tpu.memory_space<vmem>>, vector<1x1x16xi32>,
    %swap3A_495 = arith.constant 64 : i32
    %swap3A_496 = arith.constant 7 : i32
    %swap3A_497 = arith.index_cast %swap3A_495 : i32 to index
    %swap3A_498 = arith.index_cast %swap3A_496 : i32 to index
    %swap3A_499 = arith.constant 64 : index
    %swap3A_500 = tpu.vector_load %arg6[%swap3A_497, %swap3A_498, %swap3A_499] {strides = array<i32>} : memref<65x8x128xi32, #tpu.memory_space<vmem>>, vector<1x1x16xi32>,
    %swap3A_501 = vector.shape_cast %swap3A_500 : vector<1x1x16xi32> to vector<16xi32>
    %swap3A_502 = vector.shape_cast %broadcast_in_dim3A_15 : vector<16xi32> to vector<1x1x16xi32>
    tpu.vector_store %arg6[%swap3A_497, %swap3A_498, %swap3A_499], %swap3A_502 {strides = array<i32>} : memref<65x8x128xi32, #tpu.memory_space<vmem>>, vector<1x1x16xi32>,
    %swap3A_503 = arith.constant 64 : i32
    %swap3A_504 = arith.constant 7 : i32
    %swap3A_505 = arith.index_cast %swap3A_503 : i32 to index
    %swap3A_506 = arith.index_cast %swap3A_504 : i32 to index
    %swap3A_507 = arith.constant 80 : index
    %swap3A_508 = tpu.vector_load %arg6[%swap3A_505, %swap3A_506, %swap3A_507] {strides = array<i32>} : memref<65x8x128xi32, #tpu.memory_space<vmem>>, vector<1x1x16xi32>,
    %swap3A_509 = vector.shape_cast %swap3A_508 : vector<1x1x16xi32> to vector<16xi32>
    %swap3A_510 = vector.shape_cast %broadcast_in_dim3A_15 : vector<16xi32> to vector<1x1x16xi32>
    tpu.vector_store %arg6[%swap3A_505, %swap3A_506, %swap3A_507], %swap3A_510 {strides = array<i32>} : memref<65x8x128xi32, #tpu.memory_space<vmem>>, vector<1x1x16xi32>,
    %swap3A_511 = arith.constant 64 : i32
    %swap3A_512 = arith.constant 7 : i32
    %swap3A_513 = arith.index_cast %swap3A_511 : i32 to index
    %swap3A_514 = arith.index_cast %swap3A_512 : i32 to index
    %swap3A_515 = arith.constant 96 : index
    %swap3A_516 = tpu.vector_load %arg6[%swap3A_513, %swap3A_514, %swap3A_515] {strides = array<i32>} : memref<65x8x128xi32, #tpu.memory_space<vmem>>, vector<1x1x16xi32>,
    %swap3A_517 = vector.shape_cast %swap3A_516 : vector<1x1x16xi32> to vector<16xi32>
    %swap3A_518 = vector.shape_cast %broadcast_in_dim3A_15 : vector<16xi32> to vector<1x1x16xi32>
    tpu.vector_store %arg6[%swap3A_513, %swap3A_514, %swap3A_515], %swap3A_518 {strides = array<i32>} : memref<65x8x128xi32, #tpu.memory_space<vmem>>, vector<1x1x16xi32>,
    %swap3A_519 = arith.constant 64 : i32
    %swap3A_520 = arith.constant 7 : i32
    %swap3A_521 = arith.index_cast %swap3A_519 : i32 to index
    %swap3A_522 = arith.index_cast %swap3A_520 : i32 to index
    %swap3A_523 = arith.constant 112 : index
    %swap3A_524 = tpu.vector_load %arg6[%swap3A_521, %swap3A_522, %swap3A_523] {strides = array<i32>} : memref<65x8x128xi32, #tpu.memory_space<vmem>>, vector<1x1x16xi32>,
    %swap3A_525 = vector.shape_cast %swap3A_524 : vector<1x1x16xi32> to vector<16xi32>
    %swap3A_526 = vector.shape_cast %broadcast_in_dim3A_15 : vector<16xi32> to vector<1x1x16xi32>
    tpu.vector_store %arg6[%swap3A_521, %swap3A_522, %swap3A_523], %swap3A_526 {strides = array<i32>} : memref<65x8x128xi32, #tpu.memory_space<vmem>>, vector<1x1x16xi32>,
    %mul3A_527 = arith.constant 8 : i32
    %mul3A_528 = arith.muli %add3A, %mul3A_527 : i32
    %add3A_529 = arith.constant 0 : i32
    %add3A_530 = arith.addi %mul3A_528, %add3A_529 : i32
    %shift_right_arithmetic3A = arith.constant 5 : i32
    %shift_right_arithmetic3A_531 = arith.shrsi %add3A_530, %shift_right_arithmetic3A : i32
    %and3A = arith.constant 31 : i32
    %and3A_532 = arith.andi %add3A_530, %and3A : i32
    %mul3A_533 = arith.constant 128 : i32
    %mul3A_534 = arith.muli %and3A_532, %mul3A_533 : i32
    %mul3A_535 = arith.constant 8 : i32
    %mul3A_536 = arith.muli %shift_right_arithmetic3A_531, %mul3A_535 : i32
    %add3A_537 = arith.constant 0 : i32
    %add3A_538 = arith.addi %mul3A_536, %add3A_537 : i32
    %mul3A_539 = arith.constant 64 : i32
    %mul3A_540 = arith.muli %add3A_538, %mul3A_539 : i32
    %add3A_541 = arith.constant 0 : i32
    %add3A_542 = arith.addi %add3A_541, %mul3A_540 : i32
    %mul3A_543 = arith.constant 64 : i32
    %mul3A_544 = arith.muli %add3A_538, %mul3A_543 : i32
    %add3A_545 = arith.constant 4096 : i32
    %add3A_546 = arith.addi %add3A_545, %mul3A_544 : i32
    %mul3A_547 = arith.constant 64 : i32
    %mul3A_548 = arith.muli %add3A_538, %mul3A_547 : i32
    %add3A_549 = arith.constant 8192 : i32
    %add3A_550 = arith.addi %add3A_549, %mul3A_548 : i32
    %dma_start3A = arith.constant 0 : i32
    %dma_start3A_551 = arith.constant 0 : i32
    %dma_start3A_552 = arith.constant 0 : i32
    %dma_start3A_553 = arith.constant 0 : i32
    %dma_start3A_554 = tpu.memref_slice %arg4[%dma_start3A, %dma_start3A_552, %dma_start3A_553] : memref<3x64x128xf32, #tpu.memory_space<vmem>> -> memref<1x64x128xf32, #tpu.memory_space<vmem>>
    %dma_start3A_555 = tpu.memref_squeeze %dma_start3A_554 : memref<1x64x128xf32, #tpu.memory_space<vmem>> -> memref<64x128xf32, #tpu.memory_space<vmem>>
    %dma_start3A_556 = tpu.memref_slice %arg2[%add3A_542, %mul3A_534] : memref<12288x4096xf32, #tpu.memory_space<hbm>> -> memref<64x128xf32, #tpu.memory_space<hbm>>
    %dma_start3A_557 = tpu.memref_slice %arg7[%dma_start3A_551] : memref<2x!tpu.dma_semaphore, #tpu.memory_space<semaphore_mem>> -> memref<1x!tpu.dma_semaphore, #tpu.memory_space<semaphore_mem>>
    %dma_start3A_558 = tpu.memref_squeeze %dma_start3A_557 : memref<1x!tpu.dma_semaphore, #tpu.memory_space<semaphore_mem>> -> memref<!tpu.dma_semaphore, #tpu.memory_space<semaphore_mem>>
    %dma_start3A_559 = arith.constant 0 : i32
    %dma_start3A_560 = arith.constant 0 : i32
    %dma_start3A_561 = tpu.memref_slice %arg4[%dma_start3A, %dma_start3A_559, %dma_start3A_560] : memref<3x64x128xf32, #tpu.memory_space<vmem>> -> memref<1x64x128xf32, #tpu.memory_space<vmem>>
    %dma_start3A_562 = tpu.memref_squeeze %dma_start3A_561 : memref<1x64x128xf32, #tpu.memory_space<vmem>> -> memref<64x128xf32, #tpu.memory_space<vmem>>
    %dma_start3A_563 = tpu.memref_slice %arg2[%add3A_542, %mul3A_534] : memref<12288x4096xf32, #tpu.memory_space<hbm>> -> memref<64x128xf32, #tpu.memory_space<hbm>>
    tpu.enqueue_dma source(%dma_start3A_563 : memref<64x128xf32, #tpu.memory_space<hbm>>) target(%dma_start3A_562 : memref<64x128xf32, #tpu.memory_space<vmem>>) target_semaphore(%dma_start3A_558 : memref<!tpu.dma_semaphore, #tpu.memory_space<semaphore_mem>>)
    %dma_start3A_564 = arith.constant 1 : i32
    %dma_start3A_565 = arith.constant 0 : i32
    %dma_start3A_566 = arith.constant 0 : i32
    %dma_start3A_567 = arith.constant 0 : i32
    %dma_start3A_568 = tpu.memref_slice %arg4[%dma_start3A_564, %dma_start3A_566, %dma_start3A_567] : memref<3x64x128xf32, #tpu.memory_space<vmem>> -> memref<1x64x128xf32, #tpu.memory_space<vmem>>
    %dma_start3A_569 = tpu.memref_squeeze %dma_start3A_568 : memref<1x64x128xf32, #tpu.memory_space<vmem>> -> memref<64x128xf32, #tpu.memory_space<vmem>>
    %dma_start3A_570 = tpu.memref_slice %arg2[%add3A_546, %mul3A_534] : memref<12288x4096xf32, #tpu.memory_space<hbm>> -> memref<64x128xf32, #tpu.memory_space<hbm>>
    %dma_start3A_571 = tpu.memref_slice %arg7[%dma_start3A_565] : memref<2x!tpu.dma_semaphore, #tpu.memory_space<semaphore_mem>> -> memref<1x!tpu.dma_semaphore, #tpu.memory_space<semaphore_mem>>
    %dma_start3A_572 = tpu.memref_squeeze %dma_start3A_571 : memref<1x!tpu.dma_semaphore, #tpu.memory_space<semaphore_mem>> -> memref<!tpu.dma_semaphore, #tpu.memory_space<semaphore_mem>>
    %dma_start3A_573 = arith.constant 0 : i32
    %dma_start3A_574 = arith.constant 0 : i32
    %dma_start3A_575 = tpu.memref_slice %arg4[%dma_start3A_564, %dma_start3A_573, %dma_start3A_574] : memref<3x64x128xf32, #tpu.memory_space<vmem>> -> memref<1x64x128xf32, #tpu.memory_space<vmem>>
    %dma_start3A_576 = tpu.memref_squeeze %dma_start3A_575 : memref<1x64x128xf32, #tpu.memory_space<vmem>> -> memref<64x128xf32, #tpu.memory_space<vmem>>
    %dma_start3A_577 = tpu.memref_slice %arg2[%add3A_546, %mul3A_534] : memref<12288x4096xf32, #tpu.memory_space<hbm>> -> memref<64x128xf32, #tpu.memory_space<hbm>>
    tpu.enqueue_dma source(%dma_start3A_577 : memref<64x128xf32, #tpu.memory_space<hbm>>) target(%dma_start3A_576 : memref<64x128xf32, #tpu.memory_space<vmem>>) target_semaphore(%dma_start3A_572 : memref<!tpu.dma_semaphore, #tpu.memory_space<semaphore_mem>>)
    %dma_start3A_578 = arith.constant 2 : i32
    %dma_start3A_579 = arith.constant 0 : i32
    %dma_start3A_580 = arith.constant 0 : i32
    %dma_start3A_581 = arith.constant 0 : i32
    %dma_start3A_582 = tpu.memref_slice %arg4[%dma_start3A_578, %dma_start3A_580, %dma_start3A_581] : memref<3x64x128xf32, #tpu.memory_space<vmem>> -> memref<1x64x128xf32, #tpu.memory_space<vmem>>
    %dma_start3A_583 = tpu.memref_squeeze %dma_start3A_582 : memref<1x64x128xf32, #tpu.memory_space<vmem>> -> memref<64x128xf32, #tpu.memory_space<vmem>>
    %dma_start3A_584 = tpu.memref_slice %arg2[%add3A_550, %mul3A_534] : memref<12288x4096xf32, #tpu.memory_space<hbm>> -> memref<64x128xf32, #tpu.memory_space<hbm>>
    %dma_start3A_585 = tpu.memref_slice %arg7[%dma_start3A_579] : memref<2x!tpu.dma_semaphore, #tpu.memory_space<semaphore_mem>> -> memref<1x!tpu.dma_semaphore, #tpu.memory_space<semaphore_mem>>
    %dma_start3A_586 = tpu.memref_squeeze %dma_start3A_585 : memref<1x!tpu.dma_semaphore, #tpu.memory_space<semaphore_mem>> -> memref<!tpu.dma_semaphore, #tpu.memory_space<semaphore_mem>>
    %dma_start3A_587 = arith.constant 0 : i32
    %dma_start3A_588 = arith.constant 0 : i32
    %dma_start3A_589 = tpu.memref_slice %arg4[%dma_start3A_578, %dma_start3A_587, %dma_start3A_588] : memref<3x64x128xf32, #tpu.memory_space<vmem>> -> memref<1x64x128xf32, #tpu.memory_space<vmem>>
    %dma_start3A_590 = tpu.memref_squeeze %dma_start3A_589 : memref<1x64x128xf32, #tpu.memory_space<vmem>> -> memref<64x128xf32, #tpu.memory_space<vmem>>
    %dma_start3A_591 = tpu.memref_slice %arg2[%add3A_550, %mul3A_534] : memref<12288x4096xf32, #tpu.memory_space<hbm>> -> memref<64x128xf32, #tpu.memory_space<hbm>>
    tpu.enqueue_dma source(%dma_start3A_591 : memref<64x128xf32, #tpu.memory_space<hbm>>) target(%dma_start3A_590 : memref<64x128xf32, #tpu.memory_space<vmem>>) target_semaphore(%dma_start3A_586 : memref<!tpu.dma_semaphore, #tpu.memory_space<semaphore_mem>>)
    %mul3A_592 = arith.constant 8 : i32
    %mul3A_593 = arith.muli %add3A, %mul3A_592 : i32
    %add3A_594 = arith.constant 0 : i32
    %add3A_595 = arith.addi %mul3A_593, %add3A_594 : i32
    %shift_right_arithmetic3A_596 = arith.constant 5 : i32
    %shift_right_arithmetic3A_597 = arith.shrsi %add3A_595, %shift_right_arithmetic3A_596 : i32
    %and3A_598 = arith.constant 31 : i32
    %and3A_599 = arith.andi %add3A_595, %and3A_598 : i32
    %mul3A_600 = arith.constant 128 : i32
    %mul3A_601 = arith.muli %and3A_599, %mul3A_600 : i32
    %mul3A_602 = arith.constant 8 : i32
    %mul3A_603 = arith.muli %shift_right_arithmetic3A_597, %mul3A_602 : i32
    %add3A_604 = arith.constant 1 : i32
    %add3A_605 = arith.addi %mul3A_603, %add3A_604 : i32
    %mul3A_606 = arith.constant 64 : i32
    %mul3A_607 = arith.muli %add3A_605, %mul3A_606 : i32
    %add3A_608 = arith.constant 0 : i32
    %add3A_609 = arith.addi %add3A_608, %mul3A_607 : i32
    %mul3A_610 = arith.constant 64 : i32
    %mul3A_611 = arith.muli %add3A_605, %mul3A_610 : i32
    %add3A_612 = arith.constant 4096 : i32
    %add3A_613 = arith.addi %add3A_612, %mul3A_611 : i32
    %mul3A_614 = arith.constant 64 : i32
    %mul3A_615 = arith.muli %add3A_605, %mul3A_614 : i32
    %add3A_616 = arith.constant 8192 : i32
    %add3A_617 = arith.addi %add3A_616, %mul3A_615 : i32
    %dma_start3A_618 = arith.constant 0 : i32
    %dma_start3A_619 = arith.constant 1 : i32
    %dma_start3A_620 = arith.constant 0 : i32
    %dma_start3A_621 = arith.constant 0 : i32
    %dma_start3A_622 = tpu.memref_slice %arg5[%dma_start3A_618, %dma_start3A_620, %dma_start3A_621] : memref<3x64x128xf32, #tpu.memory_space<vmem>> -> memref<1x64x128xf32, #tpu.memory_space<vmem>>
    %dma_start3A_623 = tpu.memref_squeeze %dma_start3A_622 : memref<1x64x128xf32, #tpu.memory_space<vmem>> -> memref<64x128xf32, #tpu.memory_space<vmem>>
    %dma_start3A_624 = tpu.memref_slice %arg2[%add3A_609, %mul3A_601] : memref<12288x4096xf32, #tpu.memory_space<hbm>> -> memref<64x128xf32, #tpu.memory_space<hbm>>
    %dma_start3A_625 = tpu.memref_slice %arg7[%dma_start3A_619] : memref<2x!tpu.dma_semaphore, #tpu.memory_space<semaphore_mem>> -> memref<1x!tpu.dma_semaphore, #tpu.memory_space<semaphore_mem>>
    %dma_start3A_626 = tpu.memref_squeeze %dma_start3A_625 : memref<1x!tpu.dma_semaphore, #tpu.memory_space<semaphore_mem>> -> memref<!tpu.dma_semaphore, #tpu.memory_space<semaphore_mem>>
    %dma_start3A_627 = arith.constant 0 : i32
    %dma_start3A_628 = arith.constant 0 : i32
    %dma_start3A_629 = tpu.memref_slice %arg5[%dma_start3A_618, %dma_start3A_627, %dma_start3A_628] : memref<3x64x128xf32, #tpu.memory_space<vmem>> -> memref<1x64x128xf32, #tpu.memory_space<vmem>>
    %dma_start3A_630 = tpu.memref_squeeze %dma_start3A_629 : memref<1x64x128xf32, #tpu.memory_space<vmem>> -> memref<64x128xf32, #tpu.memory_space<vmem>>
    %dma_start3A_631 = tpu.memref_slice %arg2[%add3A_609, %mul3A_601] : memref<12288x4096xf32, #tpu.memory_space<hbm>> -> memref<64x128xf32, #tpu.memory_space<hbm>>
    tpu.enqueue_dma source(%dma_start3A_631 : memref<64x128xf32, #tpu.memory_space<hbm>>) target(%dma_start3A_630 : memref<64x128xf32, #tpu.memory_space<vmem>>) target_semaphore(%dma_start3A_626 : memref<!tpu.dma_semaphore, #tpu.memory_space<semaphore_mem>>)
    %dma_start3A_632 = arith.constant 1 : i32
    %dma_start3A_633 = arith.constant 1 : i32
    %dma_start3A_634 = arith.constant 0 : i32
    %dma_start3A_635 = arith.constant 0 : i32
    %dma_start3A_636 = tpu.memref_slice %arg5[%dma_start3A_632, %dma_start3A_634, %dma_start3A_635] : memref<3x64x128xf32, #tpu.memory_space<vmem>> -> memref<1x64x128xf32, #tpu.memory_space<vmem>>
    %dma_start3A_637 = tpu.memref_squeeze %dma_start3A_636 : memref<1x64x128xf32, #tpu.memory_space<vmem>> -> memref<64x128xf32, #tpu.memory_space<vmem>>
    %dma_start3A_638 = tpu.memref_slice %arg2[%add3A_613, %mul3A_601] : memref<12288x4096xf32, #tpu.memory_space<hbm>> -> memref<64x128xf32, #tpu.memory_space<hbm>>
    %dma_start3A_639 = tpu.memref_slice %arg7[%dma_start3A_633] : memref<2x!tpu.dma_semaphore, #tpu.memory_space<semaphore_mem>> -> memref<1x!tpu.dma_semaphore, #tpu.memory_space<semaphore_mem>>
    %dma_start3A_640 = tpu.memref_squeeze %dma_start3A_639 : memref<1x!tpu.dma_semaphore, #tpu.memory_space<semaphore_mem>> -> memref<!tpu.dma_semaphore, #tpu.memory_space<semaphore_mem>>
    %dma_start3A_641 = arith.constant 0 : i32
    %dma_start3A_642 = arith.constant 0 : i32
    %dma_start3A_643 = tpu.memref_slice %arg5[%dma_start3A_632, %dma_start3A_641, %dma_start3A_642] : memref<3x64x128xf32, #tpu.memory_space<vmem>> -> memref<1x64x128xf32, #tpu.memory_space<vmem>>
    %dma_start3A_644 = tpu.memref_squeeze %dma_start3A_643 : memref<1x64x128xf32, #tpu.memory_space<vmem>> -> memref<64x128xf32, #tpu.memory_space<vmem>>
    %dma_start3A_645 = tpu.memref_slice %arg2[%add3A_613, %mul3A_601] : memref<12288x4096xf32, #tpu.memory_space<hbm>> -> memref<64x128xf32, #tpu.memory_space<hbm>>
    tpu.enqueue_dma source(%dma_start3A_645 : memref<64x128xf32, #tpu.memory_space<hbm>>) target(%dma_start3A_644 : memref<64x128xf32, #tpu.memory_space<vmem>>) target_semaphore(%dma_start3A_640 : memref<!tpu.dma_semaphore, #tpu.memory_space<semaphore_mem>>)
    %dma_start3A_646 = arith.constant 2 : i32
    %dma_start3A_647 = arith.constant 1 : i32
    %dma_start3A_648 = arith.constant 0 : i32
    %dma_start3A_649 = arith.constant 0 : i32
    %dma_start3A_650 = tpu.memref_slice %arg5[%dma_start3A_646, %dma_start3A_648, %dma_start3A_649] : memref<3x64x128xf32, #tpu.memory_space<vmem>> -> memref<1x64x128xf32, #tpu.memory_space<vmem>>
    %dma_start3A_651 = tpu.memref_squeeze %dma_start3A_650 : memref<1x64x128xf32, #tpu.memory_space<vmem>> -> memref<64x128xf32, #tpu.memory_space<vmem>>
    %dma_start3A_652 = tpu.memref_slice %arg2[%add3A_617, %mul3A_601] : memref<12288x4096xf32, #tpu.memory_space<hbm>> -> memref<64x128xf32, #tpu.memory_space<hbm>>
    %dma_start3A_653 = tpu.memref_slice %arg7[%dma_start3A_647] : memref<2x!tpu.dma_semaphore, #tpu.memory_space<semaphore_mem>> -> memref<1x!tpu.dma_semaphore, #tpu.memory_space<semaphore_mem>>
    %dma_start3A_654 = tpu.memref_squeeze %dma_start3A_653 : memref<1x!tpu.dma_semaphore, #tpu.memory_space<semaphore_mem>> -> memref<!tpu.dma_semaphore, #tpu.memory_space<semaphore_mem>>
    %dma_start3A_655 = arith.constant 0 : i32
    %dma_start3A_656 = arith.constant 0 : i32
    %dma_start3A_657 = tpu.memref_slice %arg5[%dma_start3A_646, %dma_start3A_655, %dma_start3A_656] : memref<3x64x128xf32, #tpu.memory_space<vmem>> -> memref<1x64x128xf32, #tpu.memory_space<vmem>>
    %dma_start3A_658 = tpu.memref_squeeze %dma_start3A_657 : memref<1x64x128xf32, #tpu.memory_space<vmem>> -> memref<64x128xf32, #tpu.memory_space<vmem>>
    %dma_start3A_659 = tpu.memref_slice %arg2[%add3A_617, %mul3A_601] : memref<12288x4096xf32, #tpu.memory_space<hbm>> -> memref<64x128xf32, #tpu.memory_space<hbm>>
    tpu.enqueue_dma source(%dma_start3A_659 : memref<64x128xf32, #tpu.memory_space<hbm>>) target(%dma_start3A_658 : memref<64x128xf32, #tpu.memory_space<vmem>>) target_semaphore(%dma_start3A_654 : memref<!tpu.dma_semaphore, #tpu.memory_space<semaphore_mem>>)
    %scan3A = arith.constant 0 : i32
    %scan3A_660 = arith.constant 32 : i32
    %scan3A_661 = arith.addi %scan3A, %scan3A_660 : i32
    %scan3A_662 = arith.constant 1 : i32
    scf.for %scan3A_871 = %scan3A to %scan3A_661 step %scan3A_662  : i32 {
      %mul3A_872 = arith.constant 2 : i32
      %mul3A_873 = arith.muli %scan3A_871, %mul3A_872 : i32
      %add3A_874 = arith.constant 0 : i32
      %add3A_875 = arith.addi %add3A_874, %mul3A_873 : i32
      %add3A_876 = arith.constant 0 : i32
      %add3A_877 = arith.addi %add3A_875, %add3A_876 : i32
      %mul3A_878 = arith.constant 8 : i32
      %mul3A_879 = arith.muli %add3A, %mul3A_878 : i32
      %shift_right_arithmetic3A_880 = arith.constant 3 : i32
      %shift_right_arithmetic3A_881 = arith.shrsi %add3A_877, %shift_right_arithmetic3A_880 : i32
      %add3A_882 = arith.addi %mul3A_879, %shift_right_arithmetic3A_881 : i32
      %shift_right_arithmetic3A_883 = arith.constant 5 : i32
      %shift_right_arithmetic3A_884 = arith.shrsi %add3A_882, %shift_right_arithmetic3A_883 : i32
      %and3A_885 = arith.constant 31 : i32
      %and3A_886 = arith.andi %add3A_882, %and3A_885 : i32
      %mul3A_887 = arith.constant 128 : i32
      %mul3A_888 = arith.muli %and3A_886, %mul3A_887 : i32
      %and3A_889 = arith.constant 7 : i32
      %and3A_890 = arith.andi %add3A_877, %and3A_889 : i32
      %mul3A_891 = arith.constant 8 : i32
      %mul3A_892 = arith.muli %shift_right_arithmetic3A_884, %mul3A_891 : i32
      %add3A_893 = arith.addi %mul3A_892, %and3A_890 : i32
      %mul3A_894 = arith.constant 64 : i32
      %mul3A_895 = arith.muli %add3A_893, %mul3A_894 : i32
      %add3A_896 = arith.constant 0 : i32
      %add3A_897 = arith.addi %add3A_896, %mul3A_895 : i32
      %mul3A_898 = arith.constant 64 : i32
      %mul3A_899 = arith.muli %add3A_893, %mul3A_898 : i32
      %add3A_900 = arith.constant 4096 : i32
      %add3A_901 = arith.addi %add3A_900, %mul3A_899 : i32
      %mul3A_902 = arith.constant 64 : i32
      %mul3A_903 = arith.muli %add3A_893, %mul3A_902 : i32
      %add3A_904 = arith.constant 8192 : i32
      %add3A_905 = arith.addi %add3A_904, %mul3A_903 : i32
      %dma_wait3A_906 = arith.constant 0 : i32
      %dma_wait3A_907 = arith.constant 0 : i32
      %dma_wait3A_908 = arith.constant 0 : i32
      %dma_wait3A_909 = arith.constant 0 : i32
      %dma_wait3A_910 = tpu.memref_slice %arg4[%dma_wait3A_906, %dma_wait3A_908, %dma_wait3A_909] : memref<3x64x128xf32, #tpu.memory_space<vmem>> -> memref<1x64x128xf32, #tpu.memory_space<vmem>>
      %dma_wait3A_911 = tpu.memref_squeeze %dma_wait3A_910 : memref<1x64x128xf32, #tpu.memory_space<vmem>> -> memref<64x128xf32, #tpu.memory_space<vmem>>
      %dma_wait3A_912 = tpu.memref_slice %arg2[%add3A_897, %mul3A_888] : memref<12288x4096xf32, #tpu.memory_space<hbm>> -> memref<64x128xf32, #tpu.memory_space<hbm>>
      %dma_wait3A_913 = tpu.memref_slice %arg7[%dma_wait3A_907] : memref<2x!tpu.dma_semaphore, #tpu.memory_space<semaphore_mem>> -> memref<1x!tpu.dma_semaphore, #tpu.memory_space<semaphore_mem>>
      %dma_wait3A_914 = tpu.memref_squeeze %dma_wait3A_913 : memref<1x!tpu.dma_semaphore, #tpu.memory_space<semaphore_mem>> -> memref<!tpu.dma_semaphore, #tpu.memory_space<semaphore_mem>>
      %dma_wait3A_915 = arith.constant 0 : i32
      %dma_wait3A_916 = arith.constant 0 : i32
      %dma_wait3A_917 = tpu.memref_slice %arg4[%dma_wait3A_906, %dma_wait3A_915, %dma_wait3A_916] : memref<3x64x128xf32, #tpu.memory_space<vmem>> -> memref<1x64x128xf32, #tpu.memory_space<vmem>>
      %dma_wait3A_918 = tpu.memref_squeeze %dma_wait3A_917 : memref<1x64x128xf32, #tpu.memory_space<vmem>> -> memref<64x128xf32, #tpu.memory_space<vmem>>
      %dma_wait3A_919 = tpu.memref_slice %arg2[%add3A_897, %mul3A_888] : memref<12288x4096xf32, #tpu.memory_space<hbm>> -> memref<64x128xf32, #tpu.memory_space<hbm>>
      tpu.wait_dma2 semaphore(%dma_wait3A_914 : memref<!tpu.dma_semaphore, #tpu.memory_space<semaphore_mem>>) src(%dma_wait3A_919 : memref<64x128xf32, #tpu.memory_space<hbm>>) dst(%dma_wait3A_918 : memref<64x128xf32, #tpu.memory_space<vmem>>)
      %dma_wait3A_920 = arith.constant 1 : i32
      %dma_wait3A_921 = arith.constant 0 : i32
      %dma_wait3A_922 = arith.constant 0 : i32
      %dma_wait3A_923 = arith.constant 0 : i32
      %dma_wait3A_924 = tpu.memref_slice %arg4[%dma_wait3A_920, %dma_wait3A_922, %dma_wait3A_923] : memref<3x64x128xf32, #tpu.memory_space<vmem>> -> memref<1x64x128xf32, #tpu.memory_space<vmem>>
      %dma_wait3A_925 = tpu.memref_squeeze %dma_wait3A_924 : memref<1x64x128xf32, #tpu.memory_space<vmem>> -> memref<64x128xf32, #tpu.memory_space<vmem>>
      %dma_wait3A_926 = tpu.memref_slice %arg2[%add3A_901, %mul3A_888] : memref<12288x4096xf32, #tpu.memory_space<hbm>> -> memref<64x128xf32, #tpu.memory_space<hbm>>
      %dma_wait3A_927 = tpu.memref_slice %arg7[%dma_wait3A_921] : memref<2x!tpu.dma_semaphore, #tpu.memory_space<semaphore_mem>> -> memref<1x!tpu.dma_semaphore, #tpu.memory_space<semaphore_mem>>
      %dma_wait3A_928 = tpu.memref_squeeze %dma_wait3A_927 : memref<1x!tpu.dma_semaphore, #tpu.memory_space<semaphore_mem>> -> memref<!tpu.dma_semaphore, #tpu.memory_space<semaphore_mem>>
      %dma_wait3A_929 = arith.constant 0 : i32
      %dma_wait3A_930 = arith.constant 0 : i32
      %dma_wait3A_931 = tpu.memref_slice %arg4[%dma_wait3A_920, %dma_wait3A_929, %dma_wait3A_930] : memref<3x64x128xf32, #tpu.memory_space<vmem>> -> memref<1x64x128xf32, #tpu.memory_space<vmem>>
      %dma_wait3A_932 = tpu.memref_squeeze %dma_wait3A_931 : memref<1x64x128xf32, #tpu.memory_space<vmem>> -> memref<64x128xf32, #tpu.memory_space<vmem>>
      %dma_wait3A_933 = tpu.memref_slice %arg2[%add3A_901, %mul3A_888] : memref<12288x4096xf32, #tpu.memory_space<hbm>> -> memref<64x128xf32, #tpu.memory_space<hbm>>
      tpu.wait_dma2 semaphore(%dma_wait3A_928 : memref<!tpu.dma_semaphore, #tpu.memory_space<semaphore_mem>>) src(%dma_wait3A_933 : memref<64x128xf32, #tpu.memory_space<hbm>>) dst(%dma_wait3A_932 : memref<64x128xf32, #tpu.memory_space<vmem>>)
      %dma_wait3A_934 = arith.constant 2 : i32
      %dma_wait3A_935 = arith.constant 0 : i32
      %dma_wait3A_936 = arith.constant 0 : i32
      %dma_wait3A_937 = arith.constant 0 : i32
      %dma_wait3A_938 = tpu.memref_slice %arg4[%dma_wait3A_934, %dma_wait3A_936, %dma_wait3A_937] : memref<3x64x128xf32, #tpu.memory_space<vmem>> -> memref<1x64x128xf32, #tpu.memory_space<vmem>>
      %dma_wait3A_939 = tpu.memref_squeeze %dma_wait3A_938 : memref<1x64x128xf32, #tpu.memory_space<vmem>> -> memref<64x128xf32, #tpu.memory_space<vmem>>
      %dma_wait3A_940 = tpu.memref_slice %arg2[%add3A_905, %mul3A_888] : memref<12288x4096xf32, #tpu.memory_space<hbm>> -> memref<64x128xf32, #tpu.memory_space<hbm>>
      %dma_wait3A_941 = tpu.memref_slice %arg7[%dma_wait3A_935] : memref<2x!tpu.dma_semaphore, #tpu.memory_space<semaphore_mem>> -> memref<1x!tpu.dma_semaphore, #tpu.memory_space<semaphore_mem>>
      %dma_wait3A_942 = tpu.memref_squeeze %dma_wait3A_941 : memref<1x!tpu.dma_semaphore, #tpu.memory_space<semaphore_mem>> -> memref<!tpu.dma_semaphore, #tpu.memory_space<semaphore_mem>>
      %dma_wait3A_943 = arith.constant 0 : i32
      %dma_wait3A_944 = arith.constant 0 : i32
      %dma_wait3A_945 = tpu.memref_slice %arg4[%dma_wait3A_934, %dma_wait3A_943, %dma_wait3A_944] : memref<3x64x128xf32, #tpu.memory_space<vmem>> -> memref<1x64x128xf32, #tpu.memory_space<vmem>>
      %dma_wait3A_946 = tpu.memref_squeeze %dma_wait3A_945 : memref<1x64x128xf32, #tpu.memory_space<vmem>> -> memref<64x128xf32, #tpu.memory_space<vmem>>
      %dma_wait3A_947 = tpu.memref_slice %arg2[%add3A_905, %mul3A_888] : memref<12288x4096xf32, #tpu.memory_space<hbm>> -> memref<64x128xf32, #tpu.memory_space<hbm>>
      tpu.wait_dma2 semaphore(%dma_wait3A_942 : memref<!tpu.dma_semaphore, #tpu.memory_space<semaphore_mem>>) src(%dma_wait3A_947 : memref<64x128xf32, #tpu.memory_space<hbm>>) dst(%dma_wait3A_946 : memref<64x128xf32, #tpu.memory_space<vmem>>)
      %ge3A = arith.constant 8 : i32
      %ge3A_948 = arith.cmpi sge, %add3A_877, %ge3A : i32
      %convert_element_type3A = arith.extui %ge3A_948 : i1 to i32
      %cond3A = arith.constant 0 : i32
      %cond3A_949 = arith.cmpi ne, %convert_element_type3A, %cond3A : i32
      scf.if %cond3A_949 {
        %sub3A = arith.constant 8 : i32
        %sub3A_1121 = arith.subi %add3A_877, %sub3A : i32
        %mul3A_1122 = arith.constant 8 : i32
        %mul3A_1123 = arith.muli %add3A, %mul3A_1122 : i32
        %shift_right_arithmetic3A_1124 = arith.constant 3 : i32
        %shift_right_arithmetic3A_1125 = arith.shrsi %sub3A_1121, %shift_right_arithmetic3A_1124 : i32
        %add3A_1126 = arith.addi %mul3A_1123, %shift_right_arithmetic3A_1125 : i32
        %shift_right_arithmetic3A_1127 = arith.constant 5 : i32
        %shift_right_arithmetic3A_1128 = arith.shrsi %add3A_1126, %shift_right_arithmetic3A_1127 : i32
        %and3A_1129 = arith.constant 31 : i32
        %and3A_1130 = arith.andi %add3A_1126, %and3A_1129 : i32
        %mul3A_1131 = arith.constant 128 : i32
        %mul3A_1132 = arith.muli %and3A_1130, %mul3A_1131 : i32
        %and3A_1133 = arith.constant 7 : i32
        %and3A_1134 = arith.andi %sub3A_1121, %and3A_1133 : i32
        %lt3A_1135 = arith.constant 7 : i32
        %lt3A_1136 = arith.cmpi slt, %and3A_1134, %lt3A_1135 : i32
        %convert_element_type3A_1137 = arith.extui %lt3A_1136 : i1 to i32
        %cond3A_1138 = arith.constant 0 : i32
        %cond3A_1139 = arith.cmpi ne, %convert_element_type3A_1137, %cond3A_1138 : i32
        scf.if %cond3A_1139 {
          %mul3A_1145 = arith.constant 8 : i32
          %mul3A_1146 = arith.muli %add3A, %mul3A_1145 : i32
          %shift_right_arithmetic3A_1147 = arith.constant 3 : i32
          %shift_right_arithmetic3A_1148 = arith.shrsi %sub3A_1121, %shift_right_arithmetic3A_1147 : i32
          %add3A_1149 = arith.addi %mul3A_1146, %shift_right_arithmetic3A_1148 : i32
          %shift_right_arithmetic3A_1150 = arith.constant 5 : i32
          %shift_right_arithmetic3A_1151 = arith.shrsi %add3A_1149, %shift_right_arithmetic3A_1150 : i32
          %and3A_1152 = arith.constant 31 : i32
          %and3A_1153 = arith.andi %add3A_1149, %and3A_1152 : i32
          %mul3A_1154 = arith.constant 128 : i32
          %mul3A_1155 = arith.muli %and3A_1153, %mul3A_1154 : i32
          %and3A_1156 = arith.constant 7 : i32
          %and3A_1157 = arith.andi %sub3A_1121, %and3A_1156 : i32
          %mul3A_1158 = arith.constant 8 : i32
          %mul3A_1159 = arith.muli %and3A_1157, %mul3A_1158 : i32
          %mul3A_1160 = arith.constant 65 : i32
          %mul3A_1161 = arith.muli %shift_right_arithmetic3A_1151, %mul3A_1160 : i32
          %mul3A_1162 = arith.constant 8 : i32
          %mul3A_1163 = arith.muli %and3A_1157, %mul3A_1162 : i32
          %add3A_1164 = arith.addi %mul3A_1161, %mul3A_1163 : i32
          %dma_wait3A_1165 = arith.constant 0 : i32
          %dma_wait3A_1166 = arith.constant 0 : i32
          %dma_wait3A_1167 = tpu.memref_slice %arg6[%mul3A_1159, %dma_wait3A_1165, %dma_wait3A_1166] : memref<65x8x128xi32, #tpu.memory_space<vmem>> -> memref<8x8x128xi32, #tpu.memory_space<vmem>>
          %dma_wait3A_1168 = arith.constant 0 : i32
          %dma_wait3A_1169 = tpu.memref_slice %arg3[%add3A_1164, %dma_wait3A_1168, %mul3A_1155] : memref<520x8x4096xi32, #tpu.memory_space<hbm>> -> memref<8x8x128xi32, #tpu.memory_space<hbm>>
          %dma_wait3A_1170 = arith.constant 0 : i32
          %dma_wait3A_1171 = tpu.memref_slice %arg3[%add3A_1164, %dma_wait3A_1170, %mul3A_1155] : memref<520x8x4096xi32, #tpu.memory_space<hbm>> -> memref<8x8x128xi32, #tpu.memory_space<hbm>>
          %dma_wait3A_1172 = arith.constant 0 : i32
          %dma_wait3A_1173 = arith.constant 0 : i32
          %dma_wait3A_1174 = tpu.memref_slice %arg6[%mul3A_1159, %dma_wait3A_1172, %dma_wait3A_1173] : memref<65x8x128xi32, #tpu.memory_space<vmem>> -> memref<8x8x128xi32, #tpu.memory_space<vmem>>
          tpu.wait_dma2 semaphore(%arg8 : memref<!tpu.dma_semaphore, #tpu.memory_space<semaphore_mem>>) src(%dma_wait3A_1174 : memref<8x8x128xi32, #tpu.memory_space<vmem>>) dst(%dma_wait3A_1171 : memref<8x8x128xi32, #tpu.memory_space<hbm>>)
        } else {
        }
        %eq3A_1140 = arith.constant 7 : i32
        %eq3A_1141 = arith.cmpi eq, %and3A_1134, %eq3A_1140 : i32
        %convert_element_type3A_1142 = arith.extui %eq3A_1141 : i1 to i32
        %cond3A_1143 = arith.constant 0 : i32
        %cond3A_1144 = arith.cmpi ne, %convert_element_type3A_1142, %cond3A_1143 : i32
        scf.if %cond3A_1144 {
          %mul3A_1145 = arith.constant 8 : i32
          %mul3A_1146 = arith.muli %add3A, %mul3A_1145 : i32
          %shift_right_arithmetic3A_1147 = arith.constant 3 : i32
          %shift_right_arithmetic3A_1148 = arith.shrsi %sub3A_1121, %shift_right_arithmetic3A_1147 : i32
          %add3A_1149 = arith.addi %mul3A_1146, %shift_right_arithmetic3A_1148 : i32
          %shift_right_arithmetic3A_1150 = arith.constant 5 : i32
          %shift_right_arithmetic3A_1151 = arith.shrsi %add3A_1149, %shift_right_arithmetic3A_1150 : i32
          %and3A_1152 = arith.constant 31 : i32
          %and3A_1153 = arith.andi %add3A_1149, %and3A_1152 : i32
          %mul3A_1154 = arith.constant 128 : i32
          %mul3A_1155 = arith.muli %and3A_1153, %mul3A_1154 : i32
          %and3A_1156 = arith.constant 7 : i32
          %and3A_1157 = arith.andi %sub3A_1121, %and3A_1156 : i32
          %mul3A_1158 = arith.constant 8 : i32
          %mul3A_1159 = arith.muli %and3A_1157, %mul3A_1158 : i32
          %mul3A_1160 = arith.constant 65 : i32
          %mul3A_1161 = arith.muli %shift_right_arithmetic3A_1151, %mul3A_1160 : i32
          %mul3A_1162 = arith.constant 8 : i32
          %mul3A_1163 = arith.muli %and3A_1157, %mul3A_1162 : i32
          %add3A_1164 = arith.addi %mul3A_1161, %mul3A_1163 : i32
          %dma_wait3A_1165 = arith.constant 0 : i32
          %dma_wait3A_1166 = arith.constant 0 : i32
          %dma_wait3A_1167 = tpu.memref_slice %arg6[%mul3A_1159, %dma_wait3A_1165, %dma_wait3A_1166] : memref<65x8x128xi32, #tpu.memory_space<vmem>> -> memref<9x8x128xi32, #tpu.memory_space<vmem>>
          %dma_wait3A_1168 = arith.constant 0 : i32
          %dma_wait3A_1169 = tpu.memref_slice %arg3[%add3A_1164, %dma_wait3A_1168, %mul3A_1155] : memref<520x8x4096xi32, #tpu.memory_space<hbm>> -> memref<9x8x128xi32, #tpu.memory_space<hbm>>
          %dma_wait3A_1170 = arith.constant 0 : i32
          %dma_wait3A_1171 = tpu.memref_slice %arg3[%add3A_1164, %dma_wait3A_1170, %mul3A_1155] : memref<520x8x4096xi32, #tpu.memory_space<hbm>> -> memref<9x8x128xi32, #tpu.memory_space<hbm>>
          %dma_wait3A_1172 = arith.constant 0 : i32
          %dma_wait3A_1173 = arith.constant 0 : i32
          %dma_wait3A_1174 = tpu.memref_slice %arg6[%mul3A_1159, %dma_wait3A_1172, %dma_wait3A_1173] : memref<65x8x128xi32, #tpu.memory_space<vmem>> -> memref<9x8x128xi32, #tpu.memory_space<vmem>>
          tpu.wait_dma2 semaphore(%arg8 : memref<!tpu.dma_semaphore, #tpu.memory_space<semaphore_mem>>) src(%dma_wait3A_1174 : memref<9x8x128xi32, #tpu.memory_space<vmem>>) dst(%dma_wait3A_1171 : memref<9x8x128xi32, #tpu.memory_space<hbm>>)
        } else {
        }
      } else {
      }
      %mul3A_950 = arith.constant 8 : i32
      %mul3A_951 = arith.muli %add3A, %mul3A_950 : i32
      %shift_right_arithmetic3A_952 = arith.constant 3 : i32
      %shift_right_arithmetic3A_953 = arith.shrsi %add3A_877, %shift_right_arithmetic3A_952 : i32
      %add3A_954 = arith.addi %mul3A_951, %shift_right_arithmetic3A_953 : i32
      %shift_right_arithmetic3A_955 = arith.constant 5 : i32
      %shift_right_arithmetic3A_956 = arith.shrsi %add3A_954, %shift_right_arithmetic3A_955 : i32
      %and3A_957 = arith.constant 31 : i32
      %and3A_958 = arith.andi %add3A_954, %and3A_957 : i32
      %mul3A_959 = arith.constant 128 : i32
      %mul3A_960 = arith.muli %and3A_958, %mul3A_959 : i32
      %and3A_961 = arith.constant 7 : i32
      %and3A_962 = arith.andi %add3A_877, %and3A_961 : i32
      %mul3A_963 = arith.constant 65 : i32
      %mul3A_964 = arith.muli %and3A_962, %mul3A_963 : i32
      %parallel_loop3A = arith.constant 0 : i32
      %parallel_loop3A_965 = arith.constant 512 : i32
      %parallel_loop3A_966 = arith.constant 1 : i32
      scf.for %parallel_loop3A_1121 = %parallel_loop3A to %parallel_loop3A_965 step %parallel_loop3A_966  : i32 {
        %parallel_loop3A_1122 = arith.constant 3 : i32
        %parallel_loop3A_1123 = arith.shrsi %parallel_loop3A_1121, %parallel_loop3A_1122 : i32
        %parallel_loop3A_1124 = arith.constant 7 : i32
        %parallel_loop3A_1125 = arith.andi %parallel_loop3A_1121, %parallel_loop3A_1124 : i32
        %parallel_loop3A_1126 = arith.constant 16 : i32
        %parallel_loop3A_1127 = arith.muli %parallel_loop3A_1125, %parallel_loop3A_1126 : i32
        %parallel_loop3A_1128 = arith.addi %mul3A_964, %parallel_loop3A_1123 : i32
        %parallel_loop3A_1129 = arith.constant 0 : i32
        %parallel_loop3A_1130 = arith.index_cast %parallel_loop3A_1129 : i32 to index
        %parallel_loop3A_1131 = arith.index_cast %parallel_loop3A_1123 : i32 to index
        %parallel_loop3A_1132 = arith.index_cast %parallel_loop3A_1127 : i32 to index
        %parallel_loop3A_1133 = tpu.vector_load %arg4[%parallel_loop3A_1130, %parallel_loop3A_1131, %parallel_loop3A_1132] {strides = array<i32>} : memref<3x64x128xf32, #tpu.memory_space<vmem>>, vector<1x1x16xf32>,
        %parallel_loop3A_1134 = vector.shape_cast %parallel_loop3A_1133 : vector<1x1x16xf32> to vector<16xf32>
        %parallel_loop3A_1135 = arith.constant 1 : i32
        %parallel_loop3A_1136 = arith.index_cast %parallel_loop3A_1135 : i32 to index
        %parallel_loop3A_1137 = arith.index_cast %parallel_loop3A_1123 : i32 to index
        %parallel_loop3A_1138 = arith.index_cast %parallel_loop3A_1127 : i32 to index
        %parallel_loop3A_1139 = tpu.vector_load %arg4[%parallel_loop3A_1136, %parallel_loop3A_1137, %parallel_loop3A_1138] {strides = array<i32>} : memref<3x64x128xf32, #tpu.memory_space<vmem>>, vector<1x1x16xf32>,
        %parallel_loop3A_1140 = vector.shape_cast %parallel_loop3A_1139 : vector<1x1x16xf32> to vector<16xf32>
        %parallel_loop3A_1141 = arith.constant 2 : i32
        %parallel_loop3A_1142 = arith.index_cast %parallel_loop3A_1141 : i32 to index
        %parallel_loop3A_1143 = arith.index_cast %parallel_loop3A_1123 : i32 to index
        %parallel_loop3A_1144 = arith.index_cast %parallel_loop3A_1127 : i32 to index
        %parallel_loop3A_1145 = tpu.vector_load %arg4[%parallel_loop3A_1142, %parallel_loop3A_1143, %parallel_loop3A_1144] {strides = array<i32>} : memref<3x64x128xf32, #tpu.memory_space<vmem>>, vector<1x1x16xf32>,
        %parallel_loop3A_1146 = vector.shape_cast %parallel_loop3A_1145 : vector<1x1x16xf32> to vector<16xf32>
        %parallel_loop3A_1147 = arith.addf %parallel_loop3A_1140, %parallel_loop3A_1140 : vector<16xf32>
        %parallel_loop3A_1148 = arith.addf %parallel_loop3A_1134, %parallel_loop3A_1147 : vector<16xf32>
        %parallel_loop3A_1149 = arith.addf %parallel_loop3A_1146, %parallel_loop3A_1146 : vector<16xf32>
        %parallel_loop3A_1150 = arith.addf %parallel_loop3A_1148, %parallel_loop3A_1149 : vector<16xf32>
        %parallel_loop3A_1151 = arith.addf %parallel_loop3A_1146, %parallel_loop3A_1146 : vector<16xf32>
        %parallel_loop3A_1152 = arith.addf %parallel_loop3A_1150, %parallel_loop3A_1151 : vector<16xf32>
        %parallel_loop3A_1153 = arith.fptosi %parallel_loop3A_1152 : vector<16xf32> to vector<16xi32>
        %parallel_loop3A_1154 = vector.shape_cast %parallel_loop3A_1153 : vector<16xi32> to vector<16x1xi32>
        %parallel_loop3A_1155 = vector.shape_cast %parallel_loop3A_1154 : vector<16x1xi32> to vector<16xi32>
        %parallel_loop3A_1156 = tpu.dynamic_gather %select_n3A_13[%parallel_loop3A_1155] in [0] : vector<16xi32>, vector<16xi32> -> vector<16xi32>
        %parallel_loop3A_1157 = arith.constant 3 : i32
        %parallel_loop3A_1158 = arith.shrsi %parallel_loop3A_1128, %parallel_loop3A_1157 : i32
        %parallel_loop3A_1159 = arith.constant 7 : i32
        %parallel_loop3A_1160 = arith.andi %parallel_loop3A_1128, %parallel_loop3A_1159 : i32
        %parallel_loop3A_1161 = arith.index_cast %parallel_loop3A_1158 : i32 to index
        %parallel_loop3A_1162 = arith.index_cast %parallel_loop3A_1160 : i32 to index
        %parallel_loop3A_1163 = arith.index_cast %parallel_loop3A_1127 : i32 to index
        %parallel_loop3A_1164 = tpu.vector_load %arg6[%parallel_loop3A_1161, %parallel_loop3A_1162, %parallel_loop3A_1163] {strides = array<i32>} : memref<65x8x128xi32, #tpu.memory_space<vmem>>, vector<1x1x16xi32>,
        %parallel_loop3A_1165 = vector.shape_cast %parallel_loop3A_1164 : vector<1x1x16xi32> to vector<16xi32>
        %parallel_loop3A_1166 = vector.shape_cast %parallel_loop3A_1156 : vector<16xi32> to vector<1x1x16xi32>
        tpu.vector_store %arg6[%parallel_loop3A_1161, %parallel_loop3A_1162, %parallel_loop3A_1163], %parallel_loop3A_1166 {strides = array<i32>} : memref<65x8x128xi32, #tpu.memory_space<vmem>>, vector<1x1x16xi32>,
      } {sc.loop_unroll_factor = 16 : i64, sc.parallel_access}
      %mul3A_967 = arith.constant 8 : i32
      %mul3A_968 = arith.muli %add3A, %mul3A_967 : i32
      %shift_right_arithmetic3A_969 = arith.constant 3 : i32
      %shift_right_arithmetic3A_970 = arith.shrsi %add3A_877, %shift_right_arithmetic3A_969 : i32
      %add3A_971 = arith.addi %mul3A_968, %shift_right_arithmetic3A_970 : i32
      %shift_right_arithmetic3A_972 = arith.constant 5 : i32
      %shift_right_arithmetic3A_973 = arith.shrsi %add3A_971, %shift_right_arithmetic3A_972 : i32
      %and3A_974 = arith.constant 31 : i32
      %and3A_975 = arith.andi %add3A_971, %and3A_974 : i32
      %mul3A_976 = arith.constant 128 : i32
      %mul3A_977 = arith.muli %and3A_975, %mul3A_976 : i32
      %and3A_978 = arith.constant 7 : i32
      %and3A_979 = arith.andi %add3A_877, %and3A_978 : i32
      %lt3A = arith.constant 7 : i32
      %lt3A_980 = arith.cmpi slt, %and3A_979, %lt3A : i32
      %convert_element_type3A_981 = arith.extui %lt3A_980 : i1 to i32
      %cond3A_982 = arith.constant 0 : i32
      %cond3A_983 = arith.cmpi ne, %convert_element_type3A_981, %cond3A_982 : i32
      scf.if %cond3A_983 {
        %mul3A_1121 = arith.constant 8 : i32
        %mul3A_1122 = arith.muli %add3A, %mul3A_1121 : i32
        %shift_right_arithmetic3A_1123 = arith.constant 3 : i32
        %shift_right_arithmetic3A_1124 = arith.shrsi %add3A_877, %shift_right_arithmetic3A_1123 : i32
        %add3A_1125 = arith.addi %mul3A_1122, %shift_right_arithmetic3A_1124 : i32
        %shift_right_arithmetic3A_1126 = arith.constant 5 : i32
        %shift_right_arithmetic3A_1127 = arith.shrsi %add3A_1125, %shift_right_arithmetic3A_1126 : i32
        %and3A_1128 = arith.constant 31 : i32
        %and3A_1129 = arith.andi %add3A_1125, %and3A_1128 : i32
        %mul3A_1130 = arith.constant 128 : i32
        %mul3A_1131 = arith.muli %and3A_1129, %mul3A_1130 : i32
        %and3A_1132 = arith.constant 7 : i32
        %and3A_1133 = arith.andi %add3A_877, %and3A_1132 : i32
        %mul3A_1134 = arith.constant 8 : i32
        %mul3A_1135 = arith.muli %and3A_1133, %mul3A_1134 : i32
        %mul3A_1136 = arith.constant 65 : i32
        %mul3A_1137 = arith.muli %shift_right_arithmetic3A_1127, %mul3A_1136 : i32
        %mul3A_1138 = arith.constant 8 : i32
        %mul3A_1139 = arith.muli %and3A_1133, %mul3A_1138 : i32
        %add3A_1140 = arith.addi %mul3A_1137, %mul3A_1139 : i32
        %dma_start3A_1141 = arith.constant 0 : i32
        %dma_start3A_1142 = arith.constant 0 : i32
        %dma_start3A_1143 = tpu.memref_slice %arg6[%mul3A_1135, %dma_start3A_1141, %dma_start3A_1142] : memref<65x8x128xi32, #tpu.memory_space<vmem>> -> memref<8x8x128xi32, #tpu.memory_space<vmem>>
        %dma_start3A_1144 = arith.constant 0 : i32
        %dma_start3A_1145 = tpu.memref_slice %arg3[%add3A_1140, %dma_start3A_1144, %mul3A_1131] : memref<520x8x4096xi32, #tpu.memory_space<hbm>> -> memref<8x8x128xi32, #tpu.memory_space<hbm>>
        %dma_start3A_1146 = arith.constant 0 : i32
        %dma_start3A_1147 = tpu.memref_slice %arg3[%add3A_1140, %dma_start3A_1146, %mul3A_1131] : memref<520x8x4096xi32, #tpu.memory_space<hbm>> -> memref<8x8x128xi32, #tpu.memory_space<hbm>>
        %dma_start3A_1148 = arith.constant 0 : i32
        %dma_start3A_1149 = arith.constant 0 : i32
        %dma_start3A_1150 = tpu.memref_slice %arg6[%mul3A_1135, %dma_start3A_1148, %dma_start3A_1149] : memref<65x8x128xi32, #tpu.memory_space<vmem>> -> memref<8x8x128xi32, #tpu.memory_space<vmem>>
        tpu.enqueue_dma source(%dma_start3A_1150 : memref<8x8x128xi32, #tpu.memory_space<vmem>>) target(%dma_start3A_1147 : memref<8x8x128xi32, #tpu.memory_space<hbm>>) target_semaphore(%arg8 : memref<!tpu.dma_semaphore, #tpu.memory_space<semaphore_mem>>)
      } else {
      }
      %eq3A_984 = arith.constant 7 : i32
      %eq3A_985 = arith.cmpi eq, %and3A_979, %eq3A_984 : i32
      %convert_element_type3A_986 = arith.extui %eq3A_985 : i1 to i32
      %cond3A_987 = arith.constant 0 : i32
      %cond3A_988 = arith.cmpi ne, %convert_element_type3A_986, %cond3A_987 : i32
      scf.if %cond3A_988 {
        %mul3A_1121 = arith.constant 8 : i32
        %mul3A_1122 = arith.muli %add3A, %mul3A_1121 : i32
        %shift_right_arithmetic3A_1123 = arith.constant 3 : i32
        %shift_right_arithmetic3A_1124 = arith.shrsi %add3A_877, %shift_right_arithmetic3A_1123 : i32
        %add3A_1125 = arith.addi %mul3A_1122, %shift_right_arithmetic3A_1124 : i32
        %shift_right_arithmetic3A_1126 = arith.constant 5 : i32
        %shift_right_arithmetic3A_1127 = arith.shrsi %add3A_1125, %shift_right_arithmetic3A_1126 : i32
        %and3A_1128 = arith.constant 31 : i32
        %and3A_1129 = arith.andi %add3A_1125, %and3A_1128 : i32
        %mul3A_1130 = arith.constant 128 : i32
        %mul3A_1131 = arith.muli %and3A_1129, %mul3A_1130 : i32
        %and3A_1132 = arith.constant 7 : i32
        %and3A_1133 = arith.andi %add3A_877, %and3A_1132 : i32
        %mul3A_1134 = arith.constant 8 : i32
        %mul3A_1135 = arith.muli %and3A_1133, %mul3A_1134 : i32
        %mul3A_1136 = arith.constant 65 : i32
        %mul3A_1137 = arith.muli %shift_right_arithmetic3A_1127, %mul3A_1136 : i32
        %mul3A_1138 = arith.constant 8 : i32
        %mul3A_1139 = arith.muli %and3A_1133, %mul3A_1138 : i32
        %add3A_1140 = arith.addi %mul3A_1137, %mul3A_1139 : i32
        %dma_start3A_1141 = arith.constant 0 : i32
        %dma_start3A_1142 = arith.constant 0 : i32
        %dma_start3A_1143 = tpu.memref_slice %arg6[%mul3A_1135, %dma_start3A_1141, %dma_start3A_1142] : memref<65x8x128xi32, #tpu.memory_space<vmem>> -> memref<9x8x128xi32, #tpu.memory_space<vmem>>
        %dma_start3A_1144 = arith.constant 0 : i32
        %dma_start3A_1145 = tpu.memref_slice %arg3[%add3A_1140, %dma_start3A_1144, %mul3A_1131] : memref<520x8x4096xi32, #tpu.memory_space<hbm>> -> memref<9x8x128xi32, #tpu.memory_space<hbm>>
        %dma_start3A_1146 = arith.constant 0 : i32
        %dma_start3A_1147 = tpu.memref_slice %arg3[%add3A_1140, %dma_start3A_1146, %mul3A_1131] : memref<520x8x4096xi32, #tpu.memory_space<hbm>> -> memref<9x8x128xi32, #tpu.memory_space<hbm>>
        %dma_start3A_1148 = arith.constant 0 : i32
        %dma_start3A_1149 = arith.constant 0 : i32
        %dma_start3A_1150 = tpu.memref_slice %arg6[%mul3A_1135, %dma_start3A_1148, %dma_start3A_1149] : memref<65x8x128xi32, #tpu.memory_space<vmem>> -> memref<9x8x128xi32, #tpu.memory_space<vmem>>
        tpu.enqueue_dma source(%dma_start3A_1150 : memref<9x8x128xi32, #tpu.memory_space<vmem>>) target(%dma_start3A_1147 : memref<9x8x128xi32, #tpu.memory_space<hbm>>) target_semaphore(%arg8 : memref<!tpu.dma_semaphore, #tpu.memory_space<semaphore_mem>>)
      } else {
      }
      %add3A_989 = arith.constant 2 : i32
      %add3A_990 = arith.addi %add3A_877, %add3A_989 : i32
      %lt3A_991 = arith.constant 64 : i32
      %lt3A_992 = arith.cmpi slt, %add3A_990, %lt3A_991 : i32
      %convert_element_type3A_993 = arith.extui %lt3A_992 : i1 to i32
      %cond3A_994 = arith.constant 0 : i32
      %cond3A_995 = arith.cmpi ne, %convert_element_type3A_993, %cond3A_994 : i32
      scf.if %cond3A_995 {
        %add3A_1121 = arith.constant 2 : i32
        %add3A_1122 = arith.addi %add3A_877, %add3A_1121 : i32
        %mul3A_1123 = arith.constant 8 : i32
        %mul3A_1124 = arith.muli %add3A, %mul3A_1123 : i32
        %shift_right_arithmetic3A_1125 = arith.constant 3 : i32
        %shift_right_arithmetic3A_1126 = arith.shrsi %add3A_1122, %shift_right_arithmetic3A_1125 : i32
        %add3A_1127 = arith.addi %mul3A_1124, %shift_right_arithmetic3A_1126 : i32
        %shift_right_arithmetic3A_1128 = arith.constant 5 : i32
        %shift_right_arithmetic3A_1129 = arith.shrsi %add3A_1127, %shift_right_arithmetic3A_1128 : i32
        %and3A_1130 = arith.constant 31 : i32
        %and3A_1131 = arith.andi %add3A_1127, %and3A_1130 : i32
        %mul3A_1132 = arith.constant 128 : i32
        %mul3A_1133 = arith.muli %and3A_1131, %mul3A_1132 : i32
        %and3A_1134 = arith.constant 7 : i32
        %and3A_1135 = arith.andi %add3A_1122, %and3A_1134 : i32
        %mul3A_1136 = arith.constant 8 : i32
        %mul3A_1137 = arith.muli %shift_right_arithmetic3A_1129, %mul3A_1136 : i32
        %add3A_1138 = arith.addi %mul3A_1137, %and3A_1135 : i32
        %mul3A_1139 = arith.constant 64 : i32
        %mul3A_1140 = arith.muli %add3A_1138, %mul3A_1139 : i32
        %add3A_1141 = arith.constant 0 : i32
        %add3A_1142 = arith.addi %add3A_1141, %mul3A_1140 : i32
        %mul3A_1143 = arith.constant 64 : i32
        %mul3A_1144 = arith.muli %add3A_1138, %mul3A_1143 : i32
        %add3A_1145 = arith.constant 4096 : i32
        %add3A_1146 = arith.addi %add3A_1145, %mul3A_1144 : i32
        %mul3A_1147 = arith.constant 64 : i32
        %mul3A_1148 = arith.muli %add3A_1138, %mul3A_1147 : i32
        %add3A_1149 = arith.constant 8192 : i32
        %add3A_1150 = arith.addi %add3A_1149, %mul3A_1148 : i32
        %dma_start3A_1151 = arith.constant 0 : i32
        %dma_start3A_1152 = arith.constant 0 : i32
        %dma_start3A_1153 = arith.constant 0 : i32
        %dma_start3A_1154 = arith.constant 0 : i32
        %dma_start3A_1155 = tpu.memref_slice %arg4[%dma_start3A_1151, %dma_start3A_1153, %dma_start3A_1154] : memref<3x64x128xf32, #tpu.memory_space<vmem>> -> memref<1x64x128xf32, #tpu.memory_space<vmem>>
        %dma_start3A_1156 = tpu.memref_squeeze %dma_start3A_1155 : memref<1x64x128xf32, #tpu.memory_space<vmem>> -> memref<64x128xf32, #tpu.memory_space<vmem>>
        %dma_start3A_1157 = tpu.memref_slice %arg2[%add3A_1142, %mul3A_1133] : memref<12288x4096xf32, #tpu.memory_space<hbm>> -> memref<64x128xf32, #tpu.memory_space<hbm>>
        %dma_start3A_1158 = tpu.memref_slice %arg7[%dma_start3A_1152] : memref<2x!tpu.dma_semaphore, #tpu.memory_space<semaphore_mem>> -> memref<1x!tpu.dma_semaphore, #tpu.memory_space<semaphore_mem>>
        %dma_start3A_1159 = tpu.memref_squeeze %dma_start3A_1158 : memref<1x!tpu.dma_semaphore, #tpu.memory_space<semaphore_mem>> -> memref<!tpu.dma_semaphore, #tpu.memory_space<semaphore_mem>>
        %dma_start3A_1160 = arith.constant 0 : i32
        %dma_start3A_1161 = arith.constant 0 : i32
        %dma_start3A_1162 = tpu.memref_slice %arg4[%dma_start3A_1151, %dma_start3A_1160, %dma_start3A_1161] : memref<3x64x128xf32, #tpu.memory_space<vmem>> -> memref<1x64x128xf32, #tpu.memory_space<vmem>>
        %dma_start3A_1163 = tpu.memref_squeeze %dma_start3A_1162 : memref<1x64x128xf32, #tpu.memory_space<vmem>> -> memref<64x128xf32, #tpu.memory_space<vmem>>
        %dma_start3A_1164 = tpu.memref_slice %arg2[%add3A_1142, %mul3A_1133] : memref<12288x4096xf32, #tpu.memory_space<hbm>> -> memref<64x128xf32, #tpu.memory_space<hbm>>
        tpu.enqueue_dma source(%dma_start3A_1164 : memref<64x128xf32, #tpu.memory_space<hbm>>) target(%dma_start3A_1163 : memref<64x128xf32, #tpu.memory_space<vmem>>) target_semaphore(%dma_start3A_1159 : memref<!tpu.dma_semaphore, #tpu.memory_space<semaphore_mem>>)
        %dma_start3A_1165 = arith.constant 1 : i32
        %dma_start3A_1166 = arith.constant 0 : i32
        %dma_start3A_1167 = arith.constant 0 : i32
        %dma_start3A_1168 = arith.constant 0 : i32
        %dma_start3A_1169 = tpu.memref_slice %arg4[%dma_start3A_1165, %dma_start3A_1167, %dma_start3A_1168] : memref<3x64x128xf32, #tpu.memory_space<vmem>> -> memref<1x64x128xf32, #tpu.memory_space<vmem>>
        %dma_start3A_1170 = tpu.memref_squeeze %dma_start3A_1169 : memref<1x64x128xf32, #tpu.memory_space<vmem>> -> memref<64x128xf32, #tpu.memory_space<vmem>>
        %dma_start3A_1171 = tpu.memref_slice %arg2[%add3A_1146, %mul3A_1133] : memref<12288x4096xf32, #tpu.memory_space<hbm>> -> memref<64x128xf32, #tpu.memory_space<hbm>>
        %dma_start3A_1172 = tpu.memref_slice %arg7[%dma_start3A_1166] : memref<2x!tpu.dma_semaphore, #tpu.memory_space<semaphore_mem>> -> memref<1x!tpu.dma_semaphore, #tpu.memory_space<semaphore_mem>>
        %dma_start3A_1173 = tpu.memref_squeeze %dma_start3A_1172 : memref<1x!tpu.dma_semaphore, #tpu.memory_space<semaphore_mem>> -> memref<!tpu.dma_semaphore, #tpu.memory_space<semaphore_mem>>
        %dma_start3A_1174 = arith.constant 0 : i32
        %dma_start3A_1175 = arith.constant 0 : i32
        %dma_start3A_1176 = tpu.memref_slice %arg4[%dma_start3A_1165, %dma_start3A_1174, %dma_start3A_1175] : memref<3x64x128xf32, #tpu.memory_space<vmem>> -> memref<1x64x128xf32, #tpu.memory_space<vmem>>
        %dma_start3A_1177 = tpu.memref_squeeze %dma_start3A_1176 : memref<1x64x128xf32, #tpu.memory_space<vmem>> -> memref<64x128xf32, #tpu.memory_space<vmem>>
        %dma_start3A_1178 = tpu.memref_slice %arg2[%add3A_1146, %mul3A_1133] : memref<12288x4096xf32, #tpu.memory_space<hbm>> -> memref<64x128xf32, #tpu.memory_space<hbm>>
        tpu.enqueue_dma source(%dma_start3A_1178 : memref<64x128xf32, #tpu.memory_space<hbm>>) target(%dma_start3A_1177 : memref<64x128xf32, #tpu.memory_space<vmem>>) target_semaphore(%dma_start3A_1173 : memref<!tpu.dma_semaphore, #tpu.memory_space<semaphore_mem>>)
        %dma_start3A_1179 = arith.constant 2 : i32
        %dma_start3A_1180 = arith.constant 0 : i32
        %dma_start3A_1181 = arith.constant 0 : i32
        %dma_start3A_1182 = arith.constant 0 : i32
        %dma_start3A_1183 = tpu.memref_slice %arg4[%dma_start3A_1179, %dma_start3A_1181, %dma_start3A_1182] : memref<3x64x128xf32, #tpu.memory_space<vmem>> -> memref<1x64x128xf32, #tpu.memory_space<vmem>>
        %dma_start3A_1184 = tpu.memref_squeeze %dma_start3A_1183 : memref<1x64x128xf32, #tpu.memory_space<vmem>> -> memref<64x128xf32, #tpu.memory_space<vmem>>
        %dma_start3A_1185 = tpu.memref_slice %arg2[%add3A_1150, %mul3A_1133] : memref<12288x4096xf32, #tpu.memory_space<hbm>> -> memref<64x128xf32, #tpu.memory_space<hbm>>
        %dma_start3A_1186 = tpu.memref_slice %arg7[%dma_start3A_1180] : memref<2x!tpu.dma_semaphore, #tpu.memory_space<semaphore_mem>> -> memref<1x!tpu.dma_semaphore, #tpu.memory_space<semaphore_mem>>
        %dma_start3A_1187 = tpu.memref_squeeze %dma_start3A_1186 : memref<1x!tpu.dma_semaphore, #tpu.memory_space<semaphore_mem>> -> memref<!tpu.dma_semaphore, #tpu.memory_space<semaphore_mem>>
        %dma_start3A_1188 = arith.constant 0 : i32
        %dma_start3A_1189 = arith.constant 0 : i32
        %dma_start3A_1190 = tpu.memref_slice %arg4[%dma_start3A_1179, %dma_start3A_1188, %dma_start3A_1189] : memref<3x64x128xf32, #tpu.memory_space<vmem>> -> memref<1x64x128xf32, #tpu.memory_space<vmem>>
        %dma_start3A_1191 = tpu.memref_squeeze %dma_start3A_1190 : memref<1x64x128xf32, #tpu.memory_space<vmem>> -> memref<64x128xf32, #tpu.memory_space<vmem>>
        %dma_start3A_1192 = tpu.memref_slice %arg2[%add3A_1150, %mul3A_1133] : memref<12288x4096xf32, #tpu.memory_space<hbm>> -> memref<64x128xf32, #tpu.memory_space<hbm>>
        tpu.enqueue_dma source(%dma_start3A_1192 : memref<64x128xf32, #tpu.memory_space<hbm>>) target(%dma_start3A_1191 : memref<64x128xf32, #tpu.memory_space<vmem>>) target_semaphore(%dma_start3A_1187 : memref<!tpu.dma_semaphore, #tpu.memory_space<semaphore_mem>>)
      } else {
      }
      %add3A_996 = arith.constant 1 : i32
      %add3A_997 = arith.addi %add3A_875, %add3A_996 : i32
      %mul3A_998 = arith.constant 8 : i32
      %mul3A_999 = arith.muli %add3A, %mul3A_998 : i32
      %shift_right_arithmetic3A_1000 = arith.constant 3 : i32
      %shift_right_arithmetic3A_1001 = arith.shrsi %add3A_997, %shift_right_arithmetic3A_1000 : i32
      %add3A_1002 = arith.addi %mul3A_999, %shift_right_arithmetic3A_1001 : i32
      %shift_right_arithmetic3A_1003 = arith.constant 5 : i32
      %shift_right_arithmetic3A_1004 = arith.shrsi %add3A_1002, %shift_right_arithmetic3A_1003 : i32
      %and3A_1005 = arith.constant 31 : i32
      %and3A_1006 = arith.andi %add3A_1002, %and3A_1005 : i32
      %mul3A_1007 = arith.constant 128 : i32
      %mul3A_1008 = arith.muli %and3A_1006, %mul3A_1007 : i32
      %and3A_1009 = arith.constant 7 : i32
      %and3A_1010 = arith.andi %add3A_997, %and3A_1009 : i32
      %mul3A_1011 = arith.constant 8 : i32
      %mul3A_1012 = arith.muli %shift_right_arithmetic3A_1004, %mul3A_1011 : i32
      %add3A_1013 = arith.addi %mul3A_1012, %and3A_1010 : i32
      %mul3A_1014 = arith.constant 64 : i32
      %mul3A_1015 = arith.muli %add3A_1013, %mul3A_1014 : i32
      %add3A_1016 = arith.constant 0 : i32
      %add3A_1017 = arith.addi %add3A_1016, %mul3A_1015 : i32
      %mul3A_1018 = arith.constant 64 : i32
      %mul3A_1019 = arith.muli %add3A_1013, %mul3A_1018 : i32
      %add3A_1020 = arith.constant 4096 : i32
      %add3A_1021 = arith.addi %add3A_1020, %mul3A_1019 : i32
      %mul3A_1022 = arith.constant 64 : i32
      %mul3A_1023 = arith.muli %add3A_1013, %mul3A_1022 : i32
      %add3A_1024 = arith.constant 8192 : i32
      %add3A_1025 = arith.addi %add3A_1024, %mul3A_1023 : i32
      %dma_wait3A_1026 = arith.constant 0 : i32
      %dma_wait3A_1027 = arith.constant 1 : i32
      %dma_wait3A_1028 = arith.constant 0 : i32
      %dma_wait3A_1029 = arith.constant 0 : i32
      %dma_wait3A_1030 = tpu.memref_slice %arg5[%dma_wait3A_1026, %dma_wait3A_1028, %dma_wait3A_1029] : memref<3x64x128xf32, #tpu.memory_space<vmem>> -> memref<1x64x128xf32, #tpu.memory_space<vmem>>
      %dma_wait3A_1031 = tpu.memref_squeeze %dma_wait3A_1030 : memref<1x64x128xf32, #tpu.memory_space<vmem>> -> memref<64x128xf32, #tpu.memory_space<vmem>>
      %dma_wait3A_1032 = tpu.memref_slice %arg2[%add3A_1017, %mul3A_1008] : memref<12288x4096xf32, #tpu.memory_space<hbm>> -> memref<64x128xf32, #tpu.memory_space<hbm>>
      %dma_wait3A_1033 = tpu.memref_slice %arg7[%dma_wait3A_1027] : memref<2x!tpu.dma_semaphore, #tpu.memory_space<semaphore_mem>> -> memref<1x!tpu.dma_semaphore, #tpu.memory_space<semaphore_mem>>
      %dma_wait3A_1034 = tpu.memref_squeeze %dma_wait3A_1033 : memref<1x!tpu.dma_semaphore, #tpu.memory_space<semaphore_mem>> -> memref<!tpu.dma_semaphore, #tpu.memory_space<semaphore_mem>>
      %dma_wait3A_1035 = arith.constant 0 : i32
      %dma_wait3A_1036 = arith.constant 0 : i32
      %dma_wait3A_1037 = tpu.memref_slice %arg5[%dma_wait3A_1026, %dma_wait3A_1035, %dma_wait3A_1036] : memref<3x64x128xf32, #tpu.memory_space<vmem>> -> memref<1x64x128xf32, #tpu.memory_space<vmem>>
      %dma_wait3A_1038 = tpu.memref_squeeze %dma_wait3A_1037 : memref<1x64x128xf32, #tpu.memory_space<vmem>> -> memref<64x128xf32, #tpu.memory_space<vmem>>
      %dma_wait3A_1039 = tpu.memref_slice %arg2[%add3A_1017, %mul3A_1008] : memref<12288x4096xf32, #tpu.memory_space<hbm>> -> memref<64x128xf32, #tpu.memory_space<hbm>>
      tpu.wait_dma2 semaphore(%dma_wait3A_1034 : memref<!tpu.dma_semaphore, #tpu.memory_space<semaphore_mem>>) src(%dma_wait3A_1039 : memref<64x128xf32, #tpu.memory_space<hbm>>) dst(%dma_wait3A_1038 : memref<64x128xf32, #tpu.memory_space<vmem>>)
      %dma_wait3A_1040 = arith.constant 1 : i32
      %dma_wait3A_1041 = arith.constant 1 : i32
      %dma_wait3A_1042 = arith.constant 0 : i32
      %dma_wait3A_1043 = arith.constant 0 : i32
      %dma_wait3A_1044 = tpu.memref_slice %arg5[%dma_wait3A_1040, %dma_wait3A_1042, %dma_wait3A_1043] : memref<3x64x128xf32, #tpu.memory_space<vmem>> -> memref<1x64x128xf32, #tpu.memory_space<vmem>>
      %dma_wait3A_1045 = tpu.memref_squeeze %dma_wait3A_1044 : memref<1x64x128xf32, #tpu.memory_space<vmem>> -> memref<64x128xf32, #tpu.memory_space<vmem>>
      %dma_wait3A_1046 = tpu.memref_slice %arg2[%add3A_1021, %mul3A_1008] : memref<12288x4096xf32, #tpu.memory_space<hbm>> -> memref<64x128xf32, #tpu.memory_space<hbm>>
      %dma_wait3A_1047 = tpu.memref_slice %arg7[%dma_wait3A_1041] : memref<2x!tpu.dma_semaphore, #tpu.memory_space<semaphore_mem>> -> memref<1x!tpu.dma_semaphore, #tpu.memory_space<semaphore_mem>>
      %dma_wait3A_1048 = tpu.memref_squeeze %dma_wait3A_1047 : memref<1x!tpu.dma_semaphore, #tpu.memory_space<semaphore_mem>> -> memref<!tpu.dma_semaphore, #tpu.memory_space<semaphore_mem>>
      %dma_wait3A_1049 = arith.constant 0 : i32
      %dma_wait3A_1050 = arith.constant 0 : i32
      %dma_wait3A_1051 = tpu.memref_slice %arg5[%dma_wait3A_1040, %dma_wait3A_1049, %dma_wait3A_1050] : memref<3x64x128xf32, #tpu.memory_space<vmem>> -> memref<1x64x128xf32, #tpu.memory_space<vmem>>
      %dma_wait3A_1052 = tpu.memref_squeeze %dma_wait3A_1051 : memref<1x64x128xf32, #tpu.memory_space<vmem>> -> memref<64x128xf32, #tpu.memory_space<vmem>>
      %dma_wait3A_1053 = tpu.memref_slice %arg2[%add3A_1021, %mul3A_1008] : memref<12288x4096xf32, #tpu.memory_space<hbm>> -> memref<64x128xf32, #tpu.memory_space<hbm>>
      tpu.wait_dma2 semaphore(%dma_wait3A_1048 : memref<!tpu.dma_semaphore, #tpu.memory_space<semaphore_mem>>) src(%dma_wait3A_1053 : memref<64x128xf32, #tpu.memory_space<hbm>>) dst(%dma_wait3A_1052 : memref<64x128xf32, #tpu.memory_space<vmem>>)
      %dma_wait3A_1054 = arith.constant 2 : i32
      %dma_wait3A_1055 = arith.constant 1 : i32
      %dma_wait3A_1056 = arith.constant 0 : i32
      %dma_wait3A_1057 = arith.constant 0 : i32
      %dma_wait3A_1058 = tpu.memref_slice %arg5[%dma_wait3A_1054, %dma_wait3A_1056, %dma_wait3A_1057] : memref<3x64x128xf32, #tpu.memory_space<vmem>> -> memref<1x64x128xf32, #tpu.memory_space<vmem>>
      %dma_wait3A_1059 = tpu.memref_squeeze %dma_wait3A_1058 : memref<1x64x128xf32, #tpu.memory_space<vmem>> -> memref<64x128xf32, #tpu.memory_space<vmem>>
      %dma_wait3A_1060 = tpu.memref_slice %arg2[%add3A_1025, %mul3A_1008] : memref<12288x4096xf32, #tpu.memory_space<hbm>> -> memref<64x128xf32, #tpu.memory_space<hbm>>
      %dma_wait3A_1061 = tpu.memref_slice %arg7[%dma_wait3A_1055] : memref<2x!tpu.dma_semaphore, #tpu.memory_space<semaphore_mem>> -> memref<1x!tpu.dma_semaphore, #tpu.memory_space<semaphore_mem>>
      %dma_wait3A_1062 = tpu.memref_squeeze %dma_wait3A_1061 : memref<1x!tpu.dma_semaphore, #tpu.memory_space<semaphore_mem>> -> memref<!tpu.dma_semaphore, #tpu.memory_space<semaphore_mem>>
      %dma_wait3A_1063 = arith.constant 0 : i32
      %dma_wait3A_1064 = arith.constant 0 : i32
      %dma_wait3A_1065 = tpu.memref_slice %arg5[%dma_wait3A_1054, %dma_wait3A_1063, %dma_wait3A_1064] : memref<3x64x128xf32, #tpu.memory_space<vmem>> -> memref<1x64x128xf32, #tpu.memory_space<vmem>>
      %dma_wait3A_1066 = tpu.memref_squeeze %dma_wait3A_1065 : memref<1x64x128xf32, #tpu.memory_space<vmem>> -> memref<64x128xf32, #tpu.memory_space<vmem>>
      %dma_wait3A_1067 = tpu.memref_slice %arg2[%add3A_1025, %mul3A_1008] : memref<12288x4096xf32, #tpu.memory_space<hbm>> -> memref<64x128xf32, #tpu.memory_space<hbm>>
      tpu.wait_dma2 semaphore(%dma_wait3A_1062 : memref<!tpu.dma_semaphore, #tpu.memory_space<semaphore_mem>>) src(%dma_wait3A_1067 : memref<64x128xf32, #tpu.memory_space<hbm>>) dst(%dma_wait3A_1066 : memref<64x128xf32, #tpu.memory_space<vmem>>)
      %ge3A_1068 = arith.constant 8 : i32
      %ge3A_1069 = arith.cmpi sge, %add3A_997, %ge3A_1068 : i32
      %convert_element_type3A_1070 = arith.extui %ge3A_1069 : i1 to i32
      %cond3A_1071 = arith.constant 0 : i32
      %cond3A_1072 = arith.cmpi ne, %convert_element_type3A_1070, %cond3A_1071 : i32
      scf.if %cond3A_1072 {
        %sub3A = arith.constant 8 : i32
        %sub3A_1121 = arith.subi %add3A_997, %sub3A : i32
        %mul3A_1122 = arith.constant 8 : i32
        %mul3A_1123 = arith.muli %add3A, %mul3A_1122 : i32
        %shift_right_arithmetic3A_1124 = arith.constant 3 : i32
        %shift_right_arithmetic3A_1125 = arith.shrsi %sub3A_1121, %shift_right_arithmetic3A_1124 : i32
        %add3A_1126 = arith.addi %mul3A_1123, %shift_right_arithmetic3A_1125 : i32
        %shift_right_arithmetic3A_1127 = arith.constant 5 : i32
        %shift_right_arithmetic3A_1128 = arith.shrsi %add3A_1126, %shift_right_arithmetic3A_1127 : i32
        %and3A_1129 = arith.constant 31 : i32
        %and3A_1130 = arith.andi %add3A_1126, %and3A_1129 : i32
        %mul3A_1131 = arith.constant 128 : i32
        %mul3A_1132 = arith.muli %and3A_1130, %mul3A_1131 : i32
        %and3A_1133 = arith.constant 7 : i32
        %and3A_1134 = arith.andi %sub3A_1121, %and3A_1133 : i32
        %lt3A_1135 = arith.constant 7 : i32
        %lt3A_1136 = arith.cmpi slt, %and3A_1134, %lt3A_1135 : i32
        %convert_element_type3A_1137 = arith.extui %lt3A_1136 : i1 to i32
        %cond3A_1138 = arith.constant 0 : i32
        %cond3A_1139 = arith.cmpi ne, %convert_element_type3A_1137, %cond3A_1138 : i32
        scf.if %cond3A_1139 {
          %mul3A_1145 = arith.constant 8 : i32
          %mul3A_1146 = arith.muli %add3A, %mul3A_1145 : i32
          %shift_right_arithmetic3A_1147 = arith.constant 3 : i32
          %shift_right_arithmetic3A_1148 = arith.shrsi %sub3A_1121, %shift_right_arithmetic3A_1147 : i32
          %add3A_1149 = arith.addi %mul3A_1146, %shift_right_arithmetic3A_1148 : i32
          %shift_right_arithmetic3A_1150 = arith.constant 5 : i32
          %shift_right_arithmetic3A_1151 = arith.shrsi %add3A_1149, %shift_right_arithmetic3A_1150 : i32
          %and3A_1152 = arith.constant 31 : i32
          %and3A_1153 = arith.andi %add3A_1149, %and3A_1152 : i32
          %mul3A_1154 = arith.constant 128 : i32
          %mul3A_1155 = arith.muli %and3A_1153, %mul3A_1154 : i32
          %and3A_1156 = arith.constant 7 : i32
          %and3A_1157 = arith.andi %sub3A_1121, %and3A_1156 : i32
          %mul3A_1158 = arith.constant 8 : i32
          %mul3A_1159 = arith.muli %and3A_1157, %mul3A_1158 : i32
          %mul3A_1160 = arith.constant 65 : i32
          %mul3A_1161 = arith.muli %shift_right_arithmetic3A_1151, %mul3A_1160 : i32
          %mul3A_1162 = arith.constant 8 : i32
          %mul3A_1163 = arith.muli %and3A_1157, %mul3A_1162 : i32
          %add3A_1164 = arith.addi %mul3A_1161, %mul3A_1163 : i32
          %dma_wait3A_1165 = arith.constant 0 : i32
          %dma_wait3A_1166 = arith.constant 0 : i32
          %dma_wait3A_1167 = tpu.memref_slice %arg6[%mul3A_1159, %dma_wait3A_1165, %dma_wait3A_1166] : memref<65x8x128xi32, #tpu.memory_space<vmem>> -> memref<8x8x128xi32, #tpu.memory_space<vmem>>
          %dma_wait3A_1168 = arith.constant 0 : i32
          %dma_wait3A_1169 = tpu.memref_slice %arg3[%add3A_1164, %dma_wait3A_1168, %mul3A_1155] : memref<520x8x4096xi32, #tpu.memory_space<hbm>> -> memref<8x8x128xi32, #tpu.memory_space<hbm>>
          %dma_wait3A_1170 = arith.constant 0 : i32
          %dma_wait3A_1171 = tpu.memref_slice %arg3[%add3A_1164, %dma_wait3A_1170, %mul3A_1155] : memref<520x8x4096xi32, #tpu.memory_space<hbm>> -> memref<8x8x128xi32, #tpu.memory_space<hbm>>
          %dma_wait3A_1172 = arith.constant 0 : i32
          %dma_wait3A_1173 = arith.constant 0 : i32
          %dma_wait3A_1174 = tpu.memref_slice %arg6[%mul3A_1159, %dma_wait3A_1172, %dma_wait3A_1173] : memref<65x8x128xi32, #tpu.memory_space<vmem>> -> memref<8x8x128xi32, #tpu.memory_space<vmem>>
          tpu.wait_dma2 semaphore(%arg8 : memref<!tpu.dma_semaphore, #tpu.memory_space<semaphore_mem>>) src(%dma_wait3A_1174 : memref<8x8x128xi32, #tpu.memory_space<vmem>>) dst(%dma_wait3A_1171 : memref<8x8x128xi32, #tpu.memory_space<hbm>>)
        } else {
        }
        %eq3A_1140 = arith.constant 7 : i32
        %eq3A_1141 = arith.cmpi eq, %and3A_1134, %eq3A_1140 : i32
        %convert_element_type3A_1142 = arith.extui %eq3A_1141 : i1 to i32
        %cond3A_1143 = arith.constant 0 : i32
        %cond3A_1144 = arith.cmpi ne, %convert_element_type3A_1142, %cond3A_1143 : i32
        scf.if %cond3A_1144 {
          %mul3A_1145 = arith.constant 8 : i32
          %mul3A_1146 = arith.muli %add3A, %mul3A_1145 : i32
          %shift_right_arithmetic3A_1147 = arith.constant 3 : i32
          %shift_right_arithmetic3A_1148 = arith.shrsi %sub3A_1121, %shift_right_arithmetic3A_1147 : i32
          %add3A_1149 = arith.addi %mul3A_1146, %shift_right_arithmetic3A_1148 : i32
          %shift_right_arithmetic3A_1150 = arith.constant 5 : i32
          %shift_right_arithmetic3A_1151 = arith.shrsi %add3A_1149, %shift_right_arithmetic3A_1150 : i32
          %and3A_1152 = arith.constant 31 : i32
          %and3A_1153 = arith.andi %add3A_1149, %and3A_1152 : i32
          %mul3A_1154 = arith.constant 128 : i32
          %mul3A_1155 = arith.muli %and3A_1153, %mul3A_1154 : i32
          %and3A_1156 = arith.constant 7 : i32
          %and3A_1157 = arith.andi %sub3A_1121, %and3A_1156 : i32
          %mul3A_1158 = arith.constant 8 : i32
          %mul3A_1159 = arith.muli %and3A_1157, %mul3A_1158 : i32
          %mul3A_1160 = arith.constant 65 : i32
          %mul3A_1161 = arith.muli %shift_right_arithmetic3A_1151, %mul3A_1160 : i32
          %mul3A_1162 = arith.constant 8 : i32
          %mul3A_1163 = arith.muli %and3A_1157, %mul3A_1162 : i32
          %add3A_1164 = arith.addi %mul3A_1161, %mul3A_1163 : i32
          %dma_wait3A_1165 = arith.constant 0 : i32
          %dma_wait3A_1166 = arith.constant 0 : i32
          %dma_wait3A_1167 = tpu.memref_slice %arg6[%mul3A_1159, %dma_wait3A_1165, %dma_wait3A_1166] : memref<65x8x128xi32, #tpu.memory_space<vmem>> -> memref<9x8x128xi32, #tpu.memory_space<vmem>>
          %dma_wait3A_1168 = arith.constant 0 : i32
          %dma_wait3A_1169 = tpu.memref_slice %arg3[%add3A_1164, %dma_wait3A_1168, %mul3A_1155] : memref<520x8x4096xi32, #tpu.memory_space<hbm>> -> memref<9x8x128xi32, #tpu.memory_space<hbm>>
          %dma_wait3A_1170 = arith.constant 0 : i32
          %dma_wait3A_1171 = tpu.memref_slice %arg3[%add3A_1164, %dma_wait3A_1170, %mul3A_1155] : memref<520x8x4096xi32, #tpu.memory_space<hbm>> -> memref<9x8x128xi32, #tpu.memory_space<hbm>>
          %dma_wait3A_1172 = arith.constant 0 : i32
          %dma_wait3A_1173 = arith.constant 0 : i32
          %dma_wait3A_1174 = tpu.memref_slice %arg6[%mul3A_1159, %dma_wait3A_1172, %dma_wait3A_1173] : memref<65x8x128xi32, #tpu.memory_space<vmem>> -> memref<9x8x128xi32, #tpu.memory_space<vmem>>
          tpu.wait_dma2 semaphore(%arg8 : memref<!tpu.dma_semaphore, #tpu.memory_space<semaphore_mem>>) src(%dma_wait3A_1174 : memref<9x8x128xi32, #tpu.memory_space<vmem>>) dst(%dma_wait3A_1171 : memref<9x8x128xi32, #tpu.memory_space<hbm>>)
        } else {
        }
      } else {
      }
      %mul3A_1073 = arith.constant 8 : i32
      %mul3A_1074 = arith.muli %add3A, %mul3A_1073 : i32
      %shift_right_arithmetic3A_1075 = arith.constant 3 : i32
      %shift_right_arithmetic3A_1076 = arith.shrsi %add3A_997, %shift_right_arithmetic3A_1075 : i32
      %add3A_1077 = arith.addi %mul3A_1074, %shift_right_arithmetic3A_1076 : i32
      %shift_right_arithmetic3A_1078 = arith.constant 5 : i32
      %shift_right_arithmetic3A_1079 = arith.shrsi %add3A_1077, %shift_right_arithmetic3A_1078 : i32
      %and3A_1080 = arith.constant 31 : i32
      %and3A_1081 = arith.andi %add3A_1077, %and3A_1080 : i32
      %mul3A_1082 = arith.constant 128 : i32
      %mul3A_1083 = arith.muli %and3A_1081, %mul3A_1082 : i32
      %and3A_1084 = arith.constant 7 : i32
      %and3A_1085 = arith.andi %add3A_997, %and3A_1084 : i32
      %mul3A_1086 = arith.constant 65 : i32
      %mul3A_1087 = arith.muli %and3A_1085, %mul3A_1086 : i32
      %parallel_loop3A_1088 = arith.constant 0 : i32
      %parallel_loop3A_1089 = arith.constant 512 : i32
      %parallel_loop3A_1090 = arith.constant 1 : i32
      scf.for %parallel_loop3A_1121 = %parallel_loop3A_1088 to %parallel_loop3A_1089 step %parallel_loop3A_1090  : i32 {
        %parallel_loop3A_1122 = arith.constant 3 : i32
        %parallel_loop3A_1123 = arith.shrsi %parallel_loop3A_1121, %parallel_loop3A_1122 : i32
        %parallel_loop3A_1124 = arith.constant 7 : i32
        %parallel_loop3A_1125 = arith.andi %parallel_loop3A_1121, %parallel_loop3A_1124 : i32
        %parallel_loop3A_1126 = arith.constant 16 : i32
        %parallel_loop3A_1127 = arith.muli %parallel_loop3A_1125, %parallel_loop3A_1126 : i32
        %parallel_loop3A_1128 = arith.addi %mul3A_1087, %parallel_loop3A_1123 : i32
        %parallel_loop3A_1129 = arith.constant 0 : i32
        %parallel_loop3A_1130 = arith.index_cast %parallel_loop3A_1129 : i32 to index
        %parallel_loop3A_1131 = arith.index_cast %parallel_loop3A_1123 : i32 to index
        %parallel_loop3A_1132 = arith.index_cast %parallel_loop3A_1127 : i32 to index
        %parallel_loop3A_1133 = tpu.vector_load %arg5[%parallel_loop3A_1130, %parallel_loop3A_1131, %parallel_loop3A_1132] {strides = array<i32>} : memref<3x64x128xf32, #tpu.memory_space<vmem>>, vector<1x1x16xf32>,
        %parallel_loop3A_1134 = vector.shape_cast %parallel_loop3A_1133 : vector<1x1x16xf32> to vector<16xf32>
        %parallel_loop3A_1135 = arith.constant 1 : i32
        %parallel_loop3A_1136 = arith.index_cast %parallel_loop3A_1135 : i32 to index
        %parallel_loop3A_1137 = arith.index_cast %parallel_loop3A_1123 : i32 to index
        %parallel_loop3A_1138 = arith.index_cast %parallel_loop3A_1127 : i32 to index
        %parallel_loop3A_1139 = tpu.vector_load %arg5[%parallel_loop3A_1136, %parallel_loop3A_1137, %parallel_loop3A_1138] {strides = array<i32>} : memref<3x64x128xf32, #tpu.memory_space<vmem>>, vector<1x1x16xf32>,
        %parallel_loop3A_1140 = vector.shape_cast %parallel_loop3A_1139 : vector<1x1x16xf32> to vector<16xf32>
        %parallel_loop3A_1141 = arith.constant 2 : i32
        %parallel_loop3A_1142 = arith.index_cast %parallel_loop3A_1141 : i32 to index
        %parallel_loop3A_1143 = arith.index_cast %parallel_loop3A_1123 : i32 to index
        %parallel_loop3A_1144 = arith.index_cast %parallel_loop3A_1127 : i32 to index
        %parallel_loop3A_1145 = tpu.vector_load %arg5[%parallel_loop3A_1142, %parallel_loop3A_1143, %parallel_loop3A_1144] {strides = array<i32>} : memref<3x64x128xf32, #tpu.memory_space<vmem>>, vector<1x1x16xf32>,
        %parallel_loop3A_1146 = vector.shape_cast %parallel_loop3A_1145 : vector<1x1x16xf32> to vector<16xf32>
        %parallel_loop3A_1147 = arith.addf %parallel_loop3A_1140, %parallel_loop3A_1140 : vector<16xf32>
        %parallel_loop3A_1148 = arith.addf %parallel_loop3A_1134, %parallel_loop3A_1147 : vector<16xf32>
        %parallel_loop3A_1149 = arith.addf %parallel_loop3A_1146, %parallel_loop3A_1146 : vector<16xf32>
        %parallel_loop3A_1150 = arith.addf %parallel_loop3A_1148, %parallel_loop3A_1149 : vector<16xf32>
        %parallel_loop3A_1151 = arith.addf %parallel_loop3A_1146, %parallel_loop3A_1146 : vector<16xf32>
        %parallel_loop3A_1152 = arith.addf %parallel_loop3A_1150, %parallel_loop3A_1151 : vector<16xf32>
        %parallel_loop3A_1153 = arith.fptosi %parallel_loop3A_1152 : vector<16xf32> to vector<16xi32>
        %parallel_loop3A_1154 = vector.shape_cast %parallel_loop3A_1153 : vector<16xi32> to vector<16x1xi32>
        %parallel_loop3A_1155 = vector.shape_cast %parallel_loop3A_1154 : vector<16x1xi32> to vector<16xi32>
        %parallel_loop3A_1156 = tpu.dynamic_gather %select_n3A_13[%parallel_loop3A_1155] in [0] : vector<16xi32>, vector<16xi32> -> vector<16xi32>
        %parallel_loop3A_1157 = arith.constant 3 : i32
        %parallel_loop3A_1158 = arith.shrsi %parallel_loop3A_1128, %parallel_loop3A_1157 : i32
        %parallel_loop3A_1159 = arith.constant 7 : i32
        %parallel_loop3A_1160 = arith.andi %parallel_loop3A_1128, %parallel_loop3A_1159 : i32
        %parallel_loop3A_1161 = arith.index_cast %parallel_loop3A_1158 : i32 to index
        %parallel_loop3A_1162 = arith.index_cast %parallel_loop3A_1160 : i32 to index
        %parallel_loop3A_1163 = arith.index_cast %parallel_loop3A_1127 : i32 to index
        %parallel_loop3A_1164 = tpu.vector_load %arg6[%parallel_loop3A_1161, %parallel_loop3A_1162, %parallel_loop3A_1163] {strides = array<i32>} : memref<65x8x128xi32, #tpu.memory_space<vmem>>, vector<1x1x16xi32>,
        %parallel_loop3A_1165 = vector.shape_cast %parallel_loop3A_1164 : vector<1x1x16xi32> to vector<16xi32>
        %parallel_loop3A_1166 = vector.shape_cast %parallel_loop3A_1156 : vector<16xi32> to vector<1x1x16xi32>
        tpu.vector_store %arg6[%parallel_loop3A_1161, %parallel_loop3A_1162, %parallel_loop3A_1163], %parallel_loop3A_1166 {strides = array<i32>} : memref<65x8x128xi32, #tpu.memory_space<vmem>>, vector<1x1x16xi32>,
      } {sc.loop_unroll_factor = 16 : i64, sc.parallel_access}
      %mul3A_1091 = arith.constant 8 : i32
      %mul3A_1092 = arith.muli %add3A, %mul3A_1091 : i32
      %shift_right_arithmetic3A_1093 = arith.constant 3 : i32
      %shift_right_arithmetic3A_1094 = arith.shrsi %add3A_997, %shift_right_arithmetic3A_1093 : i32
      %add3A_1095 = arith.addi %mul3A_1092, %shift_right_arithmetic3A_1094 : i32
      %shift_right_arithmetic3A_1096 = arith.constant 5 : i32
      %shift_right_arithmetic3A_1097 = arith.shrsi %add3A_1095, %shift_right_arithmetic3A_1096 : i32
      %and3A_1098 = arith.constant 31 : i32
      %and3A_1099 = arith.andi %add3A_1095, %and3A_1098 : i32
      %mul3A_1100 = arith.constant 128 : i32
      %mul3A_1101 = arith.muli %and3A_1099, %mul3A_1100 : i32
      %and3A_1102 = arith.constant 7 : i32
      %and3A_1103 = arith.andi %add3A_997, %and3A_1102 : i32
      %lt3A_1104 = arith.constant 7 : i32
      %lt3A_1105 = arith.cmpi slt, %and3A_1103, %lt3A_1104 : i32
      %convert_element_type3A_1106 = arith.extui %lt3A_1105 : i1 to i32
      %cond3A_1107 = arith.constant 0 : i32
      %cond3A_1108 = arith.cmpi ne, %convert_element_type3A_1106, %cond3A_1107 : i32
      scf.if %cond3A_1108 {
        %mul3A_1121 = arith.constant 8 : i32
        %mul3A_1122 = arith.muli %add3A, %mul3A_1121 : i32
        %shift_right_arithmetic3A_1123 = arith.constant 3 : i32
        %shift_right_arithmetic3A_1124 = arith.shrsi %add3A_997, %shift_right_arithmetic3A_1123 : i32
        %add3A_1125 = arith.addi %mul3A_1122, %shift_right_arithmetic3A_1124 : i32
        %shift_right_arithmetic3A_1126 = arith.constant 5 : i32
        %shift_right_arithmetic3A_1127 = arith.shrsi %add3A_1125, %shift_right_arithmetic3A_1126 : i32
        %and3A_1128 = arith.constant 31 : i32
        %and3A_1129 = arith.andi %add3A_1125, %and3A_1128 : i32
        %mul3A_1130 = arith.constant 128 : i32
        %mul3A_1131 = arith.muli %and3A_1129, %mul3A_1130 : i32
        %and3A_1132 = arith.constant 7 : i32
        %and3A_1133 = arith.andi %add3A_997, %and3A_1132 : i32
        %mul3A_1134 = arith.constant 8 : i32
        %mul3A_1135 = arith.muli %and3A_1133, %mul3A_1134 : i32
        %mul3A_1136 = arith.constant 65 : i32
        %mul3A_1137 = arith.muli %shift_right_arithmetic3A_1127, %mul3A_1136 : i32
        %mul3A_1138 = arith.constant 8 : i32
        %mul3A_1139 = arith.muli %and3A_1133, %mul3A_1138 : i32
        %add3A_1140 = arith.addi %mul3A_1137, %mul3A_1139 : i32
        %dma_start3A_1141 = arith.constant 0 : i32
        %dma_start3A_1142 = arith.constant 0 : i32
        %dma_start3A_1143 = tpu.memref_slice %arg6[%mul3A_1135, %dma_start3A_1141, %dma_start3A_1142] : memref<65x8x128xi32, #tpu.memory_space<vmem>> -> memref<8x8x128xi32, #tpu.memory_space<vmem>>
        %dma_start3A_1144 = arith.constant 0 : i32
        %dma_start3A_1145 = tpu.memref_slice %arg3[%add3A_1140, %dma_start3A_1144, %mul3A_1131] : memref<520x8x4096xi32, #tpu.memory_space<hbm>> -> memref<8x8x128xi32, #tpu.memory_space<hbm>>
        %dma_start3A_1146 = arith.constant 0 : i32
        %dma_start3A_1147 = tpu.memref_slice %arg3[%add3A_1140, %dma_start3A_1146, %mul3A_1131] : memref<520x8x4096xi32, #tpu.memory_space<hbm>> -> memref<8x8x128xi32, #tpu.memory_space<hbm>>
        %dma_start3A_1148 = arith.constant 0 : i32
        %dma_start3A_1149 = arith.constant 0 : i32
        %dma_start3A_1150 = tpu.memref_slice %arg6[%mul3A_1135, %dma_start3A_1148, %dma_start3A_1149] : memref<65x8x128xi32, #tpu.memory_space<vmem>> -> memref<8x8x128xi32, #tpu.memory_space<vmem>>
        tpu.enqueue_dma source(%dma_start3A_1150 : memref<8x8x128xi32, #tpu.memory_space<vmem>>) target(%dma_start3A_1147 : memref<8x8x128xi32, #tpu.memory_space<hbm>>) target_semaphore(%arg8 : memref<!tpu.dma_semaphore, #tpu.memory_space<semaphore_mem>>)
      } else {
      }
      %eq3A_1109 = arith.constant 7 : i32
      %eq3A_1110 = arith.cmpi eq, %and3A_1103, %eq3A_1109 : i32
      %convert_element_type3A_1111 = arith.extui %eq3A_1110 : i1 to i32
      %cond3A_1112 = arith.constant 0 : i32
      %cond3A_1113 = arith.cmpi ne, %convert_element_type3A_1111, %cond3A_1112 : i32
      scf.if %cond3A_1113 {
        %mul3A_1121 = arith.constant 8 : i32
        %mul3A_1122 = arith.muli %add3A, %mul3A_1121 : i32
        %shift_right_arithmetic3A_1123 = arith.constant 3 : i32
        %shift_right_arithmetic3A_1124 = arith.shrsi %add3A_997, %shift_right_arithmetic3A_1123 : i32
        %add3A_1125 = arith.addi %mul3A_1122, %shift_right_arithmetic3A_1124 : i32
        %shift_right_arithmetic3A_1126 = arith.constant 5 : i32
        %shift_right_arithmetic3A_1127 = arith.shrsi %add3A_1125, %shift_right_arithmetic3A_1126 : i32
        %and3A_1128 = arith.constant 31 : i32
        %and3A_1129 = arith.andi %add3A_1125, %and3A_1128 : i32
        %mul3A_1130 = arith.constant 128 : i32
        %mul3A_1131 = arith.muli %and3A_1129, %mul3A_1130 : i32
        %and3A_1132 = arith.constant 7 : i32
        %and3A_1133 = arith.andi %add3A_997, %and3A_1132 : i32
        %mul3A_1134 = arith.constant 8 : i32
        %mul3A_1135 = arith.muli %and3A_1133, %mul3A_1134 : i32
        %mul3A_1136 = arith.constant 65 : i32
        %mul3A_1137 = arith.muli %shift_right_arithmetic3A_1127, %mul3A_1136 : i32
        %mul3A_1138 = arith.constant 8 : i32
        %mul3A_1139 = arith.muli %and3A_1133, %mul3A_1138 : i32
        %add3A_1140 = arith.addi %mul3A_1137, %mul3A_1139 : i32
        %dma_start3A_1141 = arith.constant 0 : i32
        %dma_start3A_1142 = arith.constant 0 : i32
        %dma_start3A_1143 = tpu.memref_slice %arg6[%mul3A_1135, %dma_start3A_1141, %dma_start3A_1142] : memref<65x8x128xi32, #tpu.memory_space<vmem>> -> memref<9x8x128xi32, #tpu.memory_space<vmem>>
        %dma_start3A_1144 = arith.constant 0 : i32
        %dma_start3A_1145 = tpu.memref_slice %arg3[%add3A_1140, %dma_start3A_1144, %mul3A_1131] : memref<520x8x4096xi32, #tpu.memory_space<hbm>> -> memref<9x8x128xi32, #tpu.memory_space<hbm>>
        %dma_start3A_1146 = arith.constant 0 : i32
        %dma_start3A_1147 = tpu.memref_slice %arg3[%add3A_1140, %dma_start3A_1146, %mul3A_1131] : memref<520x8x4096xi32, #tpu.memory_space<hbm>> -> memref<9x8x128xi32, #tpu.memory_space<hbm>>
        %dma_start3A_1148 = arith.constant 0 : i32
        %dma_start3A_1149 = arith.constant 0 : i32
        %dma_start3A_1150 = tpu.memref_slice %arg6[%mul3A_1135, %dma_start3A_1148, %dma_start3A_1149] : memref<65x8x128xi32, #tpu.memory_space<vmem>> -> memref<9x8x128xi32, #tpu.memory_space<vmem>>
        tpu.enqueue_dma source(%dma_start3A_1150 : memref<9x8x128xi32, #tpu.memory_space<vmem>>) target(%dma_start3A_1147 : memref<9x8x128xi32, #tpu.memory_space<hbm>>) target_semaphore(%arg8 : memref<!tpu.dma_semaphore, #tpu.memory_space<semaphore_mem>>)
      } else {
      }
      %add3A_1114 = arith.constant 2 : i32
      %add3A_1115 = arith.addi %add3A_997, %add3A_1114 : i32
      %lt3A_1116 = arith.constant 64 : i32
      %lt3A_1117 = arith.cmpi slt, %add3A_1115, %lt3A_1116 : i32
      %convert_element_type3A_1118 = arith.extui %lt3A_1117 : i1 to i32
      %cond3A_1119 = arith.constant 0 : i32
      %cond3A_1120 = arith.cmpi ne, %convert_element_type3A_1118, %cond3A_1119 : i32
      scf.if %cond3A_1120 {
        %add3A_1121 = arith.constant 2 : i32
        %add3A_1122 = arith.addi %add3A_997, %add3A_1121 : i32
        %mul3A_1123 = arith.constant 8 : i32
        %mul3A_1124 = arith.muli %add3A, %mul3A_1123 : i32
        %shift_right_arithmetic3A_1125 = arith.constant 3 : i32
        %shift_right_arithmetic3A_1126 = arith.shrsi %add3A_1122, %shift_right_arithmetic3A_1125 : i32
        %add3A_1127 = arith.addi %mul3A_1124, %shift_right_arithmetic3A_1126 : i32
        %shift_right_arithmetic3A_1128 = arith.constant 5 : i32
        %shift_right_arithmetic3A_1129 = arith.shrsi %add3A_1127, %shift_right_arithmetic3A_1128 : i32
        %and3A_1130 = arith.constant 31 : i32
        %and3A_1131 = arith.andi %add3A_1127, %and3A_1130 : i32
        %mul3A_1132 = arith.constant 128 : i32
        %mul3A_1133 = arith.muli %and3A_1131, %mul3A_1132 : i32
        %and3A_1134 = arith.constant 7 : i32
        %and3A_1135 = arith.andi %add3A_1122, %and3A_1134 : i32
        %mul3A_1136 = arith.constant 8 : i32
        %mul3A_1137 = arith.muli %shift_right_arithmetic3A_1129, %mul3A_1136 : i32
        %add3A_1138 = arith.addi %mul3A_1137, %and3A_1135 : i32
        %mul3A_1139 = arith.constant 64 : i32
        %mul3A_1140 = arith.muli %add3A_1138, %mul3A_1139 : i32
        %add3A_1141 = arith.constant 0 : i32
        %add3A_1142 = arith.addi %add3A_1141, %mul3A_1140 : i32
        %mul3A_1143 = arith.constant 64 : i32
        %mul3A_1144 = arith.muli %add3A_1138, %mul3A_1143 : i32
        %add3A_1145 = arith.constant 4096 : i32
        %add3A_1146 = arith.addi %add3A_1145, %mul3A_1144 : i32
        %mul3A_1147 = arith.constant 64 : i32
        %mul3A_1148 = arith.muli %add3A_1138, %mul3A_1147 : i32
        %add3A_1149 = arith.constant 8192 : i32
        %add3A_1150 = arith.addi %add3A_1149, %mul3A_1148 : i32
        %dma_start3A_1151 = arith.constant 0 : i32
        %dma_start3A_1152 = arith.constant 1 : i32
        %dma_start3A_1153 = arith.constant 0 : i32
        %dma_start3A_1154 = arith.constant 0 : i32
        %dma_start3A_1155 = tpu.memref_slice %arg5[%dma_start3A_1151, %dma_start3A_1153, %dma_start3A_1154] : memref<3x64x128xf32, #tpu.memory_space<vmem>> -> memref<1x64x128xf32, #tpu.memory_space<vmem>>
        %dma_start3A_1156 = tpu.memref_squeeze %dma_start3A_1155 : memref<1x64x128xf32, #tpu.memory_space<vmem>> -> memref<64x128xf32, #tpu.memory_space<vmem>>
        %dma_start3A_1157 = tpu.memref_slice %arg2[%add3A_1142, %mul3A_1133] : memref<12288x4096xf32, #tpu.memory_space<hbm>> -> memref<64x128xf32, #tpu.memory_space<hbm>>
        %dma_start3A_1158 = tpu.memref_slice %arg7[%dma_start3A_1152] : memref<2x!tpu.dma_semaphore, #tpu.memory_space<semaphore_mem>> -> memref<1x!tpu.dma_semaphore, #tpu.memory_space<semaphore_mem>>
        %dma_start3A_1159 = tpu.memref_squeeze %dma_start3A_1158 : memref<1x!tpu.dma_semaphore, #tpu.memory_space<semaphore_mem>> -> memref<!tpu.dma_semaphore, #tpu.memory_space<semaphore_mem>>
        %dma_start3A_1160 = arith.constant 0 : i32
        %dma_start3A_1161 = arith.constant 0 : i32
        %dma_start3A_1162 = tpu.memref_slice %arg5[%dma_start3A_1151, %dma_start3A_1160, %dma_start3A_1161] : memref<3x64x128xf32, #tpu.memory_space<vmem>> -> memref<1x64x128xf32, #tpu.memory_space<vmem>>
        %dma_start3A_1163 = tpu.memref_squeeze %dma_start3A_1162 : memref<1x64x128xf32, #tpu.memory_space<vmem>> -> memref<64x128xf32, #tpu.memory_space<vmem>>
        %dma_start3A_1164 = tpu.memref_slice %arg2[%add3A_1142, %mul3A_1133] : memref<12288x4096xf32, #tpu.memory_space<hbm>> -> memref<64x128xf32, #tpu.memory_space<hbm>>
        tpu.enqueue_dma source(%dma_start3A_1164 : memref<64x128xf32, #tpu.memory_space<hbm>>) target(%dma_start3A_1163 : memref<64x128xf32, #tpu.memory_space<vmem>>) target_semaphore(%dma_start3A_1159 : memref<!tpu.dma_semaphore, #tpu.memory_space<semaphore_mem>>)
        %dma_start3A_1165 = arith.constant 1 : i32
        %dma_start3A_1166 = arith.constant 1 : i32
        %dma_start3A_1167 = arith.constant 0 : i32
        %dma_start3A_1168 = arith.constant 0 : i32
        %dma_start3A_1169 = tpu.memref_slice %arg5[%dma_start3A_1165, %dma_start3A_1167, %dma_start3A_1168] : memref<3x64x128xf32, #tpu.memory_space<vmem>> -> memref<1x64x128xf32, #tpu.memory_space<vmem>>
        %dma_start3A_1170 = tpu.memref_squeeze %dma_start3A_1169 : memref<1x64x128xf32, #tpu.memory_space<vmem>> -> memref<64x128xf32, #tpu.memory_space<vmem>>
        %dma_start3A_1171 = tpu.memref_slice %arg2[%add3A_1146, %mul3A_1133] : memref<12288x4096xf32, #tpu.memory_space<hbm>> -> memref<64x128xf32, #tpu.memory_space<hbm>>
        %dma_start3A_1172 = tpu.memref_slice %arg7[%dma_start3A_1166] : memref<2x!tpu.dma_semaphore, #tpu.memory_space<semaphore_mem>> -> memref<1x!tpu.dma_semaphore, #tpu.memory_space<semaphore_mem>>
        %dma_start3A_1173 = tpu.memref_squeeze %dma_start3A_1172 : memref<1x!tpu.dma_semaphore, #tpu.memory_space<semaphore_mem>> -> memref<!tpu.dma_semaphore, #tpu.memory_space<semaphore_mem>>
        %dma_start3A_1174 = arith.constant 0 : i32
        %dma_start3A_1175 = arith.constant 0 : i32
        %dma_start3A_1176 = tpu.memref_slice %arg5[%dma_start3A_1165, %dma_start3A_1174, %dma_start3A_1175] : memref<3x64x128xf32, #tpu.memory_space<vmem>> -> memref<1x64x128xf32, #tpu.memory_space<vmem>>
        %dma_start3A_1177 = tpu.memref_squeeze %dma_start3A_1176 : memref<1x64x128xf32, #tpu.memory_space<vmem>> -> memref<64x128xf32, #tpu.memory_space<vmem>>
        %dma_start3A_1178 = tpu.memref_slice %arg2[%add3A_1146, %mul3A_1133] : memref<12288x4096xf32, #tpu.memory_space<hbm>> -> memref<64x128xf32, #tpu.memory_space<hbm>>
        tpu.enqueue_dma source(%dma_start3A_1178 : memref<64x128xf32, #tpu.memory_space<hbm>>) target(%dma_start3A_1177 : memref<64x128xf32, #tpu.memory_space<vmem>>) target_semaphore(%dma_start3A_1173 : memref<!tpu.dma_semaphore, #tpu.memory_space<semaphore_mem>>)
        %dma_start3A_1179 = arith.constant 2 : i32
        %dma_start3A_1180 = arith.constant 1 : i32
        %dma_start3A_1181 = arith.constant 0 : i32
        %dma_start3A_1182 = arith.constant 0 : i32
        %dma_start3A_1183 = tpu.memref_slice %arg5[%dma_start3A_1179, %dma_start3A_1181, %dma_start3A_1182] : memref<3x64x128xf32, #tpu.memory_space<vmem>> -> memref<1x64x128xf32, #tpu.memory_space<vmem>>
        %dma_start3A_1184 = tpu.memref_squeeze %dma_start3A_1183 : memref<1x64x128xf32, #tpu.memory_space<vmem>> -> memref<64x128xf32, #tpu.memory_space<vmem>>
        %dma_start3A_1185 = tpu.memref_slice %arg2[%add3A_1150, %mul3A_1133] : memref<12288x4096xf32, #tpu.memory_space<hbm>> -> memref<64x128xf32, #tpu.memory_space<hbm>>
        %dma_start3A_1186 = tpu.memref_slice %arg7[%dma_start3A_1180] : memref<2x!tpu.dma_semaphore, #tpu.memory_space<semaphore_mem>> -> memref<1x!tpu.dma_semaphore, #tpu.memory_space<semaphore_mem>>
        %dma_start3A_1187 = tpu.memref_squeeze %dma_start3A_1186 : memref<1x!tpu.dma_semaphore, #tpu.memory_space<semaphore_mem>> -> memref<!tpu.dma_semaphore, #tpu.memory_space<semaphore_mem>>
        %dma_start3A_1188 = arith.constant 0 : i32
        %dma_start3A_1189 = arith.constant 0 : i32
        %dma_start3A_1190 = tpu.memref_slice %arg5[%dma_start3A_1179, %dma_start3A_1188, %dma_start3A_1189] : memref<3x64x128xf32, #tpu.memory_space<vmem>> -> memref<1x64x128xf32, #tpu.memory_space<vmem>>
        %dma_start3A_1191 = tpu.memref_squeeze %dma_start3A_1190 : memref<1x64x128xf32, #tpu.memory_space<vmem>> -> memref<64x128xf32, #tpu.memory_space<vmem>>
        %dma_start3A_1192 = tpu.memref_slice %arg2[%add3A_1150, %mul3A_1133] : memref<12288x4096xf32, #tpu.memory_space<hbm>> -> memref<64x128xf32, #tpu.memory_space<hbm>>
        tpu.enqueue_dma source(%dma_start3A_1192 : memref<64x128xf32, #tpu.memory_space<hbm>>) target(%dma_start3A_1191 : memref<64x128xf32, #tpu.memory_space<vmem>>) target_semaphore(%dma_start3A_1187 : memref<!tpu.dma_semaphore, #tpu.memory_space<semaphore_mem>>)
      } else {
      }
    }
    %scan3A_663 = arith.constant 32 : i32
    %mul3A_664 = arith.constant 8 : i32
    %mul3A_665 = arith.muli %add3A, %mul3A_664 : i32
    %add3A_666 = arith.constant 7 : i32
    %add3A_667 = arith.addi %mul3A_665, %add3A_666 : i32
    %shift_right_arithmetic3A_668 = arith.constant 5 : i32
    %shift_right_arithmetic3A_669 = arith.shrsi %add3A_667, %shift_right_arithmetic3A_668 : i32
    %and3A_670 = arith.constant 31 : i32
    %and3A_671 = arith.andi %add3A_667, %and3A_670 : i32
    %mul3A_672 = arith.constant 128 : i32
    %mul3A_673 = arith.muli %and3A_671, %mul3A_672 : i32
    %mul3A_674 = arith.constant 65 : i32
    %mul3A_675 = arith.muli %shift_right_arithmetic3A_669, %mul3A_674 : i32
    %add3A_676 = arith.constant 0 : i32
    %add3A_677 = arith.addi %mul3A_675, %add3A_676 : i32
    %dma_wait3A = arith.constant 0 : i32
    %dma_wait3A_678 = arith.constant 0 : i32
    %dma_wait3A_679 = arith.constant 0 : i32
    %dma_wait3A_680 = tpu.memref_slice %arg6[%dma_wait3A, %dma_wait3A_678, %dma_wait3A_679] : memref<65x8x128xi32, #tpu.memory_space<vmem>> -> memref<8x8x128xi32, #tpu.memory_space<vmem>>
    %dma_wait3A_681 = arith.constant 0 : i32
    %dma_wait3A_682 = tpu.memref_slice %arg3[%add3A_677, %dma_wait3A_681, %mul3A_673] : memref<520x8x4096xi32, #tpu.memory_space<hbm>> -> memref<8x8x128xi32, #tpu.memory_space<hbm>>
    %dma_wait3A_683 = arith.constant 0 : i32
    %dma_wait3A_684 = tpu.memref_slice %arg3[%add3A_677, %dma_wait3A_683, %mul3A_673] : memref<520x8x4096xi32, #tpu.memory_space<hbm>> -> memref<8x8x128xi32, #tpu.memory_space<hbm>>
    %dma_wait3A_685 = arith.constant 0 : i32
    %dma_wait3A_686 = arith.constant 0 : i32
    %dma_wait3A_687 = arith.constant 0 : i32
    %dma_wait3A_688 = tpu.memref_slice %arg6[%dma_wait3A_685, %dma_wait3A_686, %dma_wait3A_687] : memref<65x8x128xi32, #tpu.memory_space<vmem>> -> memref<8x8x128xi32, #tpu.memory_space<vmem>>
    tpu.wait_dma2 semaphore(%arg8 : memref<!tpu.dma_semaphore, #tpu.memory_space<semaphore_mem>>) src(%dma_wait3A_688 : memref<8x8x128xi32, #tpu.memory_space<vmem>>) dst(%dma_wait3A_684 : memref<8x8x128xi32, #tpu.memory_space<hbm>>)
    %mul3A_689 = arith.constant 8 : i32
    %mul3A_690 = arith.muli %add3A, %mul3A_689 : i32
    %add3A_691 = arith.constant 7 : i32
    %add3A_692 = arith.addi %mul3A_690, %add3A_691 : i32
    %shift_right_arithmetic3A_693 = arith.constant 5 : i32
    %shift_right_arithmetic3A_694 = arith.shrsi %add3A_692, %shift_right_arithmetic3A_693 : i32
    %and3A_695 = arith.constant 31 : i32
    %and3A_696 = arith.andi %add3A_692, %and3A_695 : i32
    %mul3A_697 = arith.constant 128 : i32
    %mul3A_698 = arith.muli %and3A_696, %mul3A_697 : i32
    %mul3A_699 = arith.constant 65 : i32
    %mul3A_700 = arith.muli %shift_right_arithmetic3A_694, %mul3A_699 : i32
    %add3A_701 = arith.constant 8 : i32
    %add3A_702 = arith.addi %mul3A_700, %add3A_701 : i32
    %dma_wait3A_703 = arith.constant 8 : i32
    %dma_wait3A_704 = arith.constant 0 : i32
    %dma_wait3A_705 = arith.constant 0 : i32
    %dma_wait3A_706 = tpu.memref_slice %arg6[%dma_wait3A_703, %dma_wait3A_704, %dma_wait3A_705] : memref<65x8x128xi32, #tpu.memory_space<vmem>> -> memref<8x8x128xi32, #tpu.memory_space<vmem>>
    %dma_wait3A_707 = arith.constant 0 : i32
    %dma_wait3A_708 = tpu.memref_slice %arg3[%add3A_702, %dma_wait3A_707, %mul3A_698] : memref<520x8x4096xi32, #tpu.memory_space<hbm>> -> memref<8x8x128xi32, #tpu.memory_space<hbm>>
    %dma_wait3A_709 = arith.constant 0 : i32
    %dma_wait3A_710 = tpu.memref_slice %arg3[%add3A_702, %dma_wait3A_709, %mul3A_698] : memref<520x8x4096xi32, #tpu.memory_space<hbm>> -> memref<8x8x128xi32, #tpu.memory_space<hbm>>
    %dma_wait3A_711 = arith.constant 8 : i32
    %dma_wait3A_712 = arith.constant 0 : i32
    %dma_wait3A_713 = arith.constant 0 : i32
    %dma_wait3A_714 = tpu.memref_slice %arg6[%dma_wait3A_711, %dma_wait3A_712, %dma_wait3A_713] : memref<65x8x128xi32, #tpu.memory_space<vmem>> -> memref<8x8x128xi32, #tpu.memory_space<vmem>>
    tpu.wait_dma2 semaphore(%arg8 : memref<!tpu.dma_semaphore, #tpu.memory_space<semaphore_mem>>) src(%dma_wait3A_714 : memref<8x8x128xi32, #tpu.memory_space<vmem>>) dst(%dma_wait3A_710 : memref<8x8x128xi32, #tpu.memory_space<hbm>>)
    %mul3A_715 = arith.constant 8 : i32
    %mul3A_716 = arith.muli %add3A, %mul3A_715 : i32
    %add3A_717 = arith.constant 7 : i32
    %add3A_718 = arith.addi %mul3A_716, %add3A_717 : i32
    %shift_right_arithmetic3A_719 = arith.constant 5 : i32
    %shift_right_arithmetic3A_720 = arith.shrsi %add3A_718, %shift_right_arithmetic3A_719 : i32
    %and3A_721 = arith.constant 31 : i32
    %and3A_722 = arith.andi %add3A_718, %and3A_721 : i32
    %mul3A_723 = arith.constant 128 : i32
    %mul3A_724 = arith.muli %and3A_722, %mul3A_723 : i32
    %mul3A_725 = arith.constant 65 : i32
    %mul3A_726 = arith.muli %shift_right_arithmetic3A_720, %mul3A_725 : i32
    %add3A_727 = arith.constant 16 : i32
    %add3A_728 = arith.addi %mul3A_726, %add3A_727 : i32
    %dma_wait3A_729 = arith.constant 16 : i32
    %dma_wait3A_730 = arith.constant 0 : i32
    %dma_wait3A_731 = arith.constant 0 : i32
    %dma_wait3A_732 = tpu.memref_slice %arg6[%dma_wait3A_729, %dma_wait3A_730, %dma_wait3A_731] : memref<65x8x128xi32, #tpu.memory_space<vmem>> -> memref<8x8x128xi32, #tpu.memory_space<vmem>>
    %dma_wait3A_733 = arith.constant 0 : i32
    %dma_wait3A_734 = tpu.memref_slice %arg3[%add3A_728, %dma_wait3A_733, %mul3A_724] : memref<520x8x4096xi32, #tpu.memory_space<hbm>> -> memref<8x8x128xi32, #tpu.memory_space<hbm>>
    %dma_wait3A_735 = arith.constant 0 : i32
    %dma_wait3A_736 = tpu.memref_slice %arg3[%add3A_728, %dma_wait3A_735, %mul3A_724] : memref<520x8x4096xi32, #tpu.memory_space<hbm>> -> memref<8x8x128xi32, #tpu.memory_space<hbm>>
    %dma_wait3A_737 = arith.constant 16 : i32
    %dma_wait3A_738 = arith.constant 0 : i32
    %dma_wait3A_739 = arith.constant 0 : i32
    %dma_wait3A_740 = tpu.memref_slice %arg6[%dma_wait3A_737, %dma_wait3A_738, %dma_wait3A_739] : memref<65x8x128xi32, #tpu.memory_space<vmem>> -> memref<8x8x128xi32, #tpu.memory_space<vmem>>
    tpu.wait_dma2 semaphore(%arg8 : memref<!tpu.dma_semaphore, #tpu.memory_space<semaphore_mem>>) src(%dma_wait3A_740 : memref<8x8x128xi32, #tpu.memory_space<vmem>>) dst(%dma_wait3A_736 : memref<8x8x128xi32, #tpu.memory_space<hbm>>)
    %mul3A_741 = arith.constant 8 : i32
    %mul3A_742 = arith.muli %add3A, %mul3A_741 : i32
    %add3A_743 = arith.constant 7 : i32
    %add3A_744 = arith.addi %mul3A_742, %add3A_743 : i32
    %shift_right_arithmetic3A_745 = arith.constant 5 : i32
    %shift_right_arithmetic3A_746 = arith.shrsi %add3A_744, %shift_right_arithmetic3A_745 : i32
    %and3A_747 = arith.constant 31 : i32
    %and3A_748 = arith.andi %add3A_744, %and3A_747 : i32
    %mul3A_749 = arith.constant 128 : i32
    %mul3A_750 = arith.muli %and3A_748, %mul3A_749 : i32
    %mul3A_751 = arith.constant 65 : i32
    %mul3A_752 = arith.muli %shift_right_arithmetic3A_746, %mul3A_751 : i32
    %add3A_753 = arith.constant 24 : i32
    %add3A_754 = arith.addi %mul3A_752, %add3A_753 : i32
    %dma_wait3A_755 = arith.constant 24 : i32
    %dma_wait3A_756 = arith.constant 0 : i32
    %dma_wait3A_757 = arith.constant 0 : i32
    %dma_wait3A_758 = tpu.memref_slice %arg6[%dma_wait3A_755, %dma_wait3A_756, %dma_wait3A_757] : memref<65x8x128xi32, #tpu.memory_space<vmem>> -> memref<8x8x128xi32, #tpu.memory_space<vmem>>
    %dma_wait3A_759 = arith.constant 0 : i32
    %dma_wait3A_760 = tpu.memref_slice %arg3[%add3A_754, %dma_wait3A_759, %mul3A_750] : memref<520x8x4096xi32, #tpu.memory_space<hbm>> -> memref<8x8x128xi32, #tpu.memory_space<hbm>>
    %dma_wait3A_761 = arith.constant 0 : i32
    %dma_wait3A_762 = tpu.memref_slice %arg3[%add3A_754, %dma_wait3A_761, %mul3A_750] : memref<520x8x4096xi32, #tpu.memory_space<hbm>> -> memref<8x8x128xi32, #tpu.memory_space<hbm>>
    %dma_wait3A_763 = arith.constant 24 : i32
    %dma_wait3A_764 = arith.constant 0 : i32
    %dma_wait3A_765 = arith.constant 0 : i32
    %dma_wait3A_766 = tpu.memref_slice %arg6[%dma_wait3A_763, %dma_wait3A_764, %dma_wait3A_765] : memref<65x8x128xi32, #tpu.memory_space<vmem>> -> memref<8x8x128xi32, #tpu.memory_space<vmem>>
    tpu.wait_dma2 semaphore(%arg8 : memref<!tpu.dma_semaphore, #tpu.memory_space<semaphore_mem>>) src(%dma_wait3A_766 : memref<8x8x128xi32, #tpu.memory_space<vmem>>) dst(%dma_wait3A_762 : memref<8x8x128xi32, #tpu.memory_space<hbm>>)
    %mul3A_767 = arith.constant 8 : i32
    %mul3A_768 = arith.muli %add3A, %mul3A_767 : i32
    %add3A_769 = arith.constant 7 : i32
    %add3A_770 = arith.addi %mul3A_768, %add3A_769 : i32
    %shift_right_arithmetic3A_771 = arith.constant 5 : i32
    %shift_right_arithmetic3A_772 = arith.shrsi %add3A_770, %shift_right_arithmetic3A_771 : i32
    %and3A_773 = arith.constant 31 : i32
    %and3A_774 = arith.andi %add3A_770, %and3A_773 : i32
    %mul3A_775 = arith.constant 128 : i32
    %mul3A_776 = arith.muli %and3A_774, %mul3A_775 : i32
    %mul3A_777 = arith.constant 65 : i32
    %mul3A_778 = arith.muli %shift_right_arithmetic3A_772, %mul3A_777 : i32
    %add3A_779 = arith.constant 32 : i32
    %add3A_780 = arith.addi %mul3A_778, %add3A_779 : i32
    %dma_wait3A_781 = arith.constant 32 : i32
    %dma_wait3A_782 = arith.constant 0 : i32
    %dma_wait3A_783 = arith.constant 0 : i32
    %dma_wait3A_784 = tpu.memref_slice %arg6[%dma_wait3A_781, %dma_wait3A_782, %dma_wait3A_783] : memref<65x8x128xi32, #tpu.memory_space<vmem>> -> memref<8x8x128xi32, #tpu.memory_space<vmem>>
    %dma_wait3A_785 = arith.constant 0 : i32
    %dma_wait3A_786 = tpu.memref_slice %arg3[%add3A_780, %dma_wait3A_785, %mul3A_776] : memref<520x8x4096xi32, #tpu.memory_space<hbm>> -> memref<8x8x128xi32, #tpu.memory_space<hbm>>
    %dma_wait3A_787 = arith.constant 0 : i32
    %dma_wait3A_788 = tpu.memref_slice %arg3[%add3A_780, %dma_wait3A_787, %mul3A_776] : memref<520x8x4096xi32, #tpu.memory_space<hbm>> -> memref<8x8x128xi32, #tpu.memory_space<hbm>>
    %dma_wait3A_789 = arith.constant 32 : i32
    %dma_wait3A_790 = arith.constant 0 : i32
    %dma_wait3A_791 = arith.constant 0 : i32
    %dma_wait3A_792 = tpu.memref_slice %arg6[%dma_wait3A_789, %dma_wait3A_790, %dma_wait3A_791] : memref<65x8x128xi32, #tpu.memory_space<vmem>> -> memref<8x8x128xi32, #tpu.memory_space<vmem>>
    tpu.wait_dma2 semaphore(%arg8 : memref<!tpu.dma_semaphore, #tpu.memory_space<semaphore_mem>>) src(%dma_wait3A_792 : memref<8x8x128xi32, #tpu.memory_space<vmem>>) dst(%dma_wait3A_788 : memref<8x8x128xi32, #tpu.memory_space<hbm>>)
    %mul3A_793 = arith.constant 8 : i32
    %mul3A_794 = arith.muli %add3A, %mul3A_793 : i32
    %add3A_795 = arith.constant 7 : i32
    %add3A_796 = arith.addi %mul3A_794, %add3A_795 : i32
    %shift_right_arithmetic3A_797 = arith.constant 5 : i32
    %shift_right_arithmetic3A_798 = arith.shrsi %add3A_796, %shift_right_arithmetic3A_797 : i32
    %and3A_799 = arith.constant 31 : i32
    %and3A_800 = arith.andi %add3A_796, %and3A_799 : i32
    %mul3A_801 = arith.constant 128 : i32
    %mul3A_802 = arith.muli %and3A_800, %mul3A_801 : i32
    %mul3A_803 = arith.constant 65 : i32
    %mul3A_804 = arith.muli %shift_right_arithmetic3A_798, %mul3A_803 : i32
    %add3A_805 = arith.constant 40 : i32
    %add3A_806 = arith.addi %mul3A_804, %add3A_805 : i32
    %dma_wait3A_807 = arith.constant 40 : i32
    %dma_wait3A_808 = arith.constant 0 : i32
    %dma_wait3A_809 = arith.constant 0 : i32
    %dma_wait3A_810 = tpu.memref_slice %arg6[%dma_wait3A_807, %dma_wait3A_808, %dma_wait3A_809] : memref<65x8x128xi32, #tpu.memory_space<vmem>> -> memref<8x8x128xi32, #tpu.memory_space<vmem>>
    %dma_wait3A_811 = arith.constant 0 : i32
    %dma_wait3A_812 = tpu.memref_slice %arg3[%add3A_806, %dma_wait3A_811, %mul3A_802] : memref<520x8x4096xi32, #tpu.memory_space<hbm>> -> memref<8x8x128xi32, #tpu.memory_space<hbm>>
    %dma_wait3A_813 = arith.constant 0 : i32
    %dma_wait3A_814 = tpu.memref_slice %arg3[%add3A_806, %dma_wait3A_813, %mul3A_802] : memref<520x8x4096xi32, #tpu.memory_space<hbm>> -> memref<8x8x128xi32, #tpu.memory_space<hbm>>
    %dma_wait3A_815 = arith.constant 40 : i32
    %dma_wait3A_816 = arith.constant 0 : i32
    %dma_wait3A_817 = arith.constant 0 : i32
    %dma_wait3A_818 = tpu.memref_slice %arg6[%dma_wait3A_815, %dma_wait3A_816, %dma_wait3A_817] : memref<65x8x128xi32, #tpu.memory_space<vmem>> -> memref<8x8x128xi32, #tpu.memory_space<vmem>>
    tpu.wait_dma2 semaphore(%arg8 : memref<!tpu.dma_semaphore, #tpu.memory_space<semaphore_mem>>) src(%dma_wait3A_818 : memref<8x8x128xi32, #tpu.memory_space<vmem>>) dst(%dma_wait3A_814 : memref<8x8x128xi32, #tpu.memory_space<hbm>>)
    %mul3A_819 = arith.constant 8 : i32
    %mul3A_820 = arith.muli %add3A, %mul3A_819 : i32
    %add3A_821 = arith.constant 7 : i32
    %add3A_822 = arith.addi %mul3A_820, %add3A_821 : i32
    %shift_right_arithmetic3A_823 = arith.constant 5 : i32
    %shift_right_arithmetic3A_824 = arith.shrsi %add3A_822, %shift_right_arithmetic3A_823 : i32
    %and3A_825 = arith.constant 31 : i32
    %and3A_826 = arith.andi %add3A_822, %and3A_825 : i32
    %mul3A_827 = arith.constant 128 : i32
    %mul3A_828 = arith.muli %and3A_826, %mul3A_827 : i32
    %mul3A_829 = arith.constant 65 : i32
    %mul3A_830 = arith.muli %shift_right_arithmetic3A_824, %mul3A_829 : i32
    %add3A_831 = arith.constant 48 : i32
    %add3A_832 = arith.addi %mul3A_830, %add3A_831 : i32
    %dma_wait3A_833 = arith.constant 48 : i32
    %dma_wait3A_834 = arith.constant 0 : i32
    %dma_wait3A_835 = arith.constant 0 : i32
    %dma_wait3A_836 = tpu.memref_slice %arg6[%dma_wait3A_833, %dma_wait3A_834, %dma_wait3A_835] : memref<65x8x128xi32, #tpu.memory_space<vmem>> -> memref<8x8x128xi32, #tpu.memory_space<vmem>>
    %dma_wait3A_837 = arith.constant 0 : i32
    %dma_wait3A_838 = tpu.memref_slice %arg3[%add3A_832, %dma_wait3A_837, %mul3A_828] : memref<520x8x4096xi32, #tpu.memory_space<hbm>> -> memref<8x8x128xi32, #tpu.memory_space<hbm>>
    %dma_wait3A_839 = arith.constant 0 : i32
    %dma_wait3A_840 = tpu.memref_slice %arg3[%add3A_832, %dma_wait3A_839, %mul3A_828] : memref<520x8x4096xi32, #tpu.memory_space<hbm>> -> memref<8x8x128xi32, #tpu.memory_space<hbm>>
    %dma_wait3A_841 = arith.constant 48 : i32
    %dma_wait3A_842 = arith.constant 0 : i32
    %dma_wait3A_843 = arith.constant 0 : i32
    %dma_wait3A_844 = tpu.memref_slice %arg6[%dma_wait3A_841, %dma_wait3A_842, %dma_wait3A_843] : memref<65x8x128xi32, #tpu.memory_space<vmem>> -> memref<8x8x128xi32, #tpu.memory_space<vmem>>
    tpu.wait_dma2 semaphore(%arg8 : memref<!tpu.dma_semaphore, #tpu.memory_space<semaphore_mem>>) src(%dma_wait3A_844 : memref<8x8x128xi32, #tpu.memory_space<vmem>>) dst(%dma_wait3A_840 : memref<8x8x128xi32, #tpu.memory_space<hbm>>)
    %mul3A_845 = arith.constant 8 : i32
    %mul3A_846 = arith.muli %add3A, %mul3A_845 : i32
    %add3A_847 = arith.constant 7 : i32
    %add3A_848 = arith.addi %mul3A_846, %add3A_847 : i32
    %shift_right_arithmetic3A_849 = arith.constant 5 : i32
    %shift_right_arithmetic3A_850 = arith.shrsi %add3A_848, %shift_right_arithmetic3A_849 : i32
    %and3A_851 = arith.constant 31 : i32
    %and3A_852 = arith.andi %add3A_848, %and3A_851 : i32
    %mul3A_853 = arith.constant 128 : i32
    %mul3A_854 = arith.muli %and3A_852, %mul3A_853 : i32
    %mul3A_855 = arith.constant 65 : i32
    %mul3A_856 = arith.muli %shift_right_arithmetic3A_850, %mul3A_855 : i32
    %add3A_857 = arith.constant 56 : i32
    %add3A_858 = arith.addi %mul3A_856, %add3A_857 : i32
    %dma_wait3A_859 = arith.constant 56 : i32
    %dma_wait3A_860 = arith.constant 0 : i32
    %dma_wait3A_861 = arith.constant 0 : i32
    %dma_wait3A_862 = tpu.memref_slice %arg6[%dma_wait3A_859, %dma_wait3A_860, %dma_wait3A_861] : memref<65x8x128xi32, #tpu.memory_space<vmem>> -> memref<9x8x128xi32, #tpu.memory_space<vmem>>
    %dma_wait3A_863 = arith.constant 0 : i32
    %dma_wait3A_864 = tpu.memref_slice %arg3[%add3A_858, %dma_wait3A_863, %mul3A_854] : memref<520x8x4096xi32, #tpu.memory_space<hbm>> -> memref<9x8x128xi32, #tpu.memory_space<hbm>>
    %dma_wait3A_865 = arith.constant 0 : i32
    %dma_wait3A_866 = tpu.memref_slice %arg3[%add3A_858, %dma_wait3A_865, %mul3A_854] : memref<520x8x4096xi32, #tpu.memory_space<hbm>> -> memref<9x8x128xi32, #tpu.memory_space<hbm>>
    %dma_wait3A_867 = arith.constant 56 : i32
    %dma_wait3A_868 = arith.constant 0 : i32
    %dma_wait3A_869 = arith.constant 0 : i32
    %dma_wait3A_870 = tpu.memref_slice %arg6[%dma_wait3A_867, %dma_wait3A_868, %dma_wait3A_869] : memref<65x8x128xi32, #tpu.memory_space<vmem>> -> memref<9x8x128xi32, #tpu.memory_space<vmem>>
    tpu.wait_dma2 semaphore(%arg8 : memref<!tpu.dma_semaphore, #tpu.memory_space<semaphore_mem>>) src(%dma_wait3A_870 : memref<9x8x128xi32, #tpu.memory_space<vmem>>) dst(%dma_wait3A_866 : memref<9x8x128xi32, #tpu.memory_space<hbm>>)
    return
  }
}

module attributes {stable_mosaic.version = 14 : i64} {
  func.func @_tc_lbl_body(%arg0: i32, %arg1: i32, %arg2: memref<512x1024xi32, #tpu.memory_space<vmem>>, %arg3: memref<520x1024xi32, #tpu.memory_space<vmem>>) attributes {dimension_semantics = [#tpu.dimension_semantics<arbitrary>, #tpu.dimension_semantics<arbitrary>], iteration_bounds = array<i64: 8, 4>, scalar_prefetch = 0 : i64, scratch_operands = 0 : i64, tpu.core_type = #tpu.core_type<tc>, window_params = [{transform_indices = @transform_0, window_bounds = array<i64: 512, 1024>}, {transform_indices = @transform_1, window_bounds = array<i64: 520, 1024>}]} {
    %get3A = arith.constant 0 : index
    %get3A_0 = arith.constant 0 : index
    %get3A_1 = vector.load %arg2[%get3A, %get3A_0] : memref<512x1024xi32, #tpu.memory_space<vmem>>, vector<64x1024xi32>
    %add3A = arith.constant 1 : i32
    %add3A_2 = vector.broadcast %add3A : i32 to vector<64x1024xi32>
    %add3A_3 = arith.addi %get3A_1, %add3A_2 : vector<64x1024xi32>
    %swap3A = arith.constant 0 : index
    %swap3A_4 = arith.constant 0 : index
    %swap3A_5 = vector.load %arg3[%swap3A, %swap3A_4] : memref<520x1024xi32, #tpu.memory_space<vmem>>, vector<64x1024xi32>
    tpu.vector_store %arg3[%swap3A, %swap3A_4], %add3A_3 {strides = array<i32>} : memref<520x1024xi32, #tpu.memory_space<vmem>>, vector<64x1024xi32>,
    %broadcast_in_dim3A = arith.constant 3 : i32
    %broadcast_in_dim3A_6 = vector.broadcast %broadcast_in_dim3A : i32 to vector<1x1024xi32>
    %swap3A_7 = arith.constant 64 : index
    %swap3A_8 = arith.constant 0 : index
    %swap3A_9 = vector.load %arg3[%swap3A_7, %swap3A_8] : memref<520x1024xi32, #tpu.memory_space<vmem>>, vector<1x1024xi32>
    tpu.vector_store %arg3[%swap3A_7, %swap3A_8], %broadcast_in_dim3A_6 {strides = array<i32>} : memref<520x1024xi32, #tpu.memory_space<vmem>>, vector<1x1024xi32>,
    %get3A_10 = arith.constant 64 : index
    %get3A_11 = arith.constant 0 : index
    %get3A_12 = vector.load %arg2[%get3A_10, %get3A_11] : memref<512x1024xi32, #tpu.memory_space<vmem>>, vector<64x1024xi32>
    %add3A_13 = arith.constant 1 : i32
    %add3A_14 = vector.broadcast %add3A_13 : i32 to vector<64x1024xi32>
    %add3A_15 = arith.addi %get3A_12, %add3A_14 : vector<64x1024xi32>
    %swap3A_16 = arith.constant 65 : index
    %swap3A_17 = arith.constant 0 : index
    %swap3A_18 = vector.load %arg3[%swap3A_16, %swap3A_17] : memref<520x1024xi32, #tpu.memory_space<vmem>>, vector<64x1024xi32>
    tpu.vector_store %arg3[%swap3A_16, %swap3A_17], %add3A_15 {strides = array<i32>} : memref<520x1024xi32, #tpu.memory_space<vmem>>, vector<64x1024xi32>,
    %broadcast_in_dim3A_19 = arith.constant 3 : i32
    %broadcast_in_dim3A_20 = vector.broadcast %broadcast_in_dim3A_19 : i32 to vector<1x1024xi32>
    %swap3A_21 = arith.constant 129 : index
    %swap3A_22 = arith.constant 0 : index
    %swap3A_23 = vector.load %arg3[%swap3A_21, %swap3A_22] : memref<520x1024xi32, #tpu.memory_space<vmem>>, vector<1x1024xi32>
    tpu.vector_store %arg3[%swap3A_21, %swap3A_22], %broadcast_in_dim3A_20 {strides = array<i32>} : memref<520x1024xi32, #tpu.memory_space<vmem>>, vector<1x1024xi32>,
    %get3A_24 = arith.constant 128 : index
    %get3A_25 = arith.constant 0 : index
    %get3A_26 = vector.load %arg2[%get3A_24, %get3A_25] : memref<512x1024xi32, #tpu.memory_space<vmem>>, vector<64x1024xi32>
    %add3A_27 = arith.constant 1 : i32
    %add3A_28 = vector.broadcast %add3A_27 : i32 to vector<64x1024xi32>
    %add3A_29 = arith.addi %get3A_26, %add3A_28 : vector<64x1024xi32>
    %swap3A_30 = arith.constant 130 : index
    %swap3A_31 = arith.constant 0 : index
    %swap3A_32 = vector.load %arg3[%swap3A_30, %swap3A_31] : memref<520x1024xi32, #tpu.memory_space<vmem>>, vector<64x1024xi32>
    tpu.vector_store %arg3[%swap3A_30, %swap3A_31], %add3A_29 {strides = array<i32>} : memref<520x1024xi32, #tpu.memory_space<vmem>>, vector<64x1024xi32>,
    %broadcast_in_dim3A_33 = arith.constant 3 : i32
    %broadcast_in_dim3A_34 = vector.broadcast %broadcast_in_dim3A_33 : i32 to vector<1x1024xi32>
    %swap3A_35 = arith.constant 194 : index
    %swap3A_36 = arith.constant 0 : index
    %swap3A_37 = vector.load %arg3[%swap3A_35, %swap3A_36] : memref<520x1024xi32, #tpu.memory_space<vmem>>, vector<1x1024xi32>
    tpu.vector_store %arg3[%swap3A_35, %swap3A_36], %broadcast_in_dim3A_34 {strides = array<i32>} : memref<520x1024xi32, #tpu.memory_space<vmem>>, vector<1x1024xi32>,
    %get3A_38 = arith.constant 192 : index
    %get3A_39 = arith.constant 0 : index
    %get3A_40 = vector.load %arg2[%get3A_38, %get3A_39] : memref<512x1024xi32, #tpu.memory_space<vmem>>, vector<64x1024xi32>
    %add3A_41 = arith.constant 1 : i32
    %add3A_42 = vector.broadcast %add3A_41 : i32 to vector<64x1024xi32>
    %add3A_43 = arith.addi %get3A_40, %add3A_42 : vector<64x1024xi32>
    %swap3A_44 = arith.constant 195 : index
    %swap3A_45 = arith.constant 0 : index
    %swap3A_46 = vector.load %arg3[%swap3A_44, %swap3A_45] : memref<520x1024xi32, #tpu.memory_space<vmem>>, vector<64x1024xi32>
    tpu.vector_store %arg3[%swap3A_44, %swap3A_45], %add3A_43 {strides = array<i32>} : memref<520x1024xi32, #tpu.memory_space<vmem>>, vector<64x1024xi32>,
    %broadcast_in_dim3A_47 = arith.constant 3 : i32
    %broadcast_in_dim3A_48 = vector.broadcast %broadcast_in_dim3A_47 : i32 to vector<1x1024xi32>
    %swap3A_49 = arith.constant 259 : index
    %swap3A_50 = arith.constant 0 : index
    %swap3A_51 = vector.load %arg3[%swap3A_49, %swap3A_50] : memref<520x1024xi32, #tpu.memory_space<vmem>>, vector<1x1024xi32>
    tpu.vector_store %arg3[%swap3A_49, %swap3A_50], %broadcast_in_dim3A_48 {strides = array<i32>} : memref<520x1024xi32, #tpu.memory_space<vmem>>, vector<1x1024xi32>,
    %get3A_52 = arith.constant 256 : index
    %get3A_53 = arith.constant 0 : index
    %get3A_54 = vector.load %arg2[%get3A_52, %get3A_53] : memref<512x1024xi32, #tpu.memory_space<vmem>>, vector<64x1024xi32>
    %add3A_55 = arith.constant 1 : i32
    %add3A_56 = vector.broadcast %add3A_55 : i32 to vector<64x1024xi32>
    %add3A_57 = arith.addi %get3A_54, %add3A_56 : vector<64x1024xi32>
    %swap3A_58 = arith.constant 260 : index
    %swap3A_59 = arith.constant 0 : index
    %swap3A_60 = vector.load %arg3[%swap3A_58, %swap3A_59] : memref<520x1024xi32, #tpu.memory_space<vmem>>, vector<64x1024xi32>
    tpu.vector_store %arg3[%swap3A_58, %swap3A_59], %add3A_57 {strides = array<i32>} : memref<520x1024xi32, #tpu.memory_space<vmem>>, vector<64x1024xi32>,
    %broadcast_in_dim3A_61 = arith.constant 3 : i32
    %broadcast_in_dim3A_62 = vector.broadcast %broadcast_in_dim3A_61 : i32 to vector<1x1024xi32>
    %swap3A_63 = arith.constant 324 : index
    %swap3A_64 = arith.constant 0 : index
    %swap3A_65 = vector.load %arg3[%swap3A_63, %swap3A_64] : memref<520x1024xi32, #tpu.memory_space<vmem>>, vector<1x1024xi32>
    tpu.vector_store %arg3[%swap3A_63, %swap3A_64], %broadcast_in_dim3A_62 {strides = array<i32>} : memref<520x1024xi32, #tpu.memory_space<vmem>>, vector<1x1024xi32>,
    %get3A_66 = arith.constant 320 : index
    %get3A_67 = arith.constant 0 : index
    %get3A_68 = vector.load %arg2[%get3A_66, %get3A_67] : memref<512x1024xi32, #tpu.memory_space<vmem>>, vector<64x1024xi32>
    %add3A_69 = arith.constant 1 : i32
    %add3A_70 = vector.broadcast %add3A_69 : i32 to vector<64x1024xi32>
    %add3A_71 = arith.addi %get3A_68, %add3A_70 : vector<64x1024xi32>
    %swap3A_72 = arith.constant 325 : index
    %swap3A_73 = arith.constant 0 : index
    %swap3A_74 = vector.load %arg3[%swap3A_72, %swap3A_73] : memref<520x1024xi32, #tpu.memory_space<vmem>>, vector<64x1024xi32>
    tpu.vector_store %arg3[%swap3A_72, %swap3A_73], %add3A_71 {strides = array<i32>} : memref<520x1024xi32, #tpu.memory_space<vmem>>, vector<64x1024xi32>,
    %broadcast_in_dim3A_75 = arith.constant 3 : i32
    %broadcast_in_dim3A_76 = vector.broadcast %broadcast_in_dim3A_75 : i32 to vector<1x1024xi32>
    %swap3A_77 = arith.constant 389 : index
    %swap3A_78 = arith.constant 0 : index
    %swap3A_79 = vector.load %arg3[%swap3A_77, %swap3A_78] : memref<520x1024xi32, #tpu.memory_space<vmem>>, vector<1x1024xi32>
    tpu.vector_store %arg3[%swap3A_77, %swap3A_78], %broadcast_in_dim3A_76 {strides = array<i32>} : memref<520x1024xi32, #tpu.memory_space<vmem>>, vector<1x1024xi32>,
    %get3A_80 = arith.constant 384 : index
    %get3A_81 = arith.constant 0 : index
    %get3A_82 = vector.load %arg2[%get3A_80, %get3A_81] : memref<512x1024xi32, #tpu.memory_space<vmem>>, vector<64x1024xi32>
    %add3A_83 = arith.constant 1 : i32
    %add3A_84 = vector.broadcast %add3A_83 : i32 to vector<64x1024xi32>
    %add3A_85 = arith.addi %get3A_82, %add3A_84 : vector<64x1024xi32>
    %swap3A_86 = arith.constant 390 : index
    %swap3A_87 = arith.constant 0 : index
    %swap3A_88 = vector.load %arg3[%swap3A_86, %swap3A_87] : memref<520x1024xi32, #tpu.memory_space<vmem>>, vector<64x1024xi32>
    tpu.vector_store %arg3[%swap3A_86, %swap3A_87], %add3A_85 {strides = array<i32>} : memref<520x1024xi32, #tpu.memory_space<vmem>>, vector<64x1024xi32>,
    %broadcast_in_dim3A_89 = arith.constant 3 : i32
    %broadcast_in_dim3A_90 = vector.broadcast %broadcast_in_dim3A_89 : i32 to vector<1x1024xi32>
    %swap3A_91 = arith.constant 454 : index
    %swap3A_92 = arith.constant 0 : index
    %swap3A_93 = vector.load %arg3[%swap3A_91, %swap3A_92] : memref<520x1024xi32, #tpu.memory_space<vmem>>, vector<1x1024xi32>
    tpu.vector_store %arg3[%swap3A_91, %swap3A_92], %broadcast_in_dim3A_90 {strides = array<i32>} : memref<520x1024xi32, #tpu.memory_space<vmem>>, vector<1x1024xi32>,
    %get3A_94 = arith.constant 448 : index
    %get3A_95 = arith.constant 0 : index
    %get3A_96 = vector.load %arg2[%get3A_94, %get3A_95] : memref<512x1024xi32, #tpu.memory_space<vmem>>, vector<64x1024xi32>
    %add3A_97 = arith.constant 1 : i32
    %add3A_98 = vector.broadcast %add3A_97 : i32 to vector<64x1024xi32>
    %add3A_99 = arith.addi %get3A_96, %add3A_98 : vector<64x1024xi32>
    %swap3A_100 = arith.constant 455 : index
    %swap3A_101 = arith.constant 0 : index
    %swap3A_102 = vector.load %arg3[%swap3A_100, %swap3A_101] : memref<520x1024xi32, #tpu.memory_space<vmem>>, vector<64x1024xi32>
    tpu.vector_store %arg3[%swap3A_100, %swap3A_101], %add3A_99 {strides = array<i32>} : memref<520x1024xi32, #tpu.memory_space<vmem>>, vector<64x1024xi32>,
    %broadcast_in_dim3A_103 = arith.constant 3 : i32
    %broadcast_in_dim3A_104 = vector.broadcast %broadcast_in_dim3A_103 : i32 to vector<1x1024xi32>
    %swap3A_105 = arith.constant 519 : index
    %swap3A_106 = arith.constant 0 : index
    %swap3A_107 = vector.load %arg3[%swap3A_105, %swap3A_106] : memref<520x1024xi32, #tpu.memory_space<vmem>>, vector<1x1024xi32>
    tpu.vector_store %arg3[%swap3A_105, %swap3A_106], %broadcast_in_dim3A_104 {strides = array<i32>} : memref<520x1024xi32, #tpu.memory_space<vmem>>, vector<1x1024xi32>,
    return
  }
  func.func @transform_0(%arg0: i32, %arg1: i32) -> (i32, i32) {
    %c0_i32 = arith.constant 0 : i32
    return %arg0, %arg1 : i32, i32
  }
  func.func @transform_1(%arg0: i32, %arg1: i32) -> (i32, i32) {
    %c0_i32 = arith.constant 0 : i32
    return %arg0, %arg1 : i32, i32
  }
}

</mosaic_0001>

<sc_bundles>
// kernel: kernel.4.cloned.1.call-start
scs
__scs_entry_jumppad:
0x0: {  	(pc) =	sbr.rel $0x88, $3  }
0x1: {  	(tag) =	ssettag $0x0;
	lr =	simm.s32 $0x1  }
0x2: {  	[smem:$0x3F9F] =	sst lr;
	_ =	strace $0xD0000000  }
0x3: {  	_ = 	snop  }
0x4: {  	_ = 	snop  }
0x5: {  	_ = 	snop  }
0x6: {  	_ = 	snop  }
0x7: {  	_ = 	snop  }
__scs_overlays_trampoline_lowered:
0x8: {  	[smem:$0x3FAE] =	sst s0  }
0x9: {  	[smem:$0x3FAF] =	sst s1  }
0xa: {  	[smem:$0x3FB0] =	sst s2  }
0xb: {  	[smem:$0x3FB1] =	sst s3  }
0xc: {  	[smem:$0x3FB2] =	sst s4  }
0xd: {  	[smem:$0x3FB3] =	sst s5  }
0xe: {  	[smem:$0x3FB4] =	sst s6  }
0xf: {  	[smem:$0x3FB5] =	sst s7  }
0x10: {  	[smem:$0x3FB6] =	sst s8  }
0x11: {  	[smem:$0x3FB7] =	sst s9;
	s0 =	simm.s32 @!p0 $0x0  }
0x12: {  	s1 =	sld [smem:$0x3F9D];
	s0 =	simm.s32 @p0 $0x1  }
0x13: {  	[smem:$0x3FB8] =	sst s0;
	s0 =	simm.s32 @!p1 $0x0  }
0x14: {  	s2 =	sld [smem:$0x3F9C];
	s0 =	simm.s32 @p1 $0x1  }
0x15: {  	[smem:$0x3FB9] =	sst s0;
	s0 =	simm.s32 @!p2 $0x0  }
0x16: {  	s3 =	sld [smem:$0x3FDB];
	s0 =	simm.s32 @p2 $0x1  }
0x17: {  	s4 =	simm.s32 $0x1BF5;
	[smem:$0x3FBB] =	sst s0  }
0x18: {  	s0 =	sld [smem:$0x3F9E];
	_ =	swait.ge [sflag:s4], $0x0  }
0x19: {  	s7 =	sld [smem:$0x3F9F]  }
0x1a: {  	s8 =	sadd.s32 $0xFFFFE003, lr  }
0x1b: {  	s9 =	sadd.s32 $0xFFFFFEF7, lr;
	s5 =	simm.s32 $0xFFFFFFFF;
	p2 =	slt.u32 s8, $0xFFFFF086  }
0x1c: {  	p1 =	slt.u32 s9, $0xF7A;
	s5 =	simm.s32 @!p2 $0x0  }
0x1d: {  	s5 =	simm.s32 @p1 $0x1;
	p0 =	seq.s32 s7, s2  }
0x1e: {  	s7 =	smul.u32 @!p0 $0xF7A, s2;
	p2 =	seq.s32 @!p0 s5, $0x0  }
0x1f: {  	s9 =	smul.u32 $0xF7A, s1;
	s8 =	simm.s32 @!p0 $0x1BF5;
	p2 =	por !p2, p0  }
0x20: {  	[sflag:s8] =	ssyncset.s32 @!p0 $0xFFFFF086;
	s6 =	sadd.s32 @!p0 s3, s7;
	s7 =	simm.s32 @!p0 $0x108  }
0x21: {  	s3 =	sadd.s32 s3, s9;
	s6 =	sadd.s32 @!p0 $0x88, s6;
	s7 =	simm.s32 @p2 $0x1082  }
0x22: {  	[simem:s7], [sflag:s8] =	dma.local @!p0 [hbm:s6], $0xF7A  }
0x23: {  	s9 =	sor.u32 $0xD0000000, s2;
	s6 =	simm.s32 $0x108;
	_ =	swait.ge @!p0 [sflag:s8], $0x0  }
0x24: {  	s3 =	sadd.s32 $0x88, s3;
	s6 =	simm.s32 @!p1 $0x1082;
	[sflag:s4] =	ssyncset.s32 $0xFFFFF086  }
0x25: {  	[simem:s6], [sflag:s4] =	dma.local [hbm:s3], $0xF7A  }
0x26: {  	[smem:$0x3F9F] =	sst s1;
	(tag) =	ssettag s2;
	_ =	strace s9  }
0x27: {  	s1 =	sld [smem:$0x3FAF]  }
0x28: {  	s2 =	sld [smem:$0x3FB0]  }
0x29: {  	s4 =	sld [smem:$0x3FB2]  }
0x2a: {  	p0 =	seq.s32 s5, $0x0;
	s5 =	sld [smem:$0x3FB3]  }
0x2b: {  	s6 =	sld [smem:$0x3FB4]  }
0x2c: {  	s7 =	sld [smem:$0x3FB5]  }
0x2d: {  	s3 =	simm.s32 $0x108;
	s8 =	sld [smem:$0x3FB6]  }
0x2e: {  	s3 =	simm.s32 @!p0 $0x1082;
	s9 =	sld [smem:$0x3FB7]  }
0x2f: {  	lr =	sadd.s32 s0, s3;
	s0 =	sld [smem:$0x3FAE]  }
0x30: {  	s3 =	sld [smem:$0x3FB1]  }
0x31: {  	[smem:$0x3FBA] =	sst s10  }
0x32: {  	s10 =	sld [smem:$0x3FB8];
	_ =	sdelay $0x3  }
0x33: {  	p0 =	seq.s32 s10, $0x1;
	s10 =	sld [smem:$0x3FBA];
	_ =	sdelay $0x3  }
0x34: {  	[smem:$0x3FBA] =	sst s10  }
0x35: {  	s10 =	sld [smem:$0x3FB9];
	_ =	sdelay $0x3  }
0x36: {  	p1 =	seq.s32 s10, $0x1;
	s10 =	sld [smem:$0x3FBA];
	_ =	sdelay $0x3  }
0x37: {  	[smem:$0x3FBA] =	sst s10  }
0x38: {  	s10 =	sld [smem:$0x3FBB]  }
0x39: {  	_ = 	snop;
	(pc) =	sbr.ind lr, $3  }
0x3a: {  	_ = 	snop  }
0x3b: {  	_ = 	snop  }
0x3c: {  	p2 =	seq.s32 s10, $0x1;
	s10 =	sld [smem:$0x3FBA]  }
0x3d: {  	_ =	shalt  }
0x3e: {  	_ =	shalt  }
0x3f: {  	_ =	shalt  }
0x40: {  	_ =	shalt  }
0x41: {  	_ =	shalt  }
0x42: {  	_ =	shalt  }
0x43: {  	_ =	shalt  }
0x44: {  	_ =	shalt  }
0x45: {  	_ =	shalt  }
0x46: {  	_ =	shalt  }
0x47: {  	_ =	shalt  }
0x48: {  	_ =	shalt  }
0x49: {  	_ =	shalt  }
0x4a: {  	_ =	shalt  }
0x4b: {  	_ =	shalt  }
0x4c: {  	_ =	shalt  }
0x4d: {  	_ =	shalt  }
0x4e: {  	_ =	shalt  }
0x4f: {  	_ =	shalt  }
0x50: {  	_ =	shalt  }
0x51: {  	_ =	shalt  }
0x52: {  	_ =	shalt  }
0x53: {  	_ =	shalt  }
0x54: {  	_ =	shalt  }
0x55: {  	_ =	shalt  }
0x56: {  	_ =	shalt  }
0x57: {  	_ =	shalt  }
0x58: {  	_ =	shalt  }
0x59: {  	_ =	shalt  }
0x5a: {  	_ =	shalt  }
0x5b: {  	_ =	shalt  }
0x5c: {  	_ =	shalt  }
0x5d: {  	_ =	shalt  }
0x5e: {  	_ =	shalt  }
0x5f: {  	_ =	shalt  }
0x60: {  	_ =	shalt  }
0x61: {  	_ =	shalt  }
0x62: {  	_ =	shalt  }
0x63: {  	_ =	shalt  }
0x64: {  	_ =	shalt  }
0x65: {  	_ =	shalt  }
0x66: {  	_ =	shalt  }
0x67: {  	_ =	shalt  }
0x68: {  	_ =	shalt  }
0x69: {  	_ =	shalt  }
0x6a: {  	_ =	shalt  }
0x6b: {  	_ =	shalt  }
0x6c: {  	_ =	shalt  }
0x6d: {  	_ =	shalt  }
0x6e: {  	_ =	shalt  }
0x6f: {  	_ =	shalt  }
0x70: {  	_ =	shalt  }
0x71: {  	_ =	shalt  }
0x72: {  	_ =	shalt  }
0x73: {  	_ =	shalt  }
0x74: {  	_ =	shalt  }
0x75: {  	_ =	shalt  }
0x76: {  	_ =	shalt  }
0x77: {  	_ =	shalt  }
0x78: {  	_ =	shalt  }
0x79: {  	_ =	shalt  }
0x7a: {  	_ =	shalt  }
0x7b: {  	_ =	shalt  }
0x7c: {  	_ =	shalt  }
0x7d: {  	_ =	shalt  }
0x7e: {  	_ =	shalt  }
0x7f: {  	_ =	shalt  }
0x80: {  	_ =	shalt  }
0x81: {  	_ =	shalt  }
0x82: {  	_ =	shalt  }
0x83: {  	_ =	shalt  }
0x84: {  	_ =	shalt  }
0x85: {  	_ =	shalt  }
0x86: {  	_ =	shalt  }
0x87: {  	_ =	shalt  }
.Lfunc_end0:
.L_simem_size_0:
called_computation_lowered:
.L_overlay_start_0:
0x88: {  	s2 =	sld [smem:$0x3FD9]  }
0x89: {  	s3 =	sld [smem:$0x3FFE];
	_ =	sdelay $0x1  }
0x8a: {  	s1 =	srdreg.scid  }
0x8b: {  	s0 =	sand.u32 $0x1, s1  }
0x8c: {  	s15 =	sshll.u32 s0, $0xA;
	s2 =	sadd.s32 s3, s2  }
0x8d: {  	s2 =	sadd.s32 s2, s15  }
0x8e: {  	[smem:$0x3FC6] =	sst s2  }
0x8f: {  	_ = 	snop  }
0x90: {  	s2 =	sld [smem:$0x3FD0];
	_ =	sdelay $0x2  }
0x91: {  	s4 =	simm.s32 $0xA;
	s5 =	simm.s32 $0x10;
	s16 =	sld [smem:$0x3FC9]  }
0x92: {  	[smem:s5], [sflag:s4] =	dma.local [hbm:s2], $0x1  }
0x93: {  	_ =	swait.eq [sflag:s4], $0x1  }
0x94: {  	[sflag:s4] =	ssyncset.done $0x0  }
0x95: {  	[sflag:s4] =	ssyncadd.s32 $0xFFFFFFFF  }
0x96: {  	s17 =	sld [smem:$0x10];
	(tm) =	ssettm $0x1  }
0x97: {  	s18 =	sld [smem:$0x3FFB];
	_ =	sdelay $0x3  }
0x98: {  	_ =	strace s18  }
0x99: {  	s4 =	sld [smem:$0x3FFC];
	_ =	sdelay $0x3  }
0x9a: {  	_ =	strace s4  }
0x9b: {  	s4 =	sld [smem:$0x3FFD];
	_ =	sdelay $0x3  }
0x9c: {  	_ =	strace s4  }
0x9d: {  	_ =	strace $0x8FFFFFFF  }
0x9e: {  	s19 =	sld [smem:$0x3FDB];
	_ =	sdelay $0x1  }
0x9f: {  	s20 =	simm.s32 $_scs_section_size  }
0xa0: {  	s6 =	simm.s32 $_size__tile_overlayer_lowered;
	s7 =	simm.s32 $_tile_overlayer_lowered  }
0xa1: {  	s23 =	simm.s32 $0x1BFF;
	s22 =	sshll.u32 s7, $0x1;
	s4 =	sadd.s32 s20, s19  }
0xa2: {  	s8 =	simm.s32 $0x0;
	s21 =	sshll.u32 s6, $0x1;
	s6 =	sadd.s32 s22, s4  }
0xa3: {  	[timem:s8], [sflag:s23] =	dma.local [hbm:s6], s21  }
0xa4: {  	_ =	swait.ge [sflag:s23], s21  }
0xa5: {  	s5 =	ssub.s32 $0x0, s21;
	[sflag:s23] =	ssyncset.done $0x0  }
0xa6: {  	[sflag:s23] =	ssyncadd.s32 s5;
	_ =	sdelay $0x1  }
0xa7: {  	s24 =	simm.s32 $0x1B8B  }
0xa8: {  	_ =	swait.ge [sflag:s24], $0x1  }
0xa9: {  	[sflag:s24] =	ssyncset.done $0x0  }
0xaa: {  	s25 =	simm.s32 $0x1B8E;
	[sflag:s24] =	ssyncadd.s32 $0xFFFFFFFF  }
0xab: {  	s26 =	simm.s32 $execute0_lowered;
	[smem:$0x3FD2] =	sst s25  }
0xac: {  	s5 =	sshll.u32 s26, $0x1;
	_ =	strace $0x80000046;
	[dreg:$0x1] =	wrdreg $0xFFFFFFFF  }
0xad: {  	s28 =	simm.s32 $_size_execute0_lowered;
	s4 =	sadd.s32 s4, s5;
	[dreg:$0x0] =	wrdreg $0x0  }
0xae: {  	s5 =	sshll.u32 s28, $0x1;
	[dreg:$0x2] =	wrdreg s4  }
0xaf: {  	[dreg:$0x3] =	wrdreg s5  }
0xb0: {  	[dreg:$0x4] =	wrdreg $0xC0  }
0xb1: {  	_ =	task [dreg:s8], $0x5FFFF  }
0xb2: {  	[dreg:$0x1] =	wrdreg $0xFFFFFFFF  }
0xb3: {  	[dreg:$0x0] =	wrdreg $0x60  }
0xb4: {  	[dreg:$0x2] =	wrdreg s16  }
0xb5: {  	[dreg:$0x3] =	wrdreg s17  }
0xb6: {  	[dreg:$0x4] =	wrdreg $0x9  }
0xb7: {  	_ =	task.clear_ibuf [dreg:s8], $0x5FFFF;
	_ =	strace $0x90000046  }
0xb8: {  	s29 =	simm.s32 $0x9;
	_ =	strace $0x80000048  }
0xb9: {  	_ =	swait.ge [sflag:s29], $0x1  }
0xba: {  	[sflag:s29] =	ssyncadd.s32 $0xFFFFFFFF  }
0xbb: {  	_ =	strace $0x90000048  }
0xbc: {  	_ =	sfence  }
0xbd: {  	s30 =	sld [smem:$0x0];
	_ =	sdelay $0x2  }
0xbe: {  	s31 =	sshll.u32 s1, $0xD;
	s1 =	sshrl.u32 s1, $0x2  }
0xbf: {  	s3 =	sand.u32 $0x4000, s31;
	s1 =	sadd.s32 s1, s30  }
0xc0: {  	s0 =	sor.u32 s3, s0;
	s1 =	sshll.u32 s1, $0x11  }
0xc1: {  	s0 =	sor.u32 s1, s0  }
0xc2: {  	s0 =	sadd.s32 $0x8F2B, s0  }
0xc3: {  	[sflag:s0] =	ssyncadd.remote.s32 $0x1  }
0xc4: {  	_ =	sfence.sel $0xFFFF  }
0xc5: {  	[dreg:$0x0] =	wrdreg $0xFFFFFFFF;
	(pc) =	sbr.abs _section_cstart, $3  }
0xc6: {  	[dreg:$0x1] =	wrdreg $0xFFFFFFFF  }
0xc7: {  	_ =	task.clear_ibuf [dreg:s8], $0x2FFFF;
	_ =	strace $0x9FFFFFFF  }
0xc8: {  	(tm) =	ssettm $0x7FFFFFFF  }
0xc9: {  	_ =	shalt  }
tec
execute0_lowered:
.L_overlay_start_1:
0x0: {  	(tag) =	ssettag $0x1  }
0x1: {  	s0 =	srdreg.scid;
	s2 =	rddreg [dreg:$0x0]  }
0x2: {  	s6 =	stileid.u32;
	s3 =	rddreg [dreg:$0x1];
	s7 =	simm.s32 $0x0  }
0x3: {  	s16 =	simm.s32 $0x400;
	s17 =	simm.s32 $0x8000;
	s20 =	simm.s32 $0x6000  }
0x4: {  	s21 =	simm.s32 $0xA000;
	s22 =	simm.s32 $0x1;
	s23 =	simm.s32 $0x2  }
0x5: {  	s24 =	simm.s32 $0x3;
	s0 =	sand.u32 $0x1, s0;
	s1 =	sshll.u32 s6, $0x4  }
0x6: {  	[smem:$0x7FF] =	sst s7;
	s25 =	sshrl.u32 s6, $0x1;
	s4 =	sshll.u32 s0, $0x3  }
0x7: {  	s0 =	ssub.s32 $0x2, s0;
	s6 =	sshll.u32 s25, $0x12;
	s5 =	sor.u32 s4, s1  }
0x8: {  	_ =	strace $0x80000047;
	s7 =	smul.u32 $0x208000, s25;
	s4 =	sshll.u32 s5, $0x7  }
0x9: {  	s26 =	sshrl.u32 s0, $0x1;
	s1 =	smul.u32 $0x41000, s25;
	s4 =	sand.u32 $0xC00, s4  }
0xa: {  	v0 =	vimm.s32 $0x25555431;
	s25 =	simm.s32 $0x0;
	s0 =	ssub.s32 s0, s26;
	s4 =	sor.u32 s6, s4  }
.Ltmp0:
0xb: {  	v0 =	vunpack.c.l.s4.s8 v0;
	s30 =	sshrl.u32 s7, $0x3;
	s6 =	sadd.s32 s2, s4;
	(pc) =	sbr.rel .LBB2_1-.Ltmp0, $4  }
0xc: {  	s13 =	sadd.s32 s3, s1;
	s31 =	sadd.s32 s3, s30;
	s4 =	sadd.s32 $0x200000, s6  }
0xd: {  	v1 =	vunpack.c.0.s8.s32 v0;
	s15 =	smax.u32 s0, $0x1;
	s28 =	sadd.s32 $0x400000, s6;
	[dreg:$0x3] =	wrdreg s4  }
0xe: {  	vm0 =	vcmask $0x1F00;
	s14 =	sadd.s32 $0x38000, s31;
	s29 =	sadd.s32 $0x8000, s6;
	[dreg:$0x4] =	wrdreg s28  }
0xf: {  	v0 =	vimm.s32 $0x5;
	v1 =	vnsel vm0, $0x5, v1;
	s11 =	sadd.s32 $0x208000, s6;
	s12 =	sadd.s32 $0x408000, s6;
	[dreg:$0x5] =	wrdreg s29  }
.LBB2_8:
0x10: {  	_ =	swait.ge [sflag:s24], $0x2000  }
0x11: {  	[sflag:s24] =	ssyncset.done $0x0  }
0x12: {  	[sflag:s24] =	ssyncadd.s32 $0xFFFFE000  }
0x13: {  	_ =	swait.ge [sflag:s24], $0x2000  }
0x14: {  	[sflag:s24] =	ssyncset.done $0x0  }
0x15: {  	[sflag:s24] =	ssyncadd.s32 $0xFFFFE000  }
0x16: {  	_ =	swait.ge [sflag:s24], $0x2000  }
0x17: {  	[sflag:s24] =	ssyncset.done $0x0  }
0x18: {  	[sflag:s24] =	ssyncadd.s32 $0xFFFFE000  }
0x19: {  	_ =	swait.ge [sflag:s24], $0x2000  }
0x1a: {  	[sflag:s24] =	ssyncset.done $0x0  }
0x1b: {  	[sflag:s24] =	ssyncadd.s32 $0xFFFFE000  }
0x1c: {  	_ =	swait.ge [sflag:s24], $0x2000  }
0x1d: {  	[sflag:s24] =	ssyncset.done $0x0  }
0x1e: {  	[sflag:s24] =	ssyncadd.s32 $0xFFFFE000  }
0x1f: {  	_ =	swait.ge [sflag:s24], $0x2000  }
0x20: {  	[sflag:s24] =	ssyncset.done $0x0  }
0x21: {  	s25 =	sadd.s32 $0x1, s25;
	[sflag:s24] =	ssyncadd.s32 $0xFFFFE000  }
0x22: {  	p0 =	sne.s32 s25, s15;
	_ =	swait.ge [sflag:s24], $0x2000  }
.Ltmp1:
0x23: {  	[sflag:s24] =	ssyncset.done $0x0;
	(pc) =	sbr.rel @!p0 .LBB2_9-.Ltmp1, $4  }
0x24: {  	[sflag:s24] =	ssyncadd.s32 $0xFFFFE000  }
0x25: {  	_ =	swait.ge [sflag:s24], $0x2400  }
0x26: {  	[sflag:s24] =	ssyncset.done $0x0  }
0x27: {  	[sflag:s24] =	ssyncadd.s32 $0xFFFFDC00  }
.LBB2_1:
0x28: {  	[tilespmem:$0xE000] =	vst v0  }
0x29: {  	[tilespmem:$0xE010] =	vst v0  }
0x2a: {  	[tilespmem:$0xE020] =	vst v0  }
0x2b: {  	[tilespmem:$0xE030] =	vst v0  }
0x2c: {  	[tilespmem:$0xE040] =	vst v0  }
0x2d: {  	[tilespmem:$0xE050] =	vst v0  }
0x2e: {  	[tilespmem:$0xE060] =	vst v0  }
0x2f: {  	[tilespmem:$0xE070] =	vst v0  }
0x30: {  	[tilespmem:$0x10080] =	vst v0  }
0x31: {  	[tilespmem:$0x10090] =	vst v0  }
0x32: {  	[tilespmem:$0x100A0] =	vst v0  }
0x33: {  	[tilespmem:$0x100B0] =	vst v0  }
0x34: {  	[tilespmem:$0x100C0] =	vst v0  }
0x35: {  	[tilespmem:$0x100D0] =	vst v0  }
0x36: {  	[tilespmem:$0x100E0] =	vst v0  }
0x37: {  	[tilespmem:$0x100F0] =	vst v0  }
0x38: {  	[tilespmem:$0x12100] =	vst v0  }
0x39: {  	[tilespmem:$0x12110] =	vst v0  }
0x3a: {  	[tilespmem:$0x12120] =	vst v0  }
0x3b: {  	[tilespmem:$0x12130] =	vst v0  }
0x3c: {  	[tilespmem:$0x12140] =	vst v0  }
0x3d: {  	[tilespmem:$0x12150] =	vst v0  }
0x3e: {  	[tilespmem:$0x12160] =	vst v0  }
0x3f: {  	[tilespmem:$0x12170] =	vst v0  }
0x40: {  	[tilespmem:$0x14180] =	vst v0  }
0x41: {  	[tilespmem:$0x14190] =	vst v0  }
0x42: {  	[tilespmem:$0x141A0] =	vst v0  }
0x43: {  	[tilespmem:$0x141B0] =	vst v0  }
0x44: {  	[tilespmem:$0x141C0] =	vst v0  }
0x45: {  	[tilespmem:$0x141D0] =	vst v0  }
0x46: {  	[tilespmem:$0x141E0] =	vst v0  }
0x47: {  	[tilespmem:$0x141F0] =	vst v0  }
0x48: {  	[tilespmem:$0x16200] =	vst v0  }
0x49: {  	[tilespmem:$0x16210] =	vst v0  }
0x4a: {  	[tilespmem:$0x16220] =	vst v0  }
0x4b: {  	[tilespmem:$0x16230] =	vst v0  }
0x4c: {  	[tilespmem:$0x16240] =	vst v0  }
0x4d: {  	[tilespmem:$0x16250] =	vst v0  }
0x4e: {  	[tilespmem:$0x16260] =	vst v0  }
0x4f: {  	[tilespmem:$0x16270] =	vst v0  }
0x50: {  	[tilespmem:$0x18280] =	vst v0  }
0x51: {  	[tilespmem:$0x18290] =	vst v0  }
0x52: {  	[tilespmem:$0x182A0] =	vst v0  }
0x53: {  	[tilespmem:$0x182B0] =	vst v0  }
0x54: {  	[tilespmem:$0x182C0] =	vst v0  }
0x55: {  	[tilespmem:$0x182D0] =	vst v0  }
0x56: {  	[tilespmem:$0x182E0] =	vst v0  }
0x57: {  	[tilespmem:$0x182F0] =	vst v0  }
0x58: {  	[tilespmem:$0x1A300] =	vst v0  }
0x59: {  	[tilespmem:$0x1A310] =	vst v0  }
0x5a: {  	[tilespmem:$0x1A320] =	vst v0  }
0x5b: {  	[tilespmem:$0x1A330] =	vst v0  }
0x5c: {  	[tilespmem:$0x1A340] =	vst v0  }
0x5d: {  	[tilespmem:$0x1A350] =	vst v0  }
0x5e: {  	[tilespmem:$0x1A360] =	vst v0  }
0x5f: {  	[tilespmem:$0x1A370] =	vst v0  }
0x60: {  	[tilespmem:$0x1C380] =	vst v0  }
0x61: {  	[tilespmem:$0x1C390] =	vst v0  }
0x62: {  	[tilespmem:$0x1C3A0] =	vst v0  }
0x63: {  	[tilespmem:$0x1C3B0] =	vst v0  }
0x64: {  	[tilespmem:$0x1C3C0] =	vst v0  }
0x65: {  	[tilespmem:$0x1C3D0] =	vst v0  }
0x66: {  	[tilespmem:$0x1C3E0] =	vst v0  }
0x67: {  	[tilespmem:$0x1C3F0] =	vst v0;
	s0 =	simm.s32 $0x0  }
0x68: {  	[tilespmem:s0], [sflag:$0x1] =	stream.strided.gather [hbm4b:s6+s16], $0x2000, s17, s16, $0x38;
	[tilespmem:$0x1C400] =	vst v63  }
0x69: {  	s26 =	rddreg [dreg:$0x3];
	s1 =	simm.s32 $0x2000  }
0x6a: {  	[tilespmem:s1], [sflag:$0x1] =	stream.strided.gather [hbm4b:s26+s16], $0x2000, s17, s16, $0x38;
	[tilespmem:$0x1C400] =	vst v63  }
0x6b: {  	s29 =	rddreg [dreg:$0x4];
	s30 =	simm.s32 $0x4000  }
0x6c: {  	[tilespmem:s30], [sflag:$0x1] =	stream.strided.gather [hbm4b:s29+s16], $0x2000, s17, s16, $0x38;
	[tilespmem:$0x1C400] =	vst v63  }
0x6d: {  	s31 =	rddreg [dreg:$0x5]  }
0x6e: {  	[tilespmem:s20], [sflag:$0x2] =	stream.strided.gather [hbm4b:s31+s16], $0x2000, s17, s16, $0x38;
	[tilespmem:$0x1C400] =	vst v63  }
0x6f: {  	_ = 	snop  }
0x70: {  	[tilespmem:s17], [sflag:$0x2] =	stream.strided.gather [hbm4b:s11+s16], $0x2000, s17, s16, $0x38;
	[tilespmem:$0x1C400] =	vst v63  }
0x71: {  	s28 =	simm.s32 $0x0;
	s26 =	simm.s32 $0x0  }
0x72: {  	[tilespmem:s21], [sflag:$0x2] =	stream.strided.gather [hbm4b:s12+s16], $0x2000, s17, s16, $0x38;
	[tilespmem:$0x1C400] =	vst v63  }
.LBB2_2:
0x73: {  	_ =	swait.ge [sflag:s22], $0x2000  }
0x74: {  	[sflag:s22] =	ssyncset.done $0x0  }
0x75: {  	[sflag:s22] =	ssyncadd.s32 $0xFFFFE000  }
0x76: {  	_ =	swait.ge [sflag:s22], $0x2000  }
0x77: {  	[sflag:s22] =	ssyncset.done $0x0  }
0x78: {  	[sflag:s22] =	ssyncadd.s32 $0xFFFFE000  }
0x79: {  	_ =	swait.ge [sflag:s22], $0x2000  }
0x7a: {  	p0 =	slt.u32 s28, $0x4;
	[sflag:s22] =	ssyncset.done $0x0  }
0x7b: {  	s0 =	simm.s32 @!p0 $0x3;
	[sflag:s22] =	ssyncadd.s32 $0xFFFFE000  }
0x7c: {  	_ =	swait.ge @!p0 [sflag:s0], $0x2000  }
0x7d: {  	[sflag:s0] =	ssyncset.done @!p0 $0x0  }
0x7e: {  	s8 =	simm.s32 $0x2080;
	[sflag:s0] =	ssyncadd.s32 @!p0 $0xFFFFE000  }
0x7f: {  	v2 =	vld [tilespmem:s8+$0x70]  }
0x80: {  	v3 =	vld [tilespmem:s8+$0xFFFFE070]  }
0x81: {  	v4 =	vld [tilespmem:s8+$0x2070]  }
0x82: {  	v5 =	vld [tilespmem:s8+$0xFFFFFF80]  }
0x83: {  	v6 =	vld [tilespmem:s8+$0xFFFFFF90]  }
0x84: {  	v7 =	vld [tilespmem:s8+$0xFFFFFFA0]  }
0x85: {  	v8 =	vld [tilespmem:s8+$0xFFFFFFB0]  }
0x86: {  	v9 =	vld [tilespmem:s8+$0xFFFFFFC0]  }
0x87: {  	v10 =	vld [tilespmem:s8+$0xFFFFFFD0]  }
0x88: {  	v11 =	vld [tilespmem:s8+$0xFFFFFFE0]  }
0x89: {  	v12 =	vld [tilespmem:s8+$0xFFFFFFF0]  }
0x8a: {  	v13 =	vld [tilespmem:s8+$0x0]  }
0x8b: {  	v14 =	vld [tilespmem:s8+$0x10]  }
0x8c: {  	v15 =	vld [tilespmem:s8+$0x20]  }
0x8d: {  	v16 =	vld [tilespmem:s8+$0x30]  }
0x8e: {  	v17 =	vld [tilespmem:s8+$0x40]  }
0x8f: {  	v18 =	vld [tilespmem:s8+$0x50];
	v2 =	vadd.f32 v2, v2;
	v4 =	vadd.f32 v4, v4  }
0x90: {  	v20 =	vld [tilespmem:s8+$0x1F90];
	v6 =	vadd.f32 v6, v6;
	v7 =	vadd.f32 v7, v7  }
0x91: {  	v22 =	vld [tilespmem:s8+$0x1FA0];
	v8 =	vadd.f32 v8, v8;
	v9 =	vadd.f32 v9, v9  }
0x92: {  	v19 =	vld [tilespmem:s8+$0xFFFFDF90];
	v10 =	vadd.f32 v10, v10;
	v11 =	vadd.f32 v11, v11  }
0x93: {  	v21 =	vld [tilespmem:s8+$0xFFFFDFA0];
	v12 =	vadd.f32 v12, v12;
	v13 =	vadd.f32 v13, v13  }
0x94: {  	v23 =	vld [tilespmem:s8+$0xFFFFDFB0];
	v14 =	vadd.f32 v14, v14;
	v15 =	vadd.f32 v15, v15  }
0x95: {  	v24 =	vld [tilespmem:s8+$0x1FB0];
	v16 =	vadd.f32 v16, v16;
	v26 =	vadd.f32 v17, v17  }
0x96: {  	v25 =	vld [tilespmem:s8+$0x1F80];
	v17 =	vadd.f32 v20, v20;
	v20 =	vadd.f32 v22, v22  }
0x97: {  	v27 =	vld [tilespmem:s8+$0xFFFFDFF0];
	v3 =	vadd.f32 v2, v3;
	v2 =	vadd.f32 v5, v5  }
0x98: {  	v22 =	vld [tilespmem:s8+$0x1FD0];
	v6 =	vadd.f32 v6, v19;
	v7 =	vadd.f32 v7, v21  }
0x99: {  	v19 =	vld [tilespmem:s8+$0xFFFFDFC0];
	v8 =	vadd.f32 v8, v23;
	v3 =	vadd.f32 v4, v3  }
0x9a: {  	v21 =	vld [tilespmem:s8+$0xFFFFDFD0];
	v23 =	vadd.f32 v24, v24;
	v6 =	vadd.f32 v17, v6  }
0x9b: {  	v4 =	vadd.f32 v3, v4;
	v3 =	vadd.f32 v18, v18;
	v18 =	vld [tilespmem:s8+$0x1FC0]  }
0x9c: {  	v5 =	vld [tilespmem:s8+$0x60];
	v7 =	vadd.f32 v20, v7;
	v8 =	vadd.f32 v23, v8  }
0x9d: {  	v22 =	vadd.f32 v22, v22;
	v6 =	vadd.f32 v6, v17;
	v17 =	vld [tilespmem:s8+$0xFFFFDFE0]  }
0x9e: {  	v20 =	vadd.f32 v7, v20;
	v8 =	vadd.f32 v8, v23;
	v23 =	vld [tilespmem:s8+$0xFFFFE000]  }
0x9f: {  	v9 =	vadd.f32 v9, v19;
	v19 =	vld [tilespmem:s8+$0x1FE0];
	v10 =	vadd.f32 v10, v21  }
0xa0: {  	v12 =	vadd.f32 v12, v27;
	v21 =	vld [tilespmem:s8+$0x1FF0];
	v6 =	vtrunc.f32 v6;
	v18 =	vadd.f32 v18, v18  }
0xa1: {  	v7 =	vcvt.f32.s32 v6;
	v6 =	vtrunc.f32 v20;
	v10 =	vadd.f32 v22, v10;
	v20 =	vld [tilespmem:s8+$0x2010]  }
0xa2: {  	v4 =	vtrunc.f32 v4;
	v11 =	vadd.f32 v11, v17;
	v17 =	vld [tilespmem:s8+$0x2000];
	v9 =	vadd.f32 v18, v9  }
0xa3: {  	v24 =	vcvt.f32.s32 v4;
	v4 =	vadd.f32 v5, v5;
	v10 =	vadd.f32 v10, v22;
	v22 =	vld [tilespmem:s8+$0xFFFFE020]  }
0xa4: {  	v19 =	vadd.f32 v19, v19;
	v9 =	vadd.f32 v9, v18;
	v18 =	vld [tilespmem:s8+$0xFFFFE010]  }
0xa5: {  	v8 =	vtrunc.f32 v8;
	v13 =	vadd.f32 v13, v23;
	v23 =	vld [tilespmem:s8+$0x2020];
	v21 =	vadd.f32 v21, v21  }
0xa6: {  	v5 =	vadd.f32 v25, v25;
	v8 =	vcvt.f32.s32 v8;
	v25 =	vld [tilespmem:s8+$0xFFFFE030];
	v11 =	vadd.f32 v19, v11  }
0xa7: {  	v6 =	vcvt.f32.s32 v6;
	v12 =	vadd.f32 v21, v12;
	v20 =	vadd.f32 v20, v20  }
0xa8: {  	v24 =	vperm.xlane v1, v24;
	v17 =	vadd.f32 v17, v17;
	v11 =	vadd.f32 v11, v19  }
0xa9: {  	v10 =	vtrunc.f32 v10;
	v12 =	vadd.f32 v12, v21;
	v14 =	vadd.f32 v14, v18;
	v18 =	vld [tilespmem:s8+$0x2030]  }
0xaa: {  	v10 =	vcvt.f32.s32 v10;
	v21 =	vld [tilespmem:s8+$0xFFFFE040];
	v22 =	vadd.f32 v15, v22;
	v19 =	vadd.f32 v23, v23  }
0xab: {  	s10 =	sand.u32 $0x3, s26;
	v27 =	vld [tilespmem:s8+$0x2040];
	v23 =	vadd.f32 v16, v25;
	v9 =	vtrunc.f32 v9;
	v13 =	vadd.f32 v17, v13  }
0xac: {  	s19 =	smul.u32 $0x4100, s10;
	v9 =	vcvt.f32.s32 v9;
	v11 =	vtrunc.f32 v11;
	v28 =	vadd.f32 v20, v14;
	v14 =	vld [tilespmem:s8+$0xFFFFE050]  }
0xad: {  	s18 =	sshrl.u32 s28, $0x2;
	v15 =	vld [tilespmem:s8+$0x2050];
	v12 =	vtrunc.f32 v12;
	v22 =	vadd.f32 v19, v22;
	v13 =	vadd.f32 v13, v17  }
0xae: {  	s29 =	sshll.u32 s28, $0x1;
	s1 =	sor.u32 s5, s18;
	s4 =	sadd.s32 $0x80, s19;
	v16 =	vld [tilespmem:s8+$0xFFFFE060];
	v11 =	vcvt.f32.s32 v11;
	v12 =	vcvt.f32.s32 v12;
	v17 =	vadd.f32 v18, v18  }
0xaf: {  	s30 =	sand.u32 $0x6, s29;
	s31 =	sadd.s32 $0x2080, s19;
	s0 =	sand.u32 $0x1FF80, s4;
	v21 =	vadd.f32 v26, v21;
	v13 =	vtrunc.f32 v13;
	v25 =	vadd.f32 v28, v20;
	v18 =	vld [tilespmem:s8+$0x2060]  }
0xb0: {  	s18 =	sand.u32 $0x1FF00, s19;
	s4 =	simm.s32 $0x0;
	[tilespmem:s0+$0xC070] =	vst v24;
	v24 =	vld [tilespmem:s8+$0xFFFFDF80];
	v13 =	vcvt.f32.s32 v13;
	v20 =	vadd.f32 v27, v27;
	s8 =	simm.s32 $0x2180;
	v23 =	vadd.f32 v17, v23  }
.LBB2_3:
0xb1: {  	v26 =	vld [tilespmem:s8+$0x70];
	s4 =	sadd.s32 $0x10, s4;
	v25 =	vtrunc.f32 v25;
	v19 =	vadd.f32 v22, v19;
	v3 =	vadd.f32 v3, v14  }
0xb2: {  	v14 =	vld [tilespmem:s8+$0xFFFFE070];
	p1 =	slt.u32 s4, $0x1F0;
	v22 =	vcvt.f32.s32 v25;
	v21 =	vadd.f32 v20, v21;
	v15 =	vadd.f32 v15, v15  }
0xb3: {  	v17 =	vadd.f32 v23, v17;
	v25 =	vld [tilespmem:s8+$0x2070];
	v19 =	vtrunc.f32 v19;
	v4 =	vadd.f32 v4, v16  }
0xb4: {  	v16 =	vld [tilespmem:s8+$0xFFFFFF80];
	v19 =	vcvt.f32.s32 v19;
	v3 =	vadd.f32 v15, v3;
	v18 =	vadd.f32 v18, v18  }
0xb5: {  	v17 =	vtrunc.f32 v17;
	v20 =	vadd.f32 v21, v20;
	v23 =	vld [tilespmem:s8+$0xFFFFFF90];
	v2 =	vadd.f32 v2, v24  }
0xb6: {  	v17 =	vcvt.f32.s32 v17;
	v21 =	vld [tilespmem:s8+$0xFFFFFFA0];
	v24 =	vadd.f32 v26, v26;
	v4 =	vadd.f32 v18, v4  }
0xb7: {  	v3 =	vadd.f32 v3, v15;
	v26 =	vld [tilespmem:s8+$0xFFFFFFB0];
	v27 =	vadd.f32 v5, v2;
	v2 =	vtrunc.f32 v20  }
0xb8: {  	v15 =	vld [tilespmem:s8+$0xFFFFFFC0];
	v14 =	vadd.f32 v24, v14;
	v20 =	vadd.f32 v25, v25;
	v24 =	vcvt.f32.s32 v2  }
0xb9: {  	v3 =	vtrunc.f32 v3;
	v2 =	vadd.f32 v16, v16;
	v16 =	vld [tilespmem:s8+$0xFFFFFFD0];
	v5 =	vadd.f32 v27, v5  }
0xba: {  	v27 =	vcvt.f32.s32 v3;
	v23 =	vadd.f32 v23, v23;
	v25 =	vld [tilespmem:s8+$0xFFFFFFE0];
	v14 =	vadd.f32 v20, v14  }
0xbb: {  	v4 =	vadd.f32 v4, v18;
	v21 =	vadd.f32 v21, v21;
	v3 =	vld [tilespmem:s8+$0xFFFFFFF0];
	v5 =	vtrunc.f32 v5  }
0xbc: {  	v18 =	vadd.f32 v26, v26;
	v26 =	vld [tilespmem:s8+$0x0];
	v14 =	vadd.f32 v14, v20;
	v5 =	vcvt.f32.s32 v5  }
0xbd: {  	v7 =	vperm.xlane v1, v7;
	v4 =	vtrunc.f32 v4;
	v15 =	vadd.f32 v15, v15;
	v20 =	vld [tilespmem:s8+$0x10]  }
0xbe: {  	v4 =	vcvt.f32.s32 v4;
	v16 =	vadd.f32 v16, v16;
	v28 =	vld [tilespmem:s8+$0x20];
	v14 =	vtrunc.f32 v14  }
0xbf: {  	v5 =	vperm.xlane v1, v5;
	v25 =	vadd.f32 v25, v25;
	v29 =	vld [tilespmem:s8+$0x30];
	v14 =	vcvt.f32.s32 v14;
	[tilespmem:s18+$0xC010] =	vst v7  }
0xc0: {  	v6 =	vperm.xlane v1, v6;
	s19 =	sadd.s32 $0x100, s19;
	v7 =	vperm.xlane v1, v8;
	v30 =	vadd.f32 v3, v3;
	v3 =	vld [tilespmem:s8+$0x40]  }
0xc1: {  	s10 =	sand.u32 $0x1FF00, s19;
	s9 =	sadd.s32 $0x80, s19;
	v26 =	vadd.f32 v26, v26;
	v8 =	vld [tilespmem:s8+$0x50];
	v14 =	vperm.xlane v1, v14;
	[tilespmem:s18+$0xC000] =	vst v5;
	v5 =	vperm.xlane v1, v9  }
0xc2: {  	s9 =	sand.u32 $0x1FF80, s9;
	v20 =	vadd.f32 v20, v20;
	v9 =	vld [tilespmem:s8+$0x60];
	[tilespmem:s18+$0xC020] =	vst v6;
	v6 =	vperm.xlane v1, v10;
	v10 =	vperm.xlane v1, v11  }
0xc3: {  	v12 =	vperm.xlane v1, v12;
	v13 =	vperm.xlane v1, v13;
	v11 =	vld [tilespmem:s8+$0x1F80];
	v28 =	vadd.f32 v28, v28;
	[tilespmem:s9+$0xC070] =	vst v14  }
0xc4: {  	v19 =	vperm.xlane v1, v19;
	v14 =	vld [tilespmem:s8+$0xFFFFDF90];
	v29 =	vadd.f32 v29, v29;
	[tilespmem:s18+$0xC030] =	vst v7;
	v7 =	vperm.xlane v1, v22  }
0xc5: {  	v17 =	vperm.xlane v1, v17;
	v24 =	vperm.xlane v1, v24;
	v22 =	vld [tilespmem:s8+$0x1F90];
	v31 =	vadd.f32 v3, v3;
	[tilespmem:s18+$0xC040] =	vst v5  }
0xc6: {  	v32 =	vld [tilespmem:s8+$0xFFFFDFA0];
	v3 =	vadd.f32 v8, v8;
	[tilespmem:s18+$0xC050] =	vst v6;
	v6 =	vperm.xlane v1, v27;
	v8 =	vperm.xlane v1, v4  }
0xc7: {  	v27 =	vld [tilespmem:s8+$0x1FA0];
	v4 =	vadd.f32 v9, v9;
	[tilespmem:s18+$0xC060] =	vst v10  }
0xc8: {  	v5 =	vadd.f32 v11, v11;
	v9 =	vld [tilespmem:s8+$0xFFFFDFB0];
	[tilespmem:s18+$0xC070] =	vst v12;
	s18 =	smov.u32 s10  }
0xc9: {  	v10 =	vadd.f32 v23, v14;
	v11 =	vld [tilespmem:s8+$0x1FB0];
	[tilespmem:s0+$0xC000] =	vst v13  }
0xca: {  	v12 =	vadd.f32 v22, v22;
	v13 =	vld [tilespmem:s8+$0xFFFFDFC0];
	[tilespmem:s0+$0xC010] =	vst v7  }
0xcb: {  	v7 =	vadd.f32 v21, v32;
	v14 =	vld [tilespmem:s8+$0x1FC0];
	[tilespmem:s0+$0xC020] =	vst v19  }
0xcc: {  	v10 =	vadd.f32 v12, v10;
	v19 =	vadd.f32 v27, v27;
	v21 =	vld [tilespmem:s8+$0xFFFFDFD0];
	[tilespmem:s0+$0xC030] =	vst v17  }
0xcd: {  	v9 =	vadd.f32 v18, v9;
	v17 =	vld [tilespmem:s8+$0x1FD0];
	[tilespmem:s0+$0xC040] =	vst v24  }
0xce: {  	v7 =	vadd.f32 v19, v7;
	v11 =	vadd.f32 v11, v11;
	v18 =	vld [tilespmem:s8+$0xFFFFDFE0];
	[tilespmem:s0+$0xC050] =	vst v6  }
0xcf: {  	v6 =	vadd.f32 v10, v12;
	v10 =	vadd.f32 v15, v13;
	v12 =	vld [tilespmem:s8+$0x1FE0];
	[tilespmem:s0+$0xC060] =	vst v8;
	s0 =	smov.u32 s9  }
0xd0: {  	v8 =	vadd.f32 v11, v9;
	v9 =	vadd.f32 v14, v14;
	v13 =	vld [tilespmem:s8+$0xFFFFDFF0]  }
0xd1: {  	v6 =	vtrunc.f32 v6;
	v14 =	vadd.f32 v7, v19;
	v15 =	vadd.f32 v16, v21;
	v16 =	vld [tilespmem:s8+$0x1FF0]  }
0xd2: {  	v7 =	vcvt.f32.s32 v6;
	v10 =	vadd.f32 v9, v10;
	v17 =	vadd.f32 v17, v17;
	v19 =	vld [tilespmem:s8+$0xFFFFE000]  }
0xd3: {  	v6 =	vtrunc.f32 v14;
	v8 =	vadd.f32 v8, v11;
	v11 =	vadd.f32 v25, v18;
	v14 =	vld [tilespmem:s8+$0x2000]  }
0xd4: {  	v6 =	vcvt.f32.s32 v6;
	v15 =	vadd.f32 v17, v15;
	v12 =	vadd.f32 v12, v12;
	v18 =	vld [tilespmem:s8+$0xFFFFE010]  }
0xd5: {  	v8 =	vtrunc.f32 v8;
	v9 =	vadd.f32 v10, v9;
	v10 =	vadd.f32 v30, v13;
	v13 =	vld [tilespmem:s8+$0x2010]  }
0xd6: {  	v8 =	vcvt.f32.s32 v8;
	v11 =	vadd.f32 v12, v11;
	v16 =	vadd.f32 v16, v16;
	v21 =	vld [tilespmem:s8+$0xFFFFE020]  }
0xd7: {  	v9 =	vtrunc.f32 v9;
	v15 =	vadd.f32 v15, v17;
	v17 =	vadd.f32 v26, v19;
	v19 =	vld [tilespmem:s8+$0x2020]  }
0xd8: {  	v9 =	vcvt.f32.s32 v9;
	v22 =	vadd.f32 v16, v10;
	v23 =	vadd.f32 v14, v14;
	v24 =	vld [tilespmem:s8+$0xFFFFE030]  }
0xd9: {  	v10 =	vtrunc.f32 v15;
	v11 =	vadd.f32 v11, v12;
	v12 =	vadd.f32 v20, v18;
	v18 =	vld [tilespmem:s8+$0x2030]  }
0xda: {  	v10 =	vcvt.f32.s32 v10;
	v15 =	vadd.f32 v23, v17;
	v13 =	vadd.f32 v13, v13;
	v20 =	vld [tilespmem:s8+$0xFFFFE040]  }
0xdb: {  	v11 =	vtrunc.f32 v11;
	v16 =	vadd.f32 v22, v16;
	v17 =	vadd.f32 v28, v21;
	v26 =	vld [tilespmem:s8+$0x2040]  }
.Ltmp2:
0xdc: {  	v11 =	vcvt.f32.s32 v11;
	v21 =	vadd.f32 v13, v12;
	v19 =	vadd.f32 v19, v19;
	v14 =	vld [tilespmem:s8+$0xFFFFE050];
	(pc) =	sbr.rel @p1 .LBB2_3-.Ltmp2, $4  }
0xdd: {  	v12 =	vtrunc.f32 v16;
	v23 =	vadd.f32 v15, v23;
	v27 =	vadd.f32 v29, v24;
	v15 =	vld [tilespmem:s8+$0x2050]  }
0xde: {  	v12 =	vcvt.f32.s32 v12;
	v22 =	vadd.f32 v19, v17;
	v17 =	vadd.f32 v18, v18;
	v16 =	vld [tilespmem:s8+$0xFFFFE060]  }
0xdf: {  	v23 =	vtrunc.f32 v23;
	v25 =	vadd.f32 v21, v13;
	v21 =	vadd.f32 v31, v20;
	v18 =	vld [tilespmem:s8+$0x2060]  }
0xe0: {  	v13 =	vcvt.f32.s32 v23;
	v24 =	vld [tilespmem:s8+$0xFFFFDF80];
	v23 =	vadd.f32 v17, v27;
	v20 =	vadd.f32 v26, v26;
	s8 =	sadd.s32 $0x100, s8  }
0xe1: {  	_ =	sdelay $0x3  }
0xe2: {  	v2 =	vadd.f32 v2, v24;
	_ =	sdelay $0x1  }
0xe3: {  	v2 =	vadd.f32 v5, v2;
	_ =	sdelay $0x1  }
0xe4: {  	v7 =	vperm.xlane v1, v7;
	v6 =	vperm.xlane v1, v6;
	v2 =	vadd.f32 v2, v5  }
0xe5: {  	v19 =	vadd.f32 v22, v19;
	v8 =	vperm.xlane v1, v8;
	v9 =	vperm.xlane v1, v9  }
0xe6: {  	v3 =	vadd.f32 v3, v14;
	v10 =	vperm.xlane v1, v10;
	v2 =	vtrunc.f32 v2  }
0xe7: {  	v14 =	vadd.f32 v20, v21;
	v15 =	vadd.f32 v15, v15;
	[tilespmem:s18+$0xC010] =	vst v7;
	v2 =	vcvt.f32.s32 v2  }
0xe8: {  	v17 =	vadd.f32 v23, v17;
	v19 =	vtrunc.f32 v19;
	[tilespmem:s18+$0xC030] =	vst v8;
	v8 =	vperm.xlane v1, v11  }
0xe9: {  	v4 =	vadd.f32 v4, v16;
	[tilespmem:s18+$0xC020] =	vst v6;
	v11 =	vperm.xlane v1, v12;
	v2 =	vperm.xlane v1, v2  }
0xea: {  	[tilespmem:s18+$0xC050] =	vst v10;
	v10 =	vperm.xlane v1, v13;
	v7 =	vcvt.f32.s32 v19;
	v14 =	vadd.f32 v14, v20  }
0xeb: {  	v6 =	vtrunc.f32 v17;
	[tilespmem:s18+$0xC000] =	vst v2;
	v2 =	vadd.f32 v15, v3;
	v3 =	vadd.f32 v18, v18  }
0xec: {  	[tilespmem:s18+$0xC040] =	vst v9;
	v6 =	vcvt.f32.s32 v6;
	v9 =	vtrunc.f32 v14  }
0xed: {  	v5 =	vtrunc.f32 v25;
	v4 =	vadd.f32 v3, v4;
	v2 =	vadd.f32 v2, v15  }
0xee: {  	[tilespmem:s18+$0xC060] =	vst v8;
	v9 =	vcvt.f32.s32 v9;
	v5 =	vcvt.f32.s32 v5  }
0xef: {  	[tilespmem:s18+$0xC070] =	vst v11;
	v6 =	vperm.xlane v1, v6;
	v2 =	vtrunc.f32 v2;
	v3 =	vadd.f32 v4, v3  }
0xf0: {  	[tilespmem:s0+$0xC000] =	vst v10;
	v4 =	vperm.xlane v1, v5;
	v5 =	vperm.xlane v1, v7  }
0xf1: {  	[tilespmem:s0+$0xC030] =	vst v6;
	v2 =	vcvt.f32.s32 v2;
	v3 =	vtrunc.f32 v3  }
0xf2: {  	s4 =	sshll.u32 s30, $0x12;
	s8 =	sshll.u32 s1, $0xA;
	[tilespmem:s0+$0xC010] =	vst v4;
	v4 =	vperm.xlane v1, v9;
	v3 =	vcvt.f32.s32 v3  }
0xf3: {  	s4 =	sadd.s32 s7, s4;
	s8 =	sand.u32 $0x7C00, s8;
	[tilespmem:s0+$0xC020] =	vst v5;
	v2 =	vperm.xlane v1, v2  }
0xf4: {  	s4 =	sor.u32 s8, s4;
	[tilespmem:s0+$0xC040] =	vst v4;
	v3 =	vperm.xlane v1, v3  }
0xf5: {  	s19 =	sshll.u32 s30, $0xD;
	p1 =	seq.s32 s28, $0x1F;
	s4 =	sshrl.u32 s4, $0x3;
	[tilespmem:s0+$0xC050] =	vst v2  }
0xf6: {  	s9 =	sadd.s32 $0xC000, s19;
	s4 =	sadd.s32 s3, s4;
	[tilespmem:s0+$0xC060] =	vst v3;
	s0 =	sadd.s32 @!p1 $0x2, s29  }
0xf7: {  	[hbm4b:s4+s16] =	stream.strided.scatter [tilespmem:s9], [sflag:$0x3], $0x2000, s17, s16, $0x38;
	[tilespmem:$0x1C400] =	vst v63  }
0xf8: {  	s4 =	sshrl.u32 @!p1 s0, $0x3  }
0xf9: {  	s4 =	sadd.s32 @!p1 s5, s4  }
0xfa: {  	s8 =	sshrl.u32 @!p1 s4, $0x2  }
0xfb: {  	s0 =	sand.u32 @!p1 $0x6, s0;
	s8 =	sand.u32 @!p1 $0x3FF8, s8  }
0xfc: {  	s4 =	sshll.u32 @!p1 s4, $0xA;
	s0 =	sor.u32 @!p1 s0, s8  }
0xfd: {  	s4 =	sand.u32 @!p1 $0x7C00, s4;
	s0 =	sshll.u32 @!p1 s0, $0x12  }
0xfe: {  	s0 =	sor.u32 @!p1 s4, s0  }
0xff: {  	s10 =	simm.s32 @!p1 $0x0;
	s4 =	sshrl.u32 @!p1 s0, $0x3  }
0x100: {  	s9 =	simm.s32 @!p1 $0x8000;
	s8 =	simm.s32 @!p1 $0x400;
	s4 =	sadd.s32 @!p1 s2, s4  }
0x101: {  	[tilespmem:s10], [sflag:$0x1] =	stream.strided.gather @!p1 [hbm4b:s4+s8], $0x2000, s9, s8, $0x38;
	[tilespmem:$0x1C400] =	vst v63  }
0x102: {  	s4 =	sadd.s32 @!p1 $0x1000000, s0  }
0x103: {  	s0 =	sadd.s32 @!p1 $0x2000000, s0;
	s4 =	sshrl.u32 @!p1 s4, $0x3  }
0x104: {  	s10 =	simm.s32 @!p1 $0x2000;
	s0 =	sshrl.u32 @!p1 s0, $0x3;
	s4 =	sadd.s32 @!p1 s2, s4  }
0x105: {  	[tilespmem:s10], [sflag:$0x1] =	stream.strided.gather @!p1 [hbm4b:s4+s8], $0x2000, s9, s8, $0x38;
	[tilespmem:$0x1C400] =	vst v63  }
0x106: {  	s0 =	sadd.s32 @!p1 s2, s0;
	s4 =	simm.s32 @!p1 $0x4000  }
0x107: {  	[tilespmem:s4], [sflag:$0x1] =	stream.strided.gather @!p1 [hbm4b:s0+s8], $0x2000, s9, s8, $0x38;
	[tilespmem:$0x1C400] =	vst v63  }
0x108: {  	_ =	swait.ge [sflag:s23], $0x2000  }
0x109: {  	[sflag:s23] =	ssyncset.done $0x0  }
0x10a: {  	[sflag:s23] =	ssyncadd.s32 $0xFFFFE000  }
0x10b: {  	_ =	swait.ge [sflag:s23], $0x2000  }
0x10c: {  	[sflag:s23] =	ssyncset.done $0x0  }
0x10d: {  	[sflag:s23] =	ssyncadd.s32 $0xFFFFE000  }
0x10e: {  	p2 =	seq.s32 @!p0 s30, $0x6;
	_ =	swait.ge [sflag:s23], $0x2000  }
0x10f: {  	p3 =	por !p2, p0;
	[sflag:s23] =	ssyncset.done $0x0  }
0x110: {  	s0 =	simm.s32 @!p3 $0x3;
	[sflag:s23] =	ssyncadd.s32 $0xFFFFE000  }
0x111: {  	_ =	swait.ge @!p3 [sflag:s0], $0x2400  }
0x112: {  	p0 =	por p2, p0;
	[sflag:s0] =	ssyncset.done @!p3 $0x0  }
0x113: {  	[sflag:s0] =	ssyncadd.s32 @!p3 $0xFFFFDC00;
	s0 =	simm.s32 @!p0 $0x3  }
0x114: {  	_ =	swait.ge @!p0 [sflag:s0], $0x2000  }
0x115: {  	[sflag:s0] =	ssyncset.done @!p0 $0x0  }
0x116: {  	s10 =	simm.s32 $0x8080;
	[sflag:s0] =	ssyncadd.s32 @!p0 $0xFFFFE000  }
0x117: {  	v2 =	vld [tilespmem:s10+$0x70]  }
0x118: {  	v3 =	vld [tilespmem:s10+$0xFFFFE070]  }
0x119: {  	v4 =	vld [tilespmem:s10+$0x2070]  }
0x11a: {  	v5 =	vld [tilespmem:s10+$0xFFFFFF80]  }
0x11b: {  	v6 =	vld [tilespmem:s10+$0xFFFFFF90]  }
0x11c: {  	v7 =	vld [tilespmem:s10+$0xFFFFFFA0]  }
0x11d: {  	v8 =	vld [tilespmem:s10+$0xFFFFFFB0]  }
0x11e: {  	v9 =	vld [tilespmem:s10+$0xFFFFFFC0]  }
0x11f: {  	v10 =	vld [tilespmem:s10+$0xFFFFFFD0]  }
0x120: {  	v11 =	vld [tilespmem:s10+$0xFFFFFFE0]  }
0x121: {  	v12 =	vld [tilespmem:s10+$0xFFFFFFF0]  }
0x122: {  	v13 =	vld [tilespmem:s10+$0x0]  }
0x123: {  	v14 =	vld [tilespmem:s10+$0x10]  }
0x124: {  	v15 =	vld [tilespmem:s10+$0x20]  }
0x125: {  	v16 =	vld [tilespmem:s10+$0x30]  }
0x126: {  	v17 =	vld [tilespmem:s10+$0x40];
	v2 =	vadd.f32 v2, v2  }
0x127: {  	v19 =	vld [tilespmem:s10+$0xFFFFDF90];
	v4 =	vadd.f32 v4, v4;
	v6 =	vadd.f32 v6, v6  }
0x128: {  	v20 =	vld [tilespmem:s10+$0x1F90];
	v7 =	vadd.f32 v7, v7;
	v8 =	vadd.f32 v8, v8  }
0x129: {  	v21 =	vld [tilespmem:s10+$0xFFFFDFA0];
	v9 =	vadd.f32 v9, v9;
	v10 =	vadd.f32 v10, v10  }
0x12a: {  	v22 =	vld [tilespmem:s10+$0x1FA0];
	v11 =	vadd.f32 v11, v11;
	v12 =	vadd.f32 v12, v12  }
0x12b: {  	v23 =	vld [tilespmem:s10+$0xFFFFDFB0];
	v13 =	vadd.f32 v13, v13;
	v14 =	vadd.f32 v14, v14  }
0x12c: {  	v24 =	vld [tilespmem:s10+$0x1FB0];
	v15 =	vadd.f32 v15, v15;
	v26 =	vadd.f32 v16, v16  }
0x12d: {  	v18 =	vld [tilespmem:s10+$0x50];
	v27 =	vadd.f32 v17, v17;
	v16 =	vadd.f32 v20, v20  }
0x12e: {  	v25 =	vld [tilespmem:s10+$0x1F80];
	v3 =	vadd.f32 v2, v3;
	v2 =	vadd.f32 v5, v5  }
0x12f: {  	v17 =	vld [tilespmem:s10+$0xFFFFDFC0];
	v6 =	vadd.f32 v6, v19;
	v7 =	vadd.f32 v7, v21  }
0x130: {  	v20 =	vld [tilespmem:s10+$0xFFFFDFD0];
	v19 =	vadd.f32 v22, v22;
	v8 =	vadd.f32 v8, v23  }
0x131: {  	v21 =	vld [tilespmem:s10+$0x1FD0];
	v22 =	vadd.f32 v24, v24;
	v3 =	vadd.f32 v4, v3  }
0x132: {  	v24 =	vld [tilespmem:s10+$0xFFFFDFF0];
	v6 =	vadd.f32 v16, v6;
	v7 =	vadd.f32 v19, v7  }
0x133: {  	v4 =	vadd.f32 v3, v4;
	v3 =	vadd.f32 v18, v18;
	v18 =	vld [tilespmem:s10+$0x1FC0]  }
0x134: {  	v5 =	vld [tilespmem:s10+$0x60];
	v8 =	vadd.f32 v22, v8;
	v9 =	vadd.f32 v9, v17  }
0x135: {  	v10 =	vadd.f32 v10, v20;
	v6 =	vadd.f32 v6, v16  }
0x136: {  	v16 =	vld [tilespmem:s10+$0xFFFFDFE0];
	v19 =	vadd.f32 v7, v19;
	v8 =	vadd.f32 v8, v22  }
0x137: {  	v17 =	vld [tilespmem:s10+$0x1FE0];
	v21 =	vadd.f32 v21, v21;
	v12 =	vadd.f32 v12, v24  }
0x138: {  	v20 =	vld [tilespmem:s10+$0x1FF0];
	v4 =	vtrunc.f32 v4;
	v6 =	vtrunc.f32 v6;
	v18 =	vadd.f32 v18, v18  }
0x139: {  	v22 =	vld [tilespmem:s10+$0xFFFFE000];
	v23 =	vcvt.f32.s32 v4;
	v4 =	vadd.f32 v5, v5;
	v5 =	vadd.f32 v25, v25  }
0x13a: {  	v7 =	vcvt.f32.s32 v6;
	v6 =	vtrunc.f32 v19;
	v19 =	vld [tilespmem:s10+$0x2010];
	v9 =	vadd.f32 v18, v9  }
0x13b: {  	v10 =	vadd.f32 v21, v10;
	v11 =	vadd.f32 v11, v16;
	v16 =	vld [tilespmem:s10+$0x2000]  }
0x13c: {  	v17 =	vadd.f32 v17, v17;
	v9 =	vadd.f32 v9, v18;
	v18 =	vld [tilespmem:s10+$0xFFFFE010]  }
0x13d: {  	v8 =	vtrunc.f32 v8;
	v20 =	vadd.f32 v20, v20;
	v10 =	vadd.f32 v10, v21;
	v21 =	vld [tilespmem:s10+$0xFFFFE020]  }
0x13e: {  	v8 =	vcvt.f32.s32 v8;
	v13 =	vadd.f32 v13, v22;
	v22 =	vld [tilespmem:s10+$0x2020];
	v11 =	vadd.f32 v17, v11  }
0x13f: {  	v6 =	vcvt.f32.s32 v6;
	v12 =	vadd.f32 v20, v12;
	v24 =	vadd.f32 v19, v19  }
0x140: {  	v23 =	vperm.xlane v1, v23;
	v11 =	vadd.f32 v11, v17;
	v17 =	vld [tilespmem:s10+$0xFFFFE030];
	v16 =	vadd.f32 v16, v16  }
0x141: {  	v10 =	vtrunc.f32 v10;
	v12 =	vadd.f32 v12, v20;
	v14 =	vadd.f32 v14, v18;
	v18 =	vld [tilespmem:s10+$0x2030]  }
0x142: {  	v20 =	vld [tilespmem:s10+$0xFFFFE040];
	v10 =	vcvt.f32.s32 v10;
	v21 =	vadd.f32 v15, v21;
	v13 =	vadd.f32 v16, v13  }
0x143: {  	v28 =	vld [tilespmem:s10+$0x2040];
	v19 =	vadd.f32 v22, v22;
	v12 =	vtrunc.f32 v12;
	v9 =	vtrunc.f32 v9  }
0x144: {  	v11 =	vtrunc.f32 v11;
	v13 =	vadd.f32 v13, v16;
	v16 =	vld [tilespmem:s10+$0xFFFFE050];
	v15 =	vadd.f32 v24, v14  }
0x145: {  	v12 =	vcvt.f32.s32 v12;
	v9 =	vcvt.f32.s32 v9;
	v26 =	vadd.f32 v26, v17;
	v14 =	vld [tilespmem:s10+$0x2050]  }
0x146: {  	s19 =	sadd.s32 $0x80, s31;
	s18 =	sshll.u32 s1, $0x7;
	v11 =	vcvt.f32.s32 v11;
	v25 =	vadd.f32 v15, v24;
	v15 =	vld [tilespmem:s10+$0xFFFFE060];
	v17 =	vadd.f32 v18, v18  }
0x147: {  	s1 =	sand.u32 $0xF80, s18;
	s18 =	sand.u32 $0x1FF00, s19;
	s19 =	sand.u32 $0x1FF80, s31;
	v22 =	vadd.f32 v19, v21;
	v21 =	vadd.f32 v27, v20;
	v13 =	vtrunc.f32 v13;
	v18 =	vld [tilespmem:s10+$0x2060]  }
0x148: {  	s4 =	simm.s32 $0x0;
	s8 =	simm.s32 $0x8180;
	s0 =	sor.u32 $0x1, s30;
	[tilespmem:s18+$0xC070] =	vst v23;
	v20 =	vadd.f32 v28, v28;
	v13 =	vcvt.f32.s32 v13;
	v24 =	vld [tilespmem:s10+$0xFFFFDF80];
	v23 =	vadd.f32 v17, v26  }
.LBB2_5:
0x149: {  	v26 =	vld [tilespmem:s8+$0x70];
	s4 =	sadd.s32 $0x10, s4;
	v25 =	vtrunc.f32 v25;
	v19 =	vadd.f32 v22, v19;
	v3 =	vadd.f32 v3, v16  }
0x14a: {  	v16 =	vld [tilespmem:s8+$0xFFFFE070];
	p0 =	slt.u32 s4, $0x1F0;
	v22 =	vcvt.f32.s32 v25;
	v21 =	vadd.f32 v20, v21;
	v14 =	vadd.f32 v14, v14  }
0x14b: {  	v17 =	vadd.f32 v23, v17;
	v25 =	vld [tilespmem:s8+$0x2070];
	v19 =	vtrunc.f32 v19;
	v4 =	vadd.f32 v4, v15  }
0x14c: {  	v15 =	vld [tilespmem:s8+$0xFFFFFF80];
	v19 =	vcvt.f32.s32 v19;
	v3 =	vadd.f32 v14, v3;
	v18 =	vadd.f32 v18, v18  }
0x14d: {  	v17 =	vtrunc.f32 v17;
	v20 =	vadd.f32 v21, v20;
	v23 =	vld [tilespmem:s8+$0xFFFFFF90];
	v2 =	vadd.f32 v2, v24  }
0x14e: {  	v17 =	vcvt.f32.s32 v17;
	v21 =	vld [tilespmem:s8+$0xFFFFFFA0];
	v24 =	vadd.f32 v26, v26;
	v4 =	vadd.f32 v18, v4  }
0x14f: {  	v3 =	vadd.f32 v3, v14;
	v26 =	vld [tilespmem:s8+$0xFFFFFFB0];
	v27 =	vadd.f32 v5, v2;
	v2 =	vtrunc.f32 v20  }
0x150: {  	v14 =	vld [tilespmem:s8+$0xFFFFFFC0];
	v16 =	vadd.f32 v24, v16;
	v20 =	vadd.f32 v25, v25;
	v24 =	vcvt.f32.s32 v2  }
0x151: {  	v3 =	vtrunc.f32 v3;
	v2 =	vadd.f32 v15, v15;
	v15 =	vld [tilespmem:s8+$0xFFFFFFD0];
	v5 =	vadd.f32 v27, v5  }
0x152: {  	v27 =	vcvt.f32.s32 v3;
	v23 =	vadd.f32 v23, v23;
	v25 =	vld [tilespmem:s8+$0xFFFFFFE0];
	v16 =	vadd.f32 v20, v16  }
0x153: {  	v4 =	vadd.f32 v4, v18;
	v21 =	vadd.f32 v21, v21;
	v3 =	vld [tilespmem:s8+$0xFFFFFFF0];
	v5 =	vtrunc.f32 v5  }
0x154: {  	v18 =	vadd.f32 v26, v26;
	v26 =	vld [tilespmem:s8+$0x0];
	v16 =	vadd.f32 v16, v20;
	v5 =	vcvt.f32.s32 v5  }
0x155: {  	v7 =	vperm.xlane v1, v7;
	v4 =	vtrunc.f32 v4;
	v14 =	vadd.f32 v14, v14;
	v20 =	vld [tilespmem:s8+$0x10]  }
0x156: {  	v4 =	vcvt.f32.s32 v4;
	v15 =	vadd.f32 v15, v15;
	v28 =	vld [tilespmem:s8+$0x20];
	v16 =	vtrunc.f32 v16  }
0x157: {  	v5 =	vperm.xlane v1, v5;
	v25 =	vadd.f32 v25, v25;
	v29 =	vld [tilespmem:s8+$0x30];
	v16 =	vcvt.f32.s32 v16;
	[tilespmem:s19+$0xC010] =	vst v7  }
0x158: {  	v6 =	vperm.xlane v1, v6;
	s31 =	sadd.s32 $0x100, s31;
	v7 =	vperm.xlane v1, v8;
	v30 =	vadd.f32 v3, v3;
	v3 =	vld [tilespmem:s8+$0x40]  }
0x159: {  	s10 =	sand.u32 $0x1FF80, s31;
	s9 =	sadd.s32 $0x80, s31;
	v26 =	vadd.f32 v26, v26;
	v8 =	vld [tilespmem:s8+$0x50];
	v16 =	vperm.xlane v1, v16;
	[tilespmem:s19+$0xC000] =	vst v5;
	v5 =	vperm.xlane v1, v9  }
0x15a: {  	s9 =	sand.u32 $0x1FF00, s9;
	v20 =	vadd.f32 v20, v20;
	v9 =	vld [tilespmem:s8+$0x60];
	[tilespmem:s19+$0xC020] =	vst v6;
	v6 =	vperm.xlane v1, v10;
	v10 =	vperm.xlane v1, v11  }
0x15b: {  	v12 =	vperm.xlane v1, v12;
	v13 =	vperm.xlane v1, v13;
	v11 =	vld [tilespmem:s8+$0x1F80];
	v28 =	vadd.f32 v28, v28;
	[tilespmem:s9+$0xC070] =	vst v16  }
0x15c: {  	v19 =	vperm.xlane v1, v19;
	v16 =	vld [tilespmem:s8+$0xFFFFDF90];
	v29 =	vadd.f32 v29, v29;
	[tilespmem:s19+$0xC030] =	vst v7;
	v7 =	vperm.xlane v1, v22  }
0x15d: {  	v17 =	vperm.xlane v1, v17;
	v24 =	vperm.xlane v1, v24;
	v22 =	vld [tilespmem:s8+$0x1F90];
	v31 =	vadd.f32 v3, v3;
	[tilespmem:s19+$0xC040] =	vst v5  }
0x15e: {  	v32 =	vld [tilespmem:s8+$0xFFFFDFA0];
	v3 =	vadd.f32 v8, v8;
	[tilespmem:s19+$0xC050] =	vst v6;
	v6 =	vperm.xlane v1, v27;
	v8 =	vperm.xlane v1, v4  }
0x15f: {  	v27 =	vld [tilespmem:s8+$0x1FA0];
	v4 =	vadd.f32 v9, v9;
	[tilespmem:s19+$0xC060] =	vst v10  }
0x160: {  	v5 =	vadd.f32 v11, v11;
	v9 =	vld [tilespmem:s8+$0xFFFFDFB0];
	[tilespmem:s19+$0xC070] =	vst v12;
	s19 =	smov.u32 s10  }
0x161: {  	v10 =	vadd.f32 v23, v16;
	v11 =	vld [tilespmem:s8+$0x1FB0];
	[tilespmem:s18+$0xC000] =	vst v13  }
0x162: {  	v12 =	vadd.f32 v22, v22;
	v13 =	vld [tilespmem:s8+$0xFFFFDFC0];
	[tilespmem:s18+$0xC010] =	vst v7  }
0x163: {  	v7 =	vadd.f32 v21, v32;
	v16 =	vld [tilespmem:s8+$0x1FC0];
	[tilespmem:s18+$0xC020] =	vst v19  }
0x164: {  	v10 =	vadd.f32 v12, v10;
	v19 =	vadd.f32 v27, v27;
	v21 =	vld [tilespmem:s8+$0xFFFFDFD0];
	[tilespmem:s18+$0xC030] =	vst v17  }
0x165: {  	v9 =	vadd.f32 v18, v9;
	v17 =	vld [tilespmem:s8+$0x1FD0];
	[tilespmem:s18+$0xC040] =	vst v24  }
0x166: {  	v7 =	vadd.f32 v19, v7;
	v11 =	vadd.f32 v11, v11;
	v18 =	vld [tilespmem:s8+$0xFFFFDFE0];
	[tilespmem:s18+$0xC050] =	vst v6  }
0x167: {  	v6 =	vadd.f32 v10, v12;
	v10 =	vadd.f32 v14, v13;
	v12 =	vld [tilespmem:s8+$0x1FE0];
	[tilespmem:s18+$0xC060] =	vst v8;
	s18 =	smov.u32 s9  }
0x168: {  	v8 =	vadd.f32 v11, v9;
	v9 =	vadd.f32 v16, v16;
	v13 =	vld [tilespmem:s8+$0xFFFFDFF0]  }
0x169: {  	v6 =	vtrunc.f32 v6;
	v14 =	vadd.f32 v7, v19;
	v15 =	vadd.f32 v15, v21;
	v16 =	vld [tilespmem:s8+$0x1FF0]  }
0x16a: {  	v7 =	vcvt.f32.s32 v6;
	v10 =	vadd.f32 v9, v10;
	v17 =	vadd.f32 v17, v17;
	v19 =	vld [tilespmem:s8+$0xFFFFE000]  }
0x16b: {  	v6 =	vtrunc.f32 v14;
	v8 =	vadd.f32 v8, v11;
	v11 =	vadd.f32 v25, v18;
	v14 =	vld [tilespmem:s8+$0x2000]  }
0x16c: {  	v6 =	vcvt.f32.s32 v6;
	v15 =	vadd.f32 v17, v15;
	v12 =	vadd.f32 v12, v12;
	v18 =	vld [tilespmem:s8+$0xFFFFE010]  }
0x16d: {  	v8 =	vtrunc.f32 v8;
	v9 =	vadd.f32 v10, v9;
	v10 =	vadd.f32 v30, v13;
	v13 =	vld [tilespmem:s8+$0x2010]  }
0x16e: {  	v8 =	vcvt.f32.s32 v8;
	v11 =	vadd.f32 v12, v11;
	v16 =	vadd.f32 v16, v16;
	v21 =	vld [tilespmem:s8+$0xFFFFE020]  }
0x16f: {  	v9 =	vtrunc.f32 v9;
	v15 =	vadd.f32 v15, v17;
	v17 =	vadd.f32 v26, v19;
	v19 =	vld [tilespmem:s8+$0x2020]  }
0x170: {  	v9 =	vcvt.f32.s32 v9;
	v22 =	vadd.f32 v16, v10;
	v14 =	vadd.f32 v14, v14;
	v23 =	vld [tilespmem:s8+$0xFFFFE030]  }
0x171: {  	v10 =	vtrunc.f32 v15;
	v11 =	vadd.f32 v11, v12;
	v12 =	vadd.f32 v20, v18;
	v15 =	vld [tilespmem:s8+$0x2030]  }
0x172: {  	v10 =	vcvt.f32.s32 v10;
	v17 =	vadd.f32 v14, v17;
	v13 =	vadd.f32 v13, v13;
	v18 =	vld [tilespmem:s8+$0xFFFFE040]  }
0x173: {  	v11 =	vtrunc.f32 v11;
	v20 =	vadd.f32 v22, v16;
	v21 =	vadd.f32 v28, v21;
	v26 =	vld [tilespmem:s8+$0x2040]  }
.Ltmp3:
0x174: {  	v11 =	vcvt.f32.s32 v11;
	v24 =	vadd.f32 v13, v12;
	v19 =	vadd.f32 v19, v19;
	v16 =	vld [tilespmem:s8+$0xFFFFE050];
	(pc) =	sbr.rel @p0 .LBB2_5-.Ltmp3, $4  }
0x175: {  	v12 =	vtrunc.f32 v20;
	v20 =	vadd.f32 v17, v14;
	v23 =	vadd.f32 v29, v23;
	v14 =	vld [tilespmem:s8+$0x2050]  }
0x176: {  	v12 =	vcvt.f32.s32 v12;
	v22 =	vadd.f32 v19, v21;
	v17 =	vadd.f32 v15, v15;
	v15 =	vld [tilespmem:s8+$0xFFFFE060]  }
0x177: {  	v20 =	vtrunc.f32 v20;
	v25 =	vadd.f32 v24, v13;
	v21 =	vadd.f32 v31, v18;
	v18 =	vld [tilespmem:s8+$0x2060]  }
0x178: {  	v13 =	vcvt.f32.s32 v20;
	v24 =	vld [tilespmem:s8+$0xFFFFDF80];
	v23 =	vadd.f32 v17, v23;
	v20 =	vadd.f32 v26, v26;
	s8 =	sadd.s32 $0x100, s8  }
0x179: {  	_ =	sdelay $0x3  }
0x17a: {  	v2 =	vadd.f32 v2, v24;
	_ =	sdelay $0x1  }
0x17b: {  	v2 =	vadd.f32 v5, v2;
	_ =	sdelay $0x1  }
0x17c: {  	v52 =	vtrunc.f32 v25;
	v7 =	vperm.xlane v1, v7;
	v2 =	vadd.f32 v2, v5  }
0x17d: {  	v6 =	vperm.xlane v1, v6;
	v8 =	vperm.xlane v1, v8  }
0x17e: {  	v19 =	vadd.f32 v22, v19;
	v9 =	vperm.xlane v1, v9;
	v2 =	vtrunc.f32 v2  }
0x17f: {  	v3 =	vadd.f32 v3, v16;
	v10 =	vperm.xlane v1, v10;
	v2 =	vcvt.f32.s32 v2  }
0x180: {  	v57 =	vperm.xlane v1, v11;
	v59 =	vperm.xlane v1, v12;
	v53 =	vadd.f32 v20, v21;
	[tilespmem:s19+$0xC010] =	vst v7  }
0x181: {  	v14 =	vadd.f32 v14, v14;
	v17 =	vadd.f32 v23, v17;
	[tilespmem:s19+$0xC020] =	vst v6;
	v2 =	vperm.xlane v1, v2  }
0x182: {  	v60 =	vperm.xlane v1, v13;
	v4 =	vadd.f32 v4, v15;
	[tilespmem:s19+$0xC030] =	vst v8;
	v56 =	vadd.f32 v53, v20  }
0x183: {  	v19 =	vtrunc.f32 v19;
	[tilespmem:s19+$0xC000] =	vst v2;
	v2 =	vadd.f32 v14, v3;
	v3 =	vadd.f32 v18, v18  }
0x184: {  	[tilespmem:s19+$0xC040] =	vst v9;
	v54 =	vcvt.f32.s32 v19;
	v55 =	vtrunc.f32 v17  }
0x185: {  	[tilespmem:s19+$0xC050] =	vst v10;
	v6 =	vcvt.f32.s32 v55;
	v58 =	vtrunc.f32 v56;
	v4 =	vadd.f32 v3, v4  }
0x186: {  	[tilespmem:s19+$0xC060] =	vst v57;
	v62 =	vperm.xlane v1, v54;
	v9 =	vcvt.f32.s32 v58;
	v2 =	vadd.f32 v2, v14  }
0x187: {  	[tilespmem:s19+$0xC070] =	vst v59;
	v6 =	vperm.xlane v1, v6;
	v5 =	vcvt.f32.s32 v52;
	v3 =	vadd.f32 v4, v3  }
0x188: {  	[tilespmem:s18+$0xC000] =	vst v60;
	v63 =	vperm.xlane v1, v9;
	v2 =	vtrunc.f32 v2  }
0x189: {  	[tilespmem:s18+$0xC020] =	vst v62;
	v2 =	vcvt.f32.s32 v2;
	v3 =	vtrunc.f32 v3  }
0x18a: {  	[tilespmem:s18+$0xC030] =	vst v6;
	v61 =	vperm.xlane v1, v5;
	v3 =	vcvt.f32.s32 v3  }
0x18b: {  	[tilespmem:s18+$0xC040] =	vst v63;
	v2 =	vperm.xlane v1, v2  }
0x18c: {  	p0 =	seq.s32 s30, $0x6;
	[tilespmem:s18+$0xC010] =	vst v61;
	v3 =	vperm.xlane v1, v3  }
0x18d: {  	s4 =	sadd.s32 @p0 s1, s14;
	s8 =	simm.s32 @p0 $0x400;
	s9 =	simm.s32 @p0 $0x8000;
	[tilespmem:s18+$0xC050] =	vst v2  }
.Ltmp4:
0x18e: {  	s10 =	simm.s32 @p0 $0x1A000;
	s0 =	sshll.u32 @!p0 s0, $0xF;
	[tilespmem:s18+$0xC060] =	vst v3;
	(pc) =	sbr.rel @p1 .LBB2_8-.Ltmp4, $4  }
0x18f: {  	[hbm4b:s4+s8] =	stream.strided.scatter @p0 [tilespmem:s10], [sflag:$0x3], $0x2400, s9, s8, $0x38;
	[tilespmem:$0x1C400] =	vst v63  }
0x190: {  	s4 =	sshrl.u32 @!p0 s0, $0x2;
	s0 =	sadd.s32 @!p0 s0, s13;
	s8 =	simm.s32 @!p0 $0x8000  }
0x191: {  	s4 =	sadd.s32 @!p0 $0xC000, s4;
	s0 =	sadd.s32 @!p0 s1, s0;
	s1 =	simm.s32 @!p0 $0x400  }
0x192: {  	[hbm4b:s0+s1] =	stream.strided.scatter @!p0 [tilespmem:s4], [sflag:$0x3], $0x2000, s8, s1, $0x38;
	[tilespmem:$0x1C400] =	vst v63  }
0x193: {  	s0 =	sadd.s32 $0x3, s29  }
0x194: {  	s1 =	sshrl.u32 s0, $0x3  }
0x195: {  	s1 =	sadd.s32 s5, s1  }
0x196: {  	s4 =	sshrl.u32 s1, $0x2  }
0x197: {  	s0 =	sand.u32 $0x7, s0;
	s4 =	sand.u32 $0x3FF8, s4  }
0x198: {  	s1 =	sshll.u32 s1, $0xA;
	s0 =	sor.u32 s0, s4  }
0x199: {  	s1 =	sand.u32 $0x7C00, s1;
	s0 =	sshll.u32 s0, $0x12  }
0x19a: {  	s0 =	sor.u32 s1, s0  }
0x19b: {  	s1 =	sshrl.u32 s0, $0x3  }
0x19c: {  	s31 =	sadd.s32 $0x1000000, s0;
	s1 =	sadd.s32 s2, s1  }
0x19d: {  	[tilespmem:s20], [sflag:$0x2] =	stream.strided.gather [hbm4b:s1+s16], $0x2000, s17, s16, $0x38;
	[tilespmem:$0x1C400] =	vst v63  }
.Ltmp5:
0x19e: {  	s0 =	sadd.s32 $0x2000000, s0;
	s1 =	sshrl.u32 s31, $0x3;
	(pc) =	sbr.rel .LBB2_2-.Ltmp5, $4  }
0x19f: {  	s0 =	sshrl.u32 s0, $0x3;
	s1 =	sadd.s32 s2, s1  }
0x1a0: {  	[tilespmem:s17], [sflag:$0x2] =	stream.strided.gather [hbm4b:s1+s16], $0x2000, s17, s16, $0x38;
	[tilespmem:$0x1C400] =	vst v63  }
0x1a1: {  	s28 =	sadd.s32 $0x1, s28;
	s26 =	sadd.s32 $0x1, s26;
	s0 =	sadd.s32 s2, s0  }
0x1a2: {  	[tilespmem:s21], [sflag:$0x2] =	stream.strided.gather [hbm4b:s0+s16], $0x2000, s17, s16, $0x38;
	[tilespmem:$0x1C400] =	vst v63  }
.LBB2_9:
0x1a3: {  	_ =	sfence.sel $0x180000  }
0x1a4: {  	[bflag:$0x0] =	sbarrier.arrive $0xFFFF  }
0x1a5: {  	_ =	strace $0x90000047  }
0x1a6: {  	s0 =	stileid.u32;
	[bflag:$0x2] =	sbarrier.arrive $0xFFFF  }
0x1a7: {  	p0 =	sne.s32 s0, $0x0;
	s0 =	rddreg [dreg:$0x2]  }
0x1a8: {  	s0 =	sadd.s32 @!p0 $0x100000, s0  }
0x1a9: {  	[sflag:s0] =	ssyncadd.tile.s32 @!p0 $0x1;
	_ =	shalt  }
.Lfunc_end2:
_tile_overlayer_lowered:
.L_overlay_start_2:
0x1aa: {  	(tag) =	ssettag $0x2  }
0x1ab: {  	s0 =	rddreg [dreg:$0x0];
	s2 =	stileid.u32  }
0x1ac: {  	s1 =	rddreg [dreg:$0x1];
	p0 =	sne.s32 s2, $0x0  }
0x1ad: {  	s3 =	rddreg [dreg:$0x2];
	[bflag:$0x3] =	sbarrier.arrive $0xFFFF;
	s2 =	simm.s32 @!p0 $0x1C04  }
0x1ae: {  	[timem:s3], [sflag:s2] =	dma.local @!p0 [hbm:s0], s1  }
0x1af: {  	s0 =	simm.s32 @!p0 $0x4  }
0x1b0: {  	_ =	swait.ge @!p0 [sflag:s0], s1  }
0x1b1: {  	s1 =	ssub.s32 @!p0 $0x0, s1;
	[sflag:s0] =	ssyncset.done @!p0 $0x0  }
0x1b2: {  	[sflag:s0] =	ssyncadd.s32 @!p0 s1  }
0x1b3: {  	[bflag:$0x3] =	sbarrier.arrive $0xFFFF  }
0x1b4: {  	_ =	shalt  }

</sc_bundles>
